<compile_context>
chip_gen: v7x
topology: tpu7x:2x2x1
jax: 0.10.2.dev20260603
libtpu: 0.0.44.dev20260713+nightly
codegen_flags: <defaults>
</compile_context>

<pallas_src>
import jax
import jax.numpy as jnp
from jax import lax
from jax.experimental import pallas as pl
from jax.experimental.pallas import tpu as pltpu
from jax.experimental.pallas import tpu_sc as plsc

N = 10000
E = 320000
D = 128
R = 8

NC = 2
NS = 16
NW = NC * NS
CPW = (N * R) // NS

CHC = 125
NCH_C = (E // NW) // CHC
SB = 8

CHE = 125
NCH_E = (E // NW) // CHE


def _sc_counts_body(comb_hbm, zeros_hbm, out0_hbm, out1_hbm, comb_buf,
                    ones_v, counts_sp):
    cid = lax.axis_index("c")
    sid = lax.axis_index("s")
    wid = sid * NC + cid

    FC = (N * R) // 5

    @pl.when(sid < 5)
    def _():
        pltpu.sync_copy(zeros_hbm, counts_sp.at[pl.ds(sid * FC, FC)])

    ov = jnp.ones((16,), jnp.float32)
    for j in range(128 // 16):
        ones_v[pl.ds(j * 16, 16)] = ov
    plsc.subcore_barrier()

    def superchunk(g, _):
        pltpu.sync_copy(comb_hbm.at[wid, pl.ds(g * SB, SB)], comb_buf)

        def body(k, _):
            pltpu.sync_copy(ones_v.at[pl.ds(0, CHC)],
                            counts_sp.at[comb_buf.at[k]], add=True)
            return 0

        lax.fori_loop(0, SB, body, 0)
        return 0

    lax.fori_loop(0, NCH_C // SB, superchunk, 0)
    plsc.subcore_barrier()

    @pl.when(jnp.logical_and(cid == 0, sid < 5))
    def _():
        pltpu.sync_copy(counts_sp.at[pl.ds(sid * FC, FC)],
                        out0_hbm.at[pl.ds(sid * FC, FC)])

    @pl.when(jnp.logical_and(cid == 1, sid < 5))
    def _():
        pltpu.sync_copy(counts_sp.at[pl.ds(sid * FC, FC)],
                        out1_hbm.at[pl.ds(sid * FC, FC)])


def _sc_edges_body(t_hbm, norm_hbm, gidx_hbm, comb_hbm, dst_hbm, zeros_hbm,
                   out0_hbm, out1_hbm, gidx_buf, comb_buf, dst_buf, rows_v0,
                   rows_v1, w_v0, w_v1, agg_sp, semr0, semr1, semw0, semw1,
                   sems0, sems1):
    cid = lax.axis_index("c")
    sid = lax.axis_index("s")
    wid = sid * NC + cid

    @pl.when(sid < 10)
    def _():
        pltpu.sync_copy(zeros_hbm, agg_sp.at[pl.ds(sid * 1000, 1000)])

    plsc.subcore_barrier()

    rows = [rows_v0, rows_v1]
    wv = [w_v0, w_v1]
    semr = [semr0, semr1]
    semw = [semw0, semw1]
    sems = [sems0, sems1]

    def superchunk(g, _):
        pltpu.sync_copy(gidx_hbm.at[wid, pl.ds(g * SB, SB)], gidx_buf)
        pltpu.sync_copy(comb_hbm.at[wid, pl.ds(g * SB, SB)], comb_buf)
        pltpu.sync_copy(dst_hbm.at[wid, pl.ds(g * SB, SB)], dst_buf)

        pend_r = pltpu.async_copy(t_hbm.at[gidx_buf.at[0]], rows[0], semr[0])
        pend_w = pltpu.async_copy(norm_hbm.at[comb_buf.at[0]], wv[0], semw[0])
        pend_s = [None, None]
        for k in range(SB):
            b = k % 2
            nb = (k + 1) % 2
            if k + 1 < SB:
                if pend_s[nb] is not None:
                    pend_s[nb].wait()
                    pend_s[nb] = None
                nxt_r = pltpu.async_copy(t_hbm.at[gidx_buf.at[k + 1]],
                                         rows[nb], semr[nb])
                nxt_w = pltpu.async_copy(norm_hbm.at[comb_buf.at[k + 1]],
                                         wv[nb], semw[nb])
            pend_w.wait()
            pend_r.wait()
            rb = rows[b]
            wb_v = wv[b]

            def scale(i, _):
                wb = plsc.load_gather(wb_v, [jnp.full((16,), i, jnp.int32)])
                for j in range(D // 16):
                    rb[i, pl.ds(j * 16, 16)] = rb[i, pl.ds(j * 16, 16)] * wb
                return 0

            lax.fori_loop(0, CHE, scale, 0)
            pend_s[b] = pltpu.async_copy(rb, agg_sp.at[dst_buf.at[k]],
                                         sems[b], add=True)
            if k + 1 < SB:
                pend_r, pend_w = nxt_r, nxt_w
        for bb in range(2):
            if pend_s[bb] is not None:
                pend_s[bb].wait()
        return 0

    lax.fori_loop(0, NCH_E // SB, superchunk, 0)
    plsc.subcore_barrier()

    @pl.when(jnp.logical_and(cid == 0, sid < 10))
    def _():
        pltpu.sync_copy(agg_sp.at[pl.ds(sid * 1000, 1000)],
                        out0_hbm.at[pl.ds(sid * 1000, 1000)])

    @pl.when(jnp.logical_and(cid == 1, sid < 10))
    def _():
        pltpu.sync_copy(agg_sp.at[pl.ds(sid * 1000, 1000)],
                        out1_hbm.at[pl.ds(sid * 1000, 1000)])


def _sc_counts(comb2, zeros_c):
    mesh = plsc.VectorSubcoreMesh(core_axis_name="c", subcore_axis_name="s")
    return pl.kernel(
        _sc_counts_body,
        out_type=[jax.ShapeDtypeStruct((N * R,), jnp.float32),
                  jax.ShapeDtypeStruct((N * R,), jnp.float32)],
        mesh=mesh,
        compiler_params=pltpu.CompilerParams(needs_layout_passes=False),
        scratch_types=[
            pltpu.VMEM((SB, CHC), jnp.int32),
            pltpu.VMEM((128,), jnp.float32),
            pltpu.VMEM_SHARED((N * R,), jnp.float32),
        ],
    )(comb2, zeros_c)


def _sc_edges(t, norm, gidx3, comb3, dst3, zeros_e):
    mesh = plsc.VectorSubcoreMesh(core_axis_name="c", subcore_axis_name="s")
    return pl.kernel(
        _sc_edges_body,
        out_type=[jax.ShapeDtypeStruct((N, D), jnp.float32),
                  jax.ShapeDtypeStruct((N, D), jnp.float32)],
        mesh=mesh,
        compiler_params=pltpu.CompilerParams(needs_layout_passes=False),
        scratch_types=[
            pltpu.VMEM((SB, CHE), jnp.int32),
            pltpu.VMEM((SB, CHE), jnp.int32),
            pltpu.VMEM((SB, CHE), jnp.int32),
            pltpu.VMEM((CHE, D), jnp.float32),
            pltpu.VMEM((CHE, D), jnp.float32),
            pltpu.VMEM((CHE,), jnp.float32),
            pltpu.VMEM((CHE,), jnp.float32),
            pltpu.VMEM_SHARED((N, D), jnp.float32),
            pltpu.SemaphoreType.DMA,
            pltpu.SemaphoreType.DMA,
            pltpu.SemaphoreType.DMA,
            pltpu.SemaphoreType.DMA,
            pltpu.SemaphoreType.DMA,
            pltpu.SemaphoreType.DMA,
        ],
    )(t, norm, gidx3, comb3, dst3, zeros_e)


NB = 25
BN = N // NB
CB = (N * R) // NB


def _tc_pre_body(x_ref, wrel_ref, wroot_ref, counts_ref, t_ref, xroot_ref,
                 norm_ref):
    r = pl.program_id(1)
    t_ref[...] = jnp.dot(x_ref[...], wrel_ref[0],
                         preferred_element_type=jnp.float32)

    @pl.when(r == 0)
    def _():
        xroot_ref[...] = jnp.dot(x_ref[...], wroot_ref[...],
                                 preferred_element_type=jnp.float32)
        c = counts_ref[0] + counts_ref[1]
        norm_ref[...] = (1.0 / jnp.maximum(c, 1.0)).reshape(1, 1, CB)


def _tc_pre(x, w_rel, w_root, counts):
    return pl.pallas_call(
        _tc_pre_body,
        grid=(NB, R),
        in_specs=[
            pl.BlockSpec((BN, D), lambda i, r: (i, 0)),
            pl.BlockSpec((1, D, D), lambda i, r: (r, 0, 0)),
            pl.BlockSpec((D, D), lambda i, r: (0, 0)),
            pl.BlockSpec((NC, CB), lambda i, r: (0, i)),
        ],
        out_specs=[
            pl.BlockSpec((BN, D), lambda i, r: (r * NB + i, 0)),
            pl.BlockSpec((BN, D), lambda i, r: (i, 0)),
            pl.BlockSpec((1, 1, CB), lambda i, r: (i, 0, 0)),
        ],
        out_shape=[
            jax.ShapeDtypeStruct((R * N, D), jnp.float32),
            jax.ShapeDtypeStruct((N, D), jnp.float32),
            jax.ShapeDtypeStruct((NB, 1, CB), jnp.float32),
        ],
    )(x, w_rel, w_root, counts)


def _tc_post_body(agg0_ref, agg1_ref, xroot_ref, x_ref, b_ref, wau_ref,
                  wax_ref, batt_ref, out_ref):
    u0 = agg0_ref[...] + agg1_ref[...] + xroot_ref[...] + b_ref[...]
    x = x_ref[...]
    s = (jnp.sum(u0 * wau_ref[...], axis=1, keepdims=True)
         + jnp.sum(x * wax_ref[...], axis=1, keepdims=True) + batt_ref[0, 0])
    a1 = jax.nn.sigmoid(s)
    out_ref[...] = jnp.tanh(u0) * a1 + x * (1.0 - a1)


def _tc_post(agg0, agg1, xroot, x, b, wau, wax, batt):
    return pl.pallas_call(
        _tc_post_body,
        grid=(NB,),
        in_specs=[
            pl.BlockSpec((BN, D), lambda i: (i, 0)),
            pl.BlockSpec((BN, D), lambda i: (i, 0)),
            pl.BlockSpec((BN, D), lambda i: (i, 0)),
            pl.BlockSpec((BN, D), lambda i: (i, 0)),
            pl.BlockSpec((1, D), lambda i: (0, 0)),
            pl.BlockSpec((1, D), lambda i: (0, 0)),
            pl.BlockSpec((1, D), lambda i: (0, 0)),
            pl.BlockSpec((1, 1), lambda i: (0, 0)),
        ],
        out_specs=pl.BlockSpec((BN, D), lambda i: (i, 0)),
        out_shape=jax.ShapeDtypeStruct((N, D), jnp.float32),
    )(agg0, agg1, xroot, x, b, wau, wax, batt)


def kernel(node_features, edge_index, edge_type, W_rel, W_root, b, W_att, b_att):
    src = edge_index[0]
    dst = edge_index[1]
    gidx = edge_type * N + src
    comb = dst * R + edge_type

    comb2 = comb.reshape(NW, NCH_C, CHC)
    gidx3 = gidx.reshape(NW, NCH_E, CHE)
    comb3 = comb.reshape(NW, NCH_E, CHE)
    dst3 = dst.reshape(NW, NCH_E, CHE)
    zeros_c = jnp.zeros(((N * R) // 5,), jnp.float32)
    zeros_e = jnp.zeros((1000, D), jnp.float32)

    c0, c1 = _sc_counts(comb2, zeros_c)
    counts = jnp.stack([c0, c1])
    t, xroot, norm2 = _tc_pre(node_features, W_rel, W_root, counts)
    norm = norm2.reshape(N * R)
    agg0, agg1 = _sc_edges(t, norm, gidx3, comb3, dst3, zeros_e)

    wau = W_att[:, :D]
    wax = W_att[:, D:]
    batt = b_att.reshape(1, 1)
    return _tc_post(agg0, agg1, xroot, node_features, b.reshape(1, D), wau,
                    wax, batt)

# --- scband reference (transcript-rebuilt; emitter-appended) ---
"""Pipeline reference for scband-gated-rgcn-24567212933530 (READ-ONLY COPY).

The authoritative reference and input builder live on the scoring server;
editing this copy changes nothing except your own understanding.
"""

import jax, jax.numpy as jnp
import numpy as np

N = 10000
E = 320000
D = 128
R = 8


def setup_inputs(seed: int = 0) -> dict:
    key = jax.random.key(seed)
    k1, k2, k3, k4, k5, k6 = jax.random.split(key, 6)
    node_features = jax.random.normal(k1, (N, D), dtype=jnp.float32)
    edge_index = jax.random.randint(k2, (2, E), 0, N, dtype=jnp.int32)
    edge_type = jax.random.randint(k3, (E,), 0, R, dtype=jnp.int32)
    # RGCNConv parameters (in=out=D, R relations) with glorot-style init
    W_rel = jax.random.normal(k4, (R, D, D), dtype=jnp.float32) * (1.0 / np.sqrt(D))
    W_root = jax.random.normal(k5, (D, D), dtype=jnp.float32) * (1.0 / np.sqrt(D))
    b = jnp.zeros((D,), dtype=jnp.float32)
    # attention layer: Linear(2*D -> 1), xavier_uniform with sigmoid gain (=1)
    limit = np.sqrt(6.0 / (2 * D + 1))
    W_att = jax.random.uniform(k6, (1, 2 * D), dtype=jnp.float32, minval=-limit, maxval=limit)
    b_att = jnp.zeros((1,), dtype=jnp.float32)
    return {"node_features": node_features, "edge_index": edge_index, "edge_type": edge_type,
            "W_rel": W_rel, "W_root": W_root, "b": b, "W_att": W_att, "b_att": b_att}


def reference(node_features, edge_index, edge_type, W_rel, W_root, b, W_att, b_att):
    src = edge_index[0]
    dst = edge_index[1]
    # RGCNConv: per-relation transform, mean aggregation per (dst, relation)
    transformed = jnp.einsum('nd,rdf->rnf', node_features, W_rel)  # [R, N, D]
    msg = transformed[edge_type, src]  # [E, D] gather
    comb = dst * R + edge_type
    counts = jax.ops.segment_sum(jnp.ones((E,), dtype=jnp.float32), comb, num_segments=N * R)
    norm = 1.0 / jnp.maximum(counts, 1.0)
    msg = msg * norm[comb][:, None]
    agg = jax.ops.segment_sum(msg, dst, num_segments=N)  # [N, D] scatter-add
    u0 = agg + node_features @ W_root + b
    # gated update
    cat = jnp.concatenate([u0, node_features], axis=1)
    a1 = jax.nn.sigmoid(cat @ W_att.T + b_att)
    h1 = jnp.tanh(u0) * a1 + node_features * (1.0 - a1)
    return h1

if __name__ == "__main__":
    import jax
    _d = setup_inputs()
    print(jax.jit(kernel)(*tuple(_d.values())))

</pallas_src>

<mosaic_0001>
#map = affine_map<(d0, d1) -> (0, 0)>
#map1 = affine_map<(d0, d1) -> (0)>
#map2 = affine_map<(d0, d1) -> (0, 0, 0)>
module attributes {stable_mosaic.version = 14 : i64} {
  func.func @_sc_edges_body(%arg0: i32, %arg1: i32, %arg2: memref<80000x128xf32, #tpu.memory_space<hbm>>, %arg3: memref<80000xf32, #tpu.memory_space<hbm>>, %arg4: memref<32x80x125xi32, #tpu.memory_space<hbm>>, %arg5: memref<32x80x125xi32, #tpu.memory_space<hbm>>, %arg6: memref<32x80x125xi32, #tpu.memory_space<hbm>>, %arg7: memref<1000x128xf32, #tpu.memory_space<hbm>>, %arg8: memref<10000x128xf32, #tpu.memory_space<hbm>>, %arg9: memref<10000x128xf32, #tpu.memory_space<hbm>>, %arg10: memref<8x125xi32, #tpu.memory_space<vmem>>, %arg11: memref<8x125xi32, #tpu.memory_space<vmem>>, %arg12: memref<8x125xi32, #tpu.memory_space<vmem>>, %arg13: memref<125x128xf32, #tpu.memory_space<vmem>>, %arg14: memref<125x128xf32, #tpu.memory_space<vmem>>, %arg15: memref<125xf32, #tpu.memory_space<vmem>>, %arg16: memref<125xf32, #tpu.memory_space<vmem>>, %arg17: memref<10000x128xf32, #tpu.memory_space<vmem_shared>>, %arg18: memref<!tpu.dma_semaphore, #tpu.memory_space<semaphore_mem>>, %arg19: memref<!tpu.dma_semaphore, #tpu.memory_space<semaphore_mem>>, %arg20: memref<!tpu.dma_semaphore, #tpu.memory_space<semaphore_mem>>, %arg21: memref<!tpu.dma_semaphore, #tpu.memory_space<semaphore_mem>>, %arg22: memref<!tpu.dma_semaphore, #tpu.memory_space<semaphore_mem>>, %arg23: memref<!tpu.dma_semaphore, #tpu.memory_space<semaphore_mem>>) attributes {dimension_semantics = [#tpu.dimension_semantics<core_parallel>, #tpu.dimension_semantics<subcore_parallel>], iteration_bounds = array<i64: 2, 16>, scalar_prefetch = 0 : i64, scratch_operands = 14 : i64, tpu.core_type = #tpu.core_type<sc_vector_subcore>, window_params = [{transform_indices = #map}, {transform_indices = #map1}, {transform_indices = #map2}, {transform_indices = #map2}, {transform_indices = #map2}, {transform_indices = #map}, {transform_indices = #map}, {transform_indices = #map}]} {
    %mul3A = arith.constant 2 : i32
    %mul3A_0 = arith.muli %arg1, %mul3A : i32
    %add3A = arith.addi %mul3A_0, %arg0 : i32
    %lt3A = arith.constant 10 : i32
    %lt3A_1 = arith.cmpi slt, %arg1, %lt3A : i32
    %convert_element_type3A = arith.extui %lt3A_1 : i1 to i32
    %cond3A = arith.constant 0 : i32
    %cond3A_2 = arith.cmpi ne, %convert_element_type3A, %cond3A : i32
    scf.if %cond3A_2 {
      %mul3A_24 = arith.constant 1000 : i32
      %mul3A_25 = arith.muli %arg1, %mul3A_24 : i32
      "tpu.region"() ({
        %run_scoped3A = tpu.sem_alloc : memref<!tpu.dma_semaphore, #tpu.memory_space<semaphore_mem>>
        %dma_start3A = arith.constant 0 : i32
        %dma_start3A_26 = tpu.memref_slice %arg17[%mul3A_25, %dma_start3A] : memref<10000x128xf32, #tpu.memory_space<vmem_shared>> -> memref<1000x128xf32, #tpu.memory_space<vmem_shared>>
        tpu.enqueue_dma source(%arg7 : memref<1000x128xf32, #tpu.memory_space<hbm>>) target(%dma_start3A_26 : memref<1000x128xf32, #tpu.memory_space<vmem_shared>>) target_semaphore(%run_scoped3A : memref<!tpu.dma_semaphore, #tpu.memory_space<semaphore_mem>>)
        %dma_wait3A = arith.constant 0 : i32
        %dma_wait3A_27 = tpu.memref_slice %arg17[%mul3A_25, %dma_wait3A] : memref<10000x128xf32, #tpu.memory_space<vmem_shared>> -> memref<1000x128xf32, #tpu.memory_space<vmem_shared>>
        tpu.wait_dma2 semaphore(%run_scoped3A : memref<!tpu.dma_semaphore, #tpu.memory_space<semaphore_mem>>) src(%arg7 : memref<1000x128xf32, #tpu.memory_space<hbm>>) dst(%dma_wait3A_27 : memref<1000x128xf32, #tpu.memory_space<vmem_shared>>)
        tpu.yield
      }) : () -> ()
    } else {
    }
    %barrier3A = arith.constant 0 : index
    tpu.barrier barrier_id(%barrier3A)
    %scan3A = arith.constant 0 : i32
    %scan3A_3 = arith.constant 0 : i32
    %scan3A_4 = arith.constant 10 : i32
    %scan3A_5 = arith.addi %scan3A_3, %scan3A_4 : i32
    %scan3A_6 = arith.constant 1 : i32
    %scan3A_7 = scf.for %scan3A_24 = %scan3A_3 to %scan3A_5 step %scan3A_6 iter_args(%scan3A_25 = %scan3A) -> (i32)  : i32 {
      %mul3A_26 = arith.constant 8 : i32
      %mul3A_27 = arith.muli %scan3A_24, %mul3A_26 : i32
      "tpu.region"() ({
        %run_scoped3A = tpu.sem_alloc : memref<!tpu.dma_semaphore, #tpu.memory_space<semaphore_mem>>
        %dma_start3A_407 = arith.constant 0 : i32
        %dma_start3A_408 = tpu.memref_slice %arg4[%add3A, %mul3A_27, %dma_start3A_407] : memref<32x80x125xi32, #tpu.memory_space<hbm>> -> memref<1x8x125xi32, #tpu.memory_space<hbm>>
        %dma_start3A_409 = tpu.memref_squeeze %dma_start3A_408 : memref<1x8x125xi32, #tpu.memory_space<hbm>> -> memref<8x125xi32, #tpu.memory_space<hbm>>
        %dma_start3A_410 = arith.constant 0 : i32
        %dma_start3A_411 = tpu.memref_slice %arg4[%add3A, %mul3A_27, %dma_start3A_410] : memref<32x80x125xi32, #tpu.memory_space<hbm>> -> memref<1x8x125xi32, #tpu.memory_space<hbm>>
        %dma_start3A_412 = tpu.memref_squeeze %dma_start3A_411 : memref<1x8x125xi32, #tpu.memory_space<hbm>> -> memref<8x125xi32, #tpu.memory_space<hbm>>
        tpu.enqueue_dma source(%dma_start3A_412 : memref<8x125xi32, #tpu.memory_space<hbm>>) target(%arg10 : memref<8x125xi32, #tpu.memory_space<vmem>>) target_semaphore(%run_scoped3A : memref<!tpu.dma_semaphore, #tpu.memory_space<semaphore_mem>>)
        %dma_wait3A_413 = arith.constant 0 : i32
        %dma_wait3A_414 = tpu.memref_slice %arg4[%add3A, %mul3A_27, %dma_wait3A_413] : memref<32x80x125xi32, #tpu.memory_space<hbm>> -> memref<1x8x125xi32, #tpu.memory_space<hbm>>
        %dma_wait3A_415 = tpu.memref_squeeze %dma_wait3A_414 : memref<1x8x125xi32, #tpu.memory_space<hbm>> -> memref<8x125xi32, #tpu.memory_space<hbm>>
        %dma_wait3A_416 = arith.constant 0 : i32
        %dma_wait3A_417 = tpu.memref_slice %arg4[%add3A, %mul3A_27, %dma_wait3A_416] : memref<32x80x125xi32, #tpu.memory_space<hbm>> -> memref<1x8x125xi32, #tpu.memory_space<hbm>>
        %dma_wait3A_418 = tpu.memref_squeeze %dma_wait3A_417 : memref<1x8x125xi32, #tpu.memory_space<hbm>> -> memref<8x125xi32, #tpu.memory_space<hbm>>
        tpu.wait_dma2 semaphore(%run_scoped3A : memref<!tpu.dma_semaphore, #tpu.memory_space<semaphore_mem>>) src(%dma_wait3A_418 : memref<8x125xi32, #tpu.memory_space<hbm>>) dst(%arg10 : memref<8x125xi32, #tpu.memory_space<vmem>>)
        tpu.yield
      }) : () -> ()
      %mul3A_28 = arith.constant 8 : i32
      %mul3A_29 = arith.muli %scan3A_24, %mul3A_28 : i32
      "tpu.region"() ({
        %run_scoped3A = tpu.sem_alloc : memref<!tpu.dma_semaphore, #tpu.memory_space<semaphore_mem>>
        %dma_start3A_407 = arith.constant 0 : i32
        %dma_start3A_408 = tpu.memref_slice %arg5[%add3A, %mul3A_29, %dma_start3A_407] : memref<32x80x125xi32, #tpu.memory_space<hbm>> -> memref<1x8x125xi32, #tpu.memory_space<hbm>>
        %dma_start3A_409 = tpu.memref_squeeze %dma_start3A_408 : memref<1x8x125xi32, #tpu.memory_space<hbm>> -> memref<8x125xi32, #tpu.memory_space<hbm>>
        %dma_start3A_410 = arith.constant 0 : i32
        %dma_start3A_411 = tpu.memref_slice %arg5[%add3A, %mul3A_29, %dma_start3A_410] : memref<32x80x125xi32, #tpu.memory_space<hbm>> -> memref<1x8x125xi32, #tpu.memory_space<hbm>>
        %dma_start3A_412 = tpu.memref_squeeze %dma_start3A_411 : memref<1x8x125xi32, #tpu.memory_space<hbm>> -> memref<8x125xi32, #tpu.memory_space<hbm>>
        tpu.enqueue_dma source(%dma_start3A_412 : memref<8x125xi32, #tpu.memory_space<hbm>>) target(%arg11 : memref<8x125xi32, #tpu.memory_space<vmem>>) target_semaphore(%run_scoped3A : memref<!tpu.dma_semaphore, #tpu.memory_space<semaphore_mem>>)
        %dma_wait3A_413 = arith.constant 0 : i32
        %dma_wait3A_414 = tpu.memref_slice %arg5[%add3A, %mul3A_29, %dma_wait3A_413] : memref<32x80x125xi32, #tpu.memory_space<hbm>> -> memref<1x8x125xi32, #tpu.memory_space<hbm>>
        %dma_wait3A_415 = tpu.memref_squeeze %dma_wait3A_414 : memref<1x8x125xi32, #tpu.memory_space<hbm>> -> memref<8x125xi32, #tpu.memory_space<hbm>>
        %dma_wait3A_416 = arith.constant 0 : i32
        %dma_wait3A_417 = tpu.memref_slice %arg5[%add3A, %mul3A_29, %dma_wait3A_416] : memref<32x80x125xi32, #tpu.memory_space<hbm>> -> memref<1x8x125xi32, #tpu.memory_space<hbm>>
        %dma_wait3A_418 = tpu.memref_squeeze %dma_wait3A_417 : memref<1x8x125xi32, #tpu.memory_space<hbm>> -> memref<8x125xi32, #tpu.memory_space<hbm>>
        tpu.wait_dma2 semaphore(%run_scoped3A : memref<!tpu.dma_semaphore, #tpu.memory_space<semaphore_mem>>) src(%dma_wait3A_418 : memref<8x125xi32, #tpu.memory_space<hbm>>) dst(%arg11 : memref<8x125xi32, #tpu.memory_space<vmem>>)
        tpu.yield
      }) : () -> ()
      %mul3A_30 = arith.constant 8 : i32
      %mul3A_31 = arith.muli %scan3A_24, %mul3A_30 : i32
      "tpu.region"() ({
        %run_scoped3A = tpu.sem_alloc : memref<!tpu.dma_semaphore, #tpu.memory_space<semaphore_mem>>
        %dma_start3A_407 = arith.constant 0 : i32
        %dma_start3A_408 = tpu.memref_slice %arg6[%add3A, %mul3A_31, %dma_start3A_407] : memref<32x80x125xi32, #tpu.memory_space<hbm>> -> memref<1x8x125xi32, #tpu.memory_space<hbm>>
        %dma_start3A_409 = tpu.memref_squeeze %dma_start3A_408 : memref<1x8x125xi32, #tpu.memory_space<hbm>> -> memref<8x125xi32, #tpu.memory_space<hbm>>
        %dma_start3A_410 = arith.constant 0 : i32
        %dma_start3A_411 = tpu.memref_slice %arg6[%add3A, %mul3A_31, %dma_start3A_410] : memref<32x80x125xi32, #tpu.memory_space<hbm>> -> memref<1x8x125xi32, #tpu.memory_space<hbm>>
        %dma_start3A_412 = tpu.memref_squeeze %dma_start3A_411 : memref<1x8x125xi32, #tpu.memory_space<hbm>> -> memref<8x125xi32, #tpu.memory_space<hbm>>
        tpu.enqueue_dma source(%dma_start3A_412 : memref<8x125xi32, #tpu.memory_space<hbm>>) target(%arg12 : memref<8x125xi32, #tpu.memory_space<vmem>>) target_semaphore(%run_scoped3A : memref<!tpu.dma_semaphore, #tpu.memory_space<semaphore_mem>>)
        %dma_wait3A_413 = arith.constant 0 : i32
        %dma_wait3A_414 = tpu.memref_slice %arg6[%add3A, %mul3A_31, %dma_wait3A_413] : memref<32x80x125xi32, #tpu.memory_space<hbm>> -> memref<1x8x125xi32, #tpu.memory_space<hbm>>
        %dma_wait3A_415 = tpu.memref_squeeze %dma_wait3A_414 : memref<1x8x125xi32, #tpu.memory_space<hbm>> -> memref<8x125xi32, #tpu.memory_space<hbm>>
        %dma_wait3A_416 = arith.constant 0 : i32
        %dma_wait3A_417 = tpu.memref_slice %arg6[%add3A, %mul3A_31, %dma_wait3A_416] : memref<32x80x125xi32, #tpu.memory_space<hbm>> -> memref<1x8x125xi32, #tpu.memory_space<hbm>>
        %dma_wait3A_418 = tpu.memref_squeeze %dma_wait3A_417 : memref<1x8x125xi32, #tpu.memory_space<hbm>> -> memref<8x125xi32, #tpu.memory_space<hbm>>
        tpu.wait_dma2 semaphore(%run_scoped3A : memref<!tpu.dma_semaphore, #tpu.memory_space<semaphore_mem>>) src(%dma_wait3A_418 : memref<8x125xi32, #tpu.memory_space<hbm>>) dst(%arg12 : memref<8x125xi32, #tpu.memory_space<vmem>>)
        tpu.yield
      }) : () -> ()
      %dma_start3A = arith.constant 0 : i32
      %dma_start3A_32 = arith.constant 0 : i32
      %dma_start3A_33 = tpu.memref_slice %arg10[%dma_start3A, %dma_start3A_32] : memref<8x125xi32, #tpu.memory_space<vmem>> -> memref<1x125xi32, #tpu.memory_space<vmem>>
      %dma_start3A_34 = tpu.memref_squeeze %dma_start3A_33 : memref<1x125xi32, #tpu.memory_space<vmem>> -> memref<125xi32, #tpu.memory_space<vmem>>
      %dma_start3A_35 = arith.constant 0 : i32
      %dma_start3A_36 = arith.constant 0 : i32
      %dma_start3A_37 = tpu.memref_slice %arg2[%dma_start3A_35, %dma_start3A_36] : memref<80000x128xf32, #tpu.memory_space<hbm>> -> memref<80000x128xf32, #tpu.memory_space<hbm>>
      tpu.enqueue_indirect_dma source(%dma_start3A_37 : memref<80000x128xf32, #tpu.memory_space<hbm>>) target(%arg13 : memref<125x128xf32, #tpu.memory_space<vmem>>) offsets(%dma_start3A_34 : memref<125xi32, #tpu.memory_space<vmem>>) semaphore(%arg18 : memref<!tpu.dma_semaphore, #tpu.memory_space<semaphore_mem>>)
      %dma_start3A_38 = arith.constant 0 : i32
      %dma_start3A_39 = arith.constant 0 : i32
      %dma_start3A_40 = tpu.memref_slice %arg11[%dma_start3A_38, %dma_start3A_39] : memref<8x125xi32, #tpu.memory_space<vmem>> -> memref<1x125xi32, #tpu.memory_space<vmem>>
      %dma_start3A_41 = tpu.memref_squeeze %dma_start3A_40 : memref<1x125xi32, #tpu.memory_space<vmem>> -> memref<125xi32, #tpu.memory_space<vmem>>
      %dma_start3A_42 = arith.constant 0 : i32
      %dma_start3A_43 = tpu.memref_slice %arg3[%dma_start3A_42] : memref<80000xf32, #tpu.memory_space<hbm>> -> memref<80000xf32, #tpu.memory_space<hbm>>
      tpu.enqueue_indirect_dma source(%dma_start3A_43 : memref<80000xf32, #tpu.memory_space<hbm>>) target(%arg15 : memref<125xf32, #tpu.memory_space<vmem>>) offsets(%dma_start3A_41 : memref<125xi32, #tpu.memory_space<vmem>>) semaphore(%arg20 : memref<!tpu.dma_semaphore, #tpu.memory_space<semaphore_mem>>)
      %dma_start3A_44 = arith.constant 1 : i32
      %dma_start3A_45 = arith.constant 0 : i32
      %dma_start3A_46 = tpu.memref_slice %arg10[%dma_start3A_44, %dma_start3A_45] : memref<8x125xi32, #tpu.memory_space<vmem>> -> memref<1x125xi32, #tpu.memory_space<vmem>>
      %dma_start3A_47 = tpu.memref_squeeze %dma_start3A_46 : memref<1x125xi32, #tpu.memory_space<vmem>> -> memref<125xi32, #tpu.memory_space<vmem>>
      %dma_start3A_48 = arith.constant 0 : i32
      %dma_start3A_49 = arith.constant 0 : i32
      %dma_start3A_50 = tpu.memref_slice %arg2[%dma_start3A_48, %dma_start3A_49] : memref<80000x128xf32, #tpu.memory_space<hbm>> -> memref<80000x128xf32, #tpu.memory_space<hbm>>
      tpu.enqueue_indirect_dma source(%dma_start3A_50 : memref<80000x128xf32, #tpu.memory_space<hbm>>) target(%arg14 : memref<125x128xf32, #tpu.memory_space<vmem>>) offsets(%dma_start3A_47 : memref<125xi32, #tpu.memory_space<vmem>>) semaphore(%arg19 : memref<!tpu.dma_semaphore, #tpu.memory_space<semaphore_mem>>)
      %dma_start3A_51 = arith.constant 1 : i32
      %dma_start3A_52 = arith.constant 0 : i32
      %dma_start3A_53 = tpu.memref_slice %arg11[%dma_start3A_51, %dma_start3A_52] : memref<8x125xi32, #tpu.memory_space<vmem>> -> memref<1x125xi32, #tpu.memory_space<vmem>>
      %dma_start3A_54 = tpu.memref_squeeze %dma_start3A_53 : memref<1x125xi32, #tpu.memory_space<vmem>> -> memref<125xi32, #tpu.memory_space<vmem>>
      %dma_start3A_55 = arith.constant 0 : i32
      %dma_start3A_56 = tpu.memref_slice %arg3[%dma_start3A_55] : memref<80000xf32, #tpu.memory_space<hbm>> -> memref<80000xf32, #tpu.memory_space<hbm>>
      tpu.enqueue_indirect_dma source(%dma_start3A_56 : memref<80000xf32, #tpu.memory_space<hbm>>) target(%arg16 : memref<125xf32, #tpu.memory_space<vmem>>) offsets(%dma_start3A_54 : memref<125xi32, #tpu.memory_space<vmem>>) semaphore(%arg21 : memref<!tpu.dma_semaphore, #tpu.memory_space<semaphore_mem>>)
      %dma_wait3A = arith.constant 0 : i32
      %dma_wait3A_57 = arith.constant 0 : i32
      %dma_wait3A_58 = tpu.memref_slice %arg11[%dma_wait3A, %dma_wait3A_57] : memref<8x125xi32, #tpu.memory_space<vmem>> -> memref<1x125xi32, #tpu.memory_space<vmem>>
      %dma_wait3A_59 = tpu.memref_squeeze %dma_wait3A_58 : memref<1x125xi32, #tpu.memory_space<vmem>> -> memref<125xi32, #tpu.memory_space<vmem>>
      %dma_wait3A_60 = arith.constant 0 : i32
      %dma_wait3A_61 = tpu.memref_slice %arg3[%dma_wait3A_60] : memref<80000xf32, #tpu.memory_space<hbm>> -> memref<80000xf32, #tpu.memory_space<hbm>>
      tpu.wait_indirect_dma semaphore(%arg20 : memref<!tpu.dma_semaphore, #tpu.memory_space<semaphore_mem>>) src(%dma_wait3A_61 : memref<80000xf32, #tpu.memory_space<hbm>>) dst(%arg15 : memref<125xf32, #tpu.memory_space<vmem>>)
      %dma_wait3A_62 = arith.constant 0 : i32
      %dma_wait3A_63 = arith.constant 0 : i32
      %dma_wait3A_64 = tpu.memref_slice %arg10[%dma_wait3A_62, %dma_wait3A_63] : memref<8x125xi32, #tpu.memory_space<vmem>> -> memref<1x125xi32, #tpu.memory_space<vmem>>
      %dma_wait3A_65 = tpu.memref_squeeze %dma_wait3A_64 : memref<1x125xi32, #tpu.memory_space<vmem>> -> memref<125xi32, #tpu.memory_space<vmem>>
      %dma_wait3A_66 = arith.constant 0 : i32
      %dma_wait3A_67 = arith.constant 0 : i32
      %dma_wait3A_68 = tpu.memref_slice %arg2[%dma_wait3A_66, %dma_wait3A_67] : memref<80000x128xf32, #tpu.memory_space<hbm>> -> memref<80000x128xf32, #tpu.memory_space<hbm>>
      tpu.wait_indirect_dma semaphore(%arg18 : memref<!tpu.dma_semaphore, #tpu.memory_space<semaphore_mem>>) src(%dma_wait3A_68 : memref<80000x128xf32, #tpu.memory_space<hbm>>) dst(%arg13 : memref<125x128xf32, #tpu.memory_space<vmem>>)
      %scan3A_69 = arith.constant 0 : i32
      %scan3A_70 = arith.constant 0 : i32
      %scan3A_71 = arith.constant 125 : i32
      %scan3A_72 = arith.addi %scan3A_70, %scan3A_71 : i32
      %scan3A_73 = arith.constant 1 : i32
      %scan3A_74 = scf.for %scan3A_407 = %scan3A_70 to %scan3A_72 step %scan3A_73 iter_args(%scan3A_408 = %scan3A_69) -> (i32)  : i32 {
        %broadcast_in_dim3A = vector.broadcast %scan3A_407 : i32 to vector<16xi32>
        %gather3A = tpu.vector_load_idx %arg15[%broadcast_in_dim3A] : memref<125xf32, #tpu.memory_space<vmem>>[vector<16xi32>], vector<16xf32>,
        %get3A = arith.index_cast %scan3A_407 : i32 to index
        %get3A_409 = arith.constant 0 : index
        %get3A_410 = tpu.vector_load %arg13[%get3A, %get3A_409] {strides = array<i32>} : memref<125x128xf32, #tpu.memory_space<vmem>>, vector<16xf32>,
        %mul3A_411 = arith.mulf %get3A_410, %gather3A : vector<16xf32>
        %swap3A = arith.index_cast %scan3A_407 : i32 to index
        %swap3A_412 = arith.constant 0 : index
        %swap3A_413 = tpu.vector_load %arg13[%swap3A, %swap3A_412] {strides = array<i32>} : memref<125x128xf32, #tpu.memory_space<vmem>>, vector<16xf32>,
        tpu.vector_store %arg13[%swap3A, %swap3A_412], %mul3A_411 {strides = array<i32>} : memref<125x128xf32, #tpu.memory_space<vmem>>, vector<16xf32>,
        %get3A_414 = arith.index_cast %scan3A_407 : i32 to index
        %get3A_415 = arith.constant 16 : index
        %get3A_416 = tpu.vector_load %arg13[%get3A_414, %get3A_415] {strides = array<i32>} : memref<125x128xf32, #tpu.memory_space<vmem>>, vector<16xf32>,
        %mul3A_417 = arith.mulf %get3A_416, %gather3A : vector<16xf32>
        %swap3A_418 = arith.index_cast %scan3A_407 : i32 to index
        %swap3A_419 = arith.constant 16 : index
        %swap3A_420 = tpu.vector_load %arg13[%swap3A_418, %swap3A_419] {strides = array<i32>} : memref<125x128xf32, #tpu.memory_space<vmem>>, vector<16xf32>,
        tpu.vector_store %arg13[%swap3A_418, %swap3A_419], %mul3A_417 {strides = array<i32>} : memref<125x128xf32, #tpu.memory_space<vmem>>, vector<16xf32>,
        %get3A_421 = arith.index_cast %scan3A_407 : i32 to index
        %get3A_422 = arith.constant 32 : index
        %get3A_423 = tpu.vector_load %arg13[%get3A_421, %get3A_422] {strides = array<i32>} : memref<125x128xf32, #tpu.memory_space<vmem>>, vector<16xf32>,
        %mul3A_424 = arith.mulf %get3A_423, %gather3A : vector<16xf32>
        %swap3A_425 = arith.index_cast %scan3A_407 : i32 to index
        %swap3A_426 = arith.constant 32 : index
        %swap3A_427 = tpu.vector_load %arg13[%swap3A_425, %swap3A_426] {strides = array<i32>} : memref<125x128xf32, #tpu.memory_space<vmem>>, vector<16xf32>,
        tpu.vector_store %arg13[%swap3A_425, %swap3A_426], %mul3A_424 {strides = array<i32>} : memref<125x128xf32, #tpu.memory_space<vmem>>, vector<16xf32>,
        %get3A_428 = arith.index_cast %scan3A_407 : i32 to index
        %get3A_429 = arith.constant 48 : index
        %get3A_430 = tpu.vector_load %arg13[%get3A_428, %get3A_429] {strides = array<i32>} : memref<125x128xf32, #tpu.memory_space<vmem>>, vector<16xf32>,
        %mul3A_431 = arith.mulf %get3A_430, %gather3A : vector<16xf32>
        %swap3A_432 = arith.index_cast %scan3A_407 : i32 to index
        %swap3A_433 = arith.constant 48 : index
        %swap3A_434 = tpu.vector_load %arg13[%swap3A_432, %swap3A_433] {strides = array<i32>} : memref<125x128xf32, #tpu.memory_space<vmem>>, vector<16xf32>,
        tpu.vector_store %arg13[%swap3A_432, %swap3A_433], %mul3A_431 {strides = array<i32>} : memref<125x128xf32, #tpu.memory_space<vmem>>, vector<16xf32>,
        %get3A_435 = arith.index_cast %scan3A_407 : i32 to index
        %get3A_436 = arith.constant 64 : index
        %get3A_437 = tpu.vector_load %arg13[%get3A_435, %get3A_436] {strides = array<i32>} : memref<125x128xf32, #tpu.memory_space<vmem>>, vector<16xf32>,
        %mul3A_438 = arith.mulf %get3A_437, %gather3A : vector<16xf32>
        %swap3A_439 = arith.index_cast %scan3A_407 : i32 to index
        %swap3A_440 = arith.constant 64 : index
        %swap3A_441 = tpu.vector_load %arg13[%swap3A_439, %swap3A_440] {strides = array<i32>} : memref<125x128xf32, #tpu.memory_space<vmem>>, vector<16xf32>,
        tpu.vector_store %arg13[%swap3A_439, %swap3A_440], %mul3A_438 {strides = array<i32>} : memref<125x128xf32, #tpu.memory_space<vmem>>, vector<16xf32>,
        %get3A_442 = arith.index_cast %scan3A_407 : i32 to index
        %get3A_443 = arith.constant 80 : index
        %get3A_444 = tpu.vector_load %arg13[%get3A_442, %get3A_443] {strides = array<i32>} : memref<125x128xf32, #tpu.memory_space<vmem>>, vector<16xf32>,
        %mul3A_445 = arith.mulf %get3A_444, %gather3A : vector<16xf32>
        %swap3A_446 = arith.index_cast %scan3A_407 : i32 to index
        %swap3A_447 = arith.constant 80 : index
        %swap3A_448 = tpu.vector_load %arg13[%swap3A_446, %swap3A_447] {strides = array<i32>} : memref<125x128xf32, #tpu.memory_space<vmem>>, vector<16xf32>,
        tpu.vector_store %arg13[%swap3A_446, %swap3A_447], %mul3A_445 {strides = array<i32>} : memref<125x128xf32, #tpu.memory_space<vmem>>, vector<16xf32>,
        %get3A_449 = arith.index_cast %scan3A_407 : i32 to index
        %get3A_450 = arith.constant 96 : index
        %get3A_451 = tpu.vector_load %arg13[%get3A_449, %get3A_450] {strides = array<i32>} : memref<125x128xf32, #tpu.memory_space<vmem>>, vector<16xf32>,
        %mul3A_452 = arith.mulf %get3A_451, %gather3A : vector<16xf32>
        %swap3A_453 = arith.index_cast %scan3A_407 : i32 to index
        %swap3A_454 = arith.constant 96 : index
        %swap3A_455 = tpu.vector_load %arg13[%swap3A_453, %swap3A_454] {strides = array<i32>} : memref<125x128xf32, #tpu.memory_space<vmem>>, vector<16xf32>,
        tpu.vector_store %arg13[%swap3A_453, %swap3A_454], %mul3A_452 {strides = array<i32>} : memref<125x128xf32, #tpu.memory_space<vmem>>, vector<16xf32>,
        %get3A_456 = arith.index_cast %scan3A_407 : i32 to index
        %get3A_457 = arith.constant 112 : index
        %get3A_458 = tpu.vector_load %arg13[%get3A_456, %get3A_457] {strides = array<i32>} : memref<125x128xf32, #tpu.memory_space<vmem>>, vector<16xf32>,
        %mul3A_459 = arith.mulf %get3A_458, %gather3A : vector<16xf32>
        %swap3A_460 = arith.index_cast %scan3A_407 : i32 to index
        %swap3A_461 = arith.constant 112 : index
        %swap3A_462 = tpu.vector_load %arg13[%swap3A_460, %swap3A_461] {strides = array<i32>} : memref<125x128xf32, #tpu.memory_space<vmem>>, vector<16xf32>,
        tpu.vector_store %arg13[%swap3A_460, %swap3A_461], %mul3A_459 {strides = array<i32>} : memref<125x128xf32, #tpu.memory_space<vmem>>, vector<16xf32>,
        %scan3A_463 = arith.constant 0 : i32
        scf.yield %scan3A_463 : i32
      }
      %scan3A_75 = arith.constant 125 : i32
      %dma_start3A_76 = arith.constant 0 : i32
      %dma_start3A_77 = arith.constant 0 : i32
      %dma_start3A_78 = tpu.memref_slice %arg12[%dma_start3A_76, %dma_start3A_77] : memref<8x125xi32, #tpu.memory_space<vmem>> -> memref<1x125xi32, #tpu.memory_space<vmem>>
      %dma_start3A_79 = tpu.memref_squeeze %dma_start3A_78 : memref<1x125xi32, #tpu.memory_space<vmem>> -> memref<125xi32, #tpu.memory_space<vmem>>
      %dma_start3A_80 = arith.constant 0 : i32
      %dma_start3A_81 = arith.constant 0 : i32
      %dma_start3A_82 = tpu.memref_slice %arg17[%dma_start3A_80, %dma_start3A_81] : memref<10000x128xf32, #tpu.memory_space<vmem_shared>> -> memref<10000x128xf32, #tpu.memory_space<vmem_shared>>
      tpu.enqueue_indirect_dma source(%arg13 : memref<125x128xf32, #tpu.memory_space<vmem>>) target(%dma_start3A_82 : memref<10000x128xf32, #tpu.memory_space<vmem_shared>>) offsets(%dma_start3A_79 : memref<125xi32, #tpu.memory_space<vmem>>) semaphore(%arg22 : memref<!tpu.dma_semaphore, #tpu.memory_space<semaphore_mem>>) {add = true}
      %dma_wait3A_83 = arith.constant 0 : i32
      %dma_wait3A_84 = arith.constant 0 : i32
      %dma_wait3A_85 = tpu.memref_slice %arg12[%dma_wait3A_83, %dma_wait3A_84] : memref<8x125xi32, #tpu.memory_space<vmem>> -> memref<1x125xi32, #tpu.memory_space<vmem>>
      %dma_wait3A_86 = tpu.memref_squeeze %dma_wait3A_85 : memref<1x125xi32, #tpu.memory_space<vmem>> -> memref<125xi32, #tpu.memory_space<vmem>>
      %dma_wait3A_87 = arith.constant 0 : i32
      %dma_wait3A_88 = arith.constant 0 : i32
      %dma_wait3A_89 = tpu.memref_slice %arg17[%dma_wait3A_87, %dma_wait3A_88] : memref<10000x128xf32, #tpu.memory_space<vmem_shared>> -> memref<10000x128xf32, #tpu.memory_space<vmem_shared>>
      tpu.wait_indirect_dma semaphore(%arg22 : memref<!tpu.dma_semaphore, #tpu.memory_space<semaphore_mem>>) src(%arg13 : memref<125x128xf32, #tpu.memory_space<vmem>>) dst(%dma_wait3A_89 : memref<10000x128xf32, #tpu.memory_space<vmem_shared>>)
      %dma_start3A_90 = arith.constant 2 : i32
      %dma_start3A_91 = arith.constant 0 : i32
      %dma_start3A_92 = tpu.memref_slice %arg10[%dma_start3A_90, %dma_start3A_91] : memref<8x125xi32, #tpu.memory_space<vmem>> -> memref<1x125xi32, #tpu.memory_space<vmem>>
      %dma_start3A_93 = tpu.memref_squeeze %dma_start3A_92 : memref<1x125xi32, #tpu.memory_space<vmem>> -> memref<125xi32, #tpu.memory_space<vmem>>
      %dma_start3A_94 = arith.constant 0 : i32
      %dma_start3A_95 = arith.constant 0 : i32
      %dma_start3A_96 = tpu.memref_slice %arg2[%dma_start3A_94, %dma_start3A_95] : memref<80000x128xf32, #tpu.memory_space<hbm>> -> memref<80000x128xf32, #tpu.memory_space<hbm>>
      tpu.enqueue_indirect_dma source(%dma_start3A_96 : memref<80000x128xf32, #tpu.memory_space<hbm>>) target(%arg13 : memref<125x128xf32, #tpu.memory_space<vmem>>) offsets(%dma_start3A_93 : memref<125xi32, #tpu.memory_space<vmem>>) semaphore(%arg18 : memref<!tpu.dma_semaphore, #tpu.memory_space<semaphore_mem>>)
      %dma_start3A_97 = arith.constant 2 : i32
      %dma_start3A_98 = arith.constant 0 : i32
      %dma_start3A_99 = tpu.memref_slice %arg11[%dma_start3A_97, %dma_start3A_98] : memref<8x125xi32, #tpu.memory_space<vmem>> -> memref<1x125xi32, #tpu.memory_space<vmem>>
      %dma_start3A_100 = tpu.memref_squeeze %dma_start3A_99 : memref<1x125xi32, #tpu.memory_space<vmem>> -> memref<125xi32, #tpu.memory_space<vmem>>
      %dma_start3A_101 = arith.constant 0 : i32
      %dma_start3A_102 = tpu.memref_slice %arg3[%dma_start3A_101] : memref<80000xf32, #tpu.memory_space<hbm>> -> memref<80000xf32, #tpu.memory_space<hbm>>
      tpu.enqueue_indirect_dma source(%dma_start3A_102 : memref<80000xf32, #tpu.memory_space<hbm>>) target(%arg15 : memref<125xf32, #tpu.memory_space<vmem>>) offsets(%dma_start3A_100 : memref<125xi32, #tpu.memory_space<vmem>>) semaphore(%arg20 : memref<!tpu.dma_semaphore, #tpu.memory_space<semaphore_mem>>)
      %dma_wait3A_103 = arith.constant 1 : i32
      %dma_wait3A_104 = arith.constant 0 : i32
      %dma_wait3A_105 = tpu.memref_slice %arg11[%dma_wait3A_103, %dma_wait3A_104] : memref<8x125xi32, #tpu.memory_space<vmem>> -> memref<1x125xi32, #tpu.memory_space<vmem>>
      %dma_wait3A_106 = tpu.memref_squeeze %dma_wait3A_105 : memref<1x125xi32, #tpu.memory_space<vmem>> -> memref<125xi32, #tpu.memory_space<vmem>>
      %dma_wait3A_107 = arith.constant 0 : i32
      %dma_wait3A_108 = tpu.memref_slice %arg3[%dma_wait3A_107] : memref<80000xf32, #tpu.memory_space<hbm>> -> memref<80000xf32, #tpu.memory_space<hbm>>
      tpu.wait_indirect_dma semaphore(%arg21 : memref<!tpu.dma_semaphore, #tpu.memory_space<semaphore_mem>>) src(%dma_wait3A_108 : memref<80000xf32, #tpu.memory_space<hbm>>) dst(%arg16 : memref<125xf32, #tpu.memory_space<vmem>>)
      %dma_wait3A_109 = arith.constant 1 : i32
      %dma_wait3A_110 = arith.constant 0 : i32
      %dma_wait3A_111 = tpu.memref_slice %arg10[%dma_wait3A_109, %dma_wait3A_110] : memref<8x125xi32, #tpu.memory_space<vmem>> -> memref<1x125xi32, #tpu.memory_space<vmem>>
      %dma_wait3A_112 = tpu.memref_squeeze %dma_wait3A_111 : memref<1x125xi32, #tpu.memory_space<vmem>> -> memref<125xi32, #tpu.memory_space<vmem>>
      %dma_wait3A_113 = arith.constant 0 : i32
      %dma_wait3A_114 = arith.constant 0 : i32
      %dma_wait3A_115 = tpu.memref_slice %arg2[%dma_wait3A_113, %dma_wait3A_114] : memref<80000x128xf32, #tpu.memory_space<hbm>> -> memref<80000x128xf32, #tpu.memory_space<hbm>>
      tpu.wait_indirect_dma semaphore(%arg19 : memref<!tpu.dma_semaphore, #tpu.memory_space<semaphore_mem>>) src(%dma_wait3A_115 : memref<80000x128xf32, #tpu.memory_space<hbm>>) dst(%arg14 : memref<125x128xf32, #tpu.memory_space<vmem>>)
      %scan3A_116 = arith.constant 0 : i32
      %scan3A_117 = arith.constant 0 : i32
      %scan3A_118 = arith.constant 125 : i32
      %scan3A_119 = arith.addi %scan3A_117, %scan3A_118 : i32
      %scan3A_120 = arith.constant 1 : i32
      %scan3A_121 = scf.for %scan3A_407 = %scan3A_117 to %scan3A_119 step %scan3A_120 iter_args(%scan3A_408 = %scan3A_116) -> (i32)  : i32 {
        %broadcast_in_dim3A = vector.broadcast %scan3A_407 : i32 to vector<16xi32>
        %gather3A = tpu.vector_load_idx %arg16[%broadcast_in_dim3A] : memref<125xf32, #tpu.memory_space<vmem>>[vector<16xi32>], vector<16xf32>,
        %get3A = arith.index_cast %scan3A_407 : i32 to index
        %get3A_409 = arith.constant 0 : index
        %get3A_410 = tpu.vector_load %arg14[%get3A, %get3A_409] {strides = array<i32>} : memref<125x128xf32, #tpu.memory_space<vmem>>, vector<16xf32>,
        %mul3A_411 = arith.mulf %get3A_410, %gather3A : vector<16xf32>
        %swap3A = arith.index_cast %scan3A_407 : i32 to index
        %swap3A_412 = arith.constant 0 : index
        %swap3A_413 = tpu.vector_load %arg14[%swap3A, %swap3A_412] {strides = array<i32>} : memref<125x128xf32, #tpu.memory_space<vmem>>, vector<16xf32>,
        tpu.vector_store %arg14[%swap3A, %swap3A_412], %mul3A_411 {strides = array<i32>} : memref<125x128xf32, #tpu.memory_space<vmem>>, vector<16xf32>,
        %get3A_414 = arith.index_cast %scan3A_407 : i32 to index
        %get3A_415 = arith.constant 16 : index
        %get3A_416 = tpu.vector_load %arg14[%get3A_414, %get3A_415] {strides = array<i32>} : memref<125x128xf32, #tpu.memory_space<vmem>>, vector<16xf32>,
        %mul3A_417 = arith.mulf %get3A_416, %gather3A : vector<16xf32>
        %swap3A_418 = arith.index_cast %scan3A_407 : i32 to index
        %swap3A_419 = arith.constant 16 : index
        %swap3A_420 = tpu.vector_load %arg14[%swap3A_418, %swap3A_419] {strides = array<i32>} : memref<125x128xf32, #tpu.memory_space<vmem>>, vector<16xf32>,
        tpu.vector_store %arg14[%swap3A_418, %swap3A_419], %mul3A_417 {strides = array<i32>} : memref<125x128xf32, #tpu.memory_space<vmem>>, vector<16xf32>,
        %get3A_421 = arith.index_cast %scan3A_407 : i32 to index
        %get3A_422 = arith.constant 32 : index
        %get3A_423 = tpu.vector_load %arg14[%get3A_421, %get3A_422] {strides = array<i32>} : memref<125x128xf32, #tpu.memory_space<vmem>>, vector<16xf32>,
        %mul3A_424 = arith.mulf %get3A_423, %gather3A : vector<16xf32>
        %swap3A_425 = arith.index_cast %scan3A_407 : i32 to index
        %swap3A_426 = arith.constant 32 : index
        %swap3A_427 = tpu.vector_load %arg14[%swap3A_425, %swap3A_426] {strides = array<i32>} : memref<125x128xf32, #tpu.memory_space<vmem>>, vector<16xf32>,
        tpu.vector_store %arg14[%swap3A_425, %swap3A_426], %mul3A_424 {strides = array<i32>} : memref<125x128xf32, #tpu.memory_space<vmem>>, vector<16xf32>,
        %get3A_428 = arith.index_cast %scan3A_407 : i32 to index
        %get3A_429 = arith.constant 48 : index
        %get3A_430 = tpu.vector_load %arg14[%get3A_428, %get3A_429] {strides = array<i32>} : memref<125x128xf32, #tpu.memory_space<vmem>>, vector<16xf32>,
        %mul3A_431 = arith.mulf %get3A_430, %gather3A : vector<16xf32>
        %swap3A_432 = arith.index_cast %scan3A_407 : i32 to index
        %swap3A_433 = arith.constant 48 : index
        %swap3A_434 = tpu.vector_load %arg14[%swap3A_432, %swap3A_433] {strides = array<i32>} : memref<125x128xf32, #tpu.memory_space<vmem>>, vector<16xf32>,
        tpu.vector_store %arg14[%swap3A_432, %swap3A_433], %mul3A_431 {strides = array<i32>} : memref<125x128xf32, #tpu.memory_space<vmem>>, vector<16xf32>,
        %get3A_435 = arith.index_cast %scan3A_407 : i32 to index
        %get3A_436 = arith.constant 64 : index
        %get3A_437 = tpu.vector_load %arg14[%get3A_435, %get3A_436] {strides = array<i32>} : memref<125x128xf32, #tpu.memory_space<vmem>>, vector<16xf32>,
        %mul3A_438 = arith.mulf %get3A_437, %gather3A : vector<16xf32>
        %swap3A_439 = arith.index_cast %scan3A_407 : i32 to index
        %swap3A_440 = arith.constant 64 : index
        %swap3A_441 = tpu.vector_load %arg14[%swap3A_439, %swap3A_440] {strides = array<i32>} : memref<125x128xf32, #tpu.memory_space<vmem>>, vector<16xf32>,
        tpu.vector_store %arg14[%swap3A_439, %swap3A_440], %mul3A_438 {strides = array<i32>} : memref<125x128xf32, #tpu.memory_space<vmem>>, vector<16xf32>,
        %get3A_442 = arith.index_cast %scan3A_407 : i32 to index
        %get3A_443 = arith.constant 80 : index
        %get3A_444 = tpu.vector_load %arg14[%get3A_442, %get3A_443] {strides = array<i32>} : memref<125x128xf32, #tpu.memory_space<vmem>>, vector<16xf32>,
        %mul3A_445 = arith.mulf %get3A_444, %gather3A : vector<16xf32>
        %swap3A_446 = arith.index_cast %scan3A_407 : i32 to index
        %swap3A_447 = arith.constant 80 : index
        %swap3A_448 = tpu.vector_load %arg14[%swap3A_446, %swap3A_447] {strides = array<i32>} : memref<125x128xf32, #tpu.memory_space<vmem>>, vector<16xf32>,
        tpu.vector_store %arg14[%swap3A_446, %swap3A_447], %mul3A_445 {strides = array<i32>} : memref<125x128xf32, #tpu.memory_space<vmem>>, vector<16xf32>,
        %get3A_449 = arith.index_cast %scan3A_407 : i32 to index
        %get3A_450 = arith.constant 96 : index
        %get3A_451 = tpu.vector_load %arg14[%get3A_449, %get3A_450] {strides = array<i32>} : memref<125x128xf32, #tpu.memory_space<vmem>>, vector<16xf32>,
        %mul3A_452 = arith.mulf %get3A_451, %gather3A : vector<16xf32>
        %swap3A_453 = arith.index_cast %scan3A_407 : i32 to index
        %swap3A_454 = arith.constant 96 : index
        %swap3A_455 = tpu.vector_load %arg14[%swap3A_453, %swap3A_454] {strides = array<i32>} : memref<125x128xf32, #tpu.memory_space<vmem>>, vector<16xf32>,
        tpu.vector_store %arg14[%swap3A_453, %swap3A_454], %mul3A_452 {strides = array<i32>} : memref<125x128xf32, #tpu.memory_space<vmem>>, vector<16xf32>,
        %get3A_456 = arith.index_cast %scan3A_407 : i32 to index
        %get3A_457 = arith.constant 112 : index
        %get3A_458 = tpu.vector_load %arg14[%get3A_456, %get3A_457] {strides = array<i32>} : memref<125x128xf32, #tpu.memory_space<vmem>>, vector<16xf32>,
        %mul3A_459 = arith.mulf %get3A_458, %gather3A : vector<16xf32>
        %swap3A_460 = arith.index_cast %scan3A_407 : i32 to index
        %swap3A_461 = arith.constant 112 : index
        %swap3A_462 = tpu.vector_load %arg14[%swap3A_460, %swap3A_461] {strides = array<i32>} : memref<125x128xf32, #tpu.memory_space<vmem>>, vector<16xf32>,
        tpu.vector_store %arg14[%swap3A_460, %swap3A_461], %mul3A_459 {strides = array<i32>} : memref<125x128xf32, #tpu.memory_space<vmem>>, vector<16xf32>,
        %scan3A_463 = arith.constant 0 : i32
        scf.yield %scan3A_463 : i32
      }
      %scan3A_122 = arith.constant 125 : i32
      %dma_start3A_123 = arith.constant 1 : i32
      %dma_start3A_124 = arith.constant 0 : i32
      %dma_start3A_125 = tpu.memref_slice %arg12[%dma_start3A_123, %dma_start3A_124] : memref<8x125xi32, #tpu.memory_space<vmem>> -> memref<1x125xi32, #tpu.memory_space<vmem>>
      %dma_start3A_126 = tpu.memref_squeeze %dma_start3A_125 : memref<1x125xi32, #tpu.memory_space<vmem>> -> memref<125xi32, #tpu.memory_space<vmem>>
      %dma_start3A_127 = arith.constant 0 : i32
      %dma_start3A_128 = arith.constant 0 : i32
      %dma_start3A_129 = tpu.memref_slice %arg17[%dma_start3A_127, %dma_start3A_128] : memref<10000x128xf32, #tpu.memory_space<vmem_shared>> -> memref<10000x128xf32, #tpu.memory_space<vmem_shared>>
      tpu.enqueue_indirect_dma source(%arg14 : memref<125x128xf32, #tpu.memory_space<vmem>>) target(%dma_start3A_129 : memref<10000x128xf32, #tpu.memory_space<vmem_shared>>) offsets(%dma_start3A_126 : memref<125xi32, #tpu.memory_space<vmem>>) semaphore(%arg23 : memref<!tpu.dma_semaphore, #tpu.memory_space<semaphore_mem>>) {add = true}
      %dma_wait3A_130 = arith.constant 1 : i32
      %dma_wait3A_131 = arith.constant 0 : i32
      %dma_wait3A_132 = tpu.memref_slice %arg12[%dma_wait3A_130, %dma_wait3A_131] : memref<8x125xi32, #tpu.memory_space<vmem>> -> memref<1x125xi32, #tpu.memory_space<vmem>>
      %dma_wait3A_133 = tpu.memref_squeeze %dma_wait3A_132 : memref<1x125xi32, #tpu.memory_space<vmem>> -> memref<125xi32, #tpu.memory_space<vmem>>
      %dma_wait3A_134 = arith.constant 0 : i32
      %dma_wait3A_135 = arith.constant 0 : i32
      %dma_wait3A_136 = tpu.memref_slice %arg17[%dma_wait3A_134, %dma_wait3A_135] : memref<10000x128xf32, #tpu.memory_space<vmem_shared>> -> memref<10000x128xf32, #tpu.memory_space<vmem_shared>>
      tpu.wait_indirect_dma semaphore(%arg23 : memref<!tpu.dma_semaphore, #tpu.memory_space<semaphore_mem>>) src(%arg14 : memref<125x128xf32, #tpu.memory_space<vmem>>) dst(%dma_wait3A_136 : memref<10000x128xf32, #tpu.memory_space<vmem_shared>>)
      %dma_start3A_137 = arith.constant 3 : i32
      %dma_start3A_138 = arith.constant 0 : i32
      %dma_start3A_139 = tpu.memref_slice %arg10[%dma_start3A_137, %dma_start3A_138] : memref<8x125xi32, #tpu.memory_space<vmem>> -> memref<1x125xi32, #tpu.memory_space<vmem>>
      %dma_start3A_140 = tpu.memref_squeeze %dma_start3A_139 : memref<1x125xi32, #tpu.memory_space<vmem>> -> memref<125xi32, #tpu.memory_space<vmem>>
      %dma_start3A_141 = arith.constant 0 : i32
      %dma_start3A_142 = arith.constant 0 : i32
      %dma_start3A_143 = tpu.memref_slice %arg2[%dma_start3A_141, %dma_start3A_142] : memref<80000x128xf32, #tpu.memory_space<hbm>> -> memref<80000x128xf32, #tpu.memory_space<hbm>>
      tpu.enqueue_indirect_dma source(%dma_start3A_143 : memref<80000x128xf32, #tpu.memory_space<hbm>>) target(%arg14 : memref<125x128xf32, #tpu.memory_space<vmem>>) offsets(%dma_start3A_140 : memref<125xi32, #tpu.memory_space<vmem>>) semaphore(%arg19 : memref<!tpu.dma_semaphore, #tpu.memory_space<semaphore_mem>>)
      %dma_start3A_144 = arith.constant 3 : i32
      %dma_start3A_145 = arith.constant 0 : i32
      %dma_start3A_146 = tpu.memref_slice %arg11[%dma_start3A_144, %dma_start3A_145] : memref<8x125xi32, #tpu.memory_space<vmem>> -> memref<1x125xi32, #tpu.memory_space<vmem>>
      %dma_start3A_147 = tpu.memref_squeeze %dma_start3A_146 : memref<1x125xi32, #tpu.memory_space<vmem>> -> memref<125xi32, #tpu.memory_space<vmem>>
      %dma_start3A_148 = arith.constant 0 : i32
      %dma_start3A_149 = tpu.memref_slice %arg3[%dma_start3A_148] : memref<80000xf32, #tpu.memory_space<hbm>> -> memref<80000xf32, #tpu.memory_space<hbm>>
      tpu.enqueue_indirect_dma source(%dma_start3A_149 : memref<80000xf32, #tpu.memory_space<hbm>>) target(%arg16 : memref<125xf32, #tpu.memory_space<vmem>>) offsets(%dma_start3A_147 : memref<125xi32, #tpu.memory_space<vmem>>) semaphore(%arg21 : memref<!tpu.dma_semaphore, #tpu.memory_space<semaphore_mem>>)
      %dma_wait3A_150 = arith.constant 2 : i32
      %dma_wait3A_151 = arith.constant 0 : i32
      %dma_wait3A_152 = tpu.memref_slice %arg11[%dma_wait3A_150, %dma_wait3A_151] : memref<8x125xi32, #tpu.memory_space<vmem>> -> memref<1x125xi32, #tpu.memory_space<vmem>>
      %dma_wait3A_153 = tpu.memref_squeeze %dma_wait3A_152 : memref<1x125xi32, #tpu.memory_space<vmem>> -> memref<125xi32, #tpu.memory_space<vmem>>
      %dma_wait3A_154 = arith.constant 0 : i32
      %dma_wait3A_155 = tpu.memref_slice %arg3[%dma_wait3A_154] : memref<80000xf32, #tpu.memory_space<hbm>> -> memref<80000xf32, #tpu.memory_space<hbm>>
      tpu.wait_indirect_dma semaphore(%arg20 : memref<!tpu.dma_semaphore, #tpu.memory_space<semaphore_mem>>) src(%dma_wait3A_155 : memref<80000xf32, #tpu.memory_space<hbm>>) dst(%arg15 : memref<125xf32, #tpu.memory_space<vmem>>)
      %dma_wait3A_156 = arith.constant 2 : i32
      %dma_wait3A_157 = arith.constant 0 : i32
      %dma_wait3A_158 = tpu.memref_slice %arg10[%dma_wait3A_156, %dma_wait3A_157] : memref<8x125xi32, #tpu.memory_space<vmem>> -> memref<1x125xi32, #tpu.memory_space<vmem>>
      %dma_wait3A_159 = tpu.memref_squeeze %dma_wait3A_158 : memref<1x125xi32, #tpu.memory_space<vmem>> -> memref<125xi32, #tpu.memory_space<vmem>>
      %dma_wait3A_160 = arith.constant 0 : i32
      %dma_wait3A_161 = arith.constant 0 : i32
      %dma_wait3A_162 = tpu.memref_slice %arg2[%dma_wait3A_160, %dma_wait3A_161] : memref<80000x128xf32, #tpu.memory_space<hbm>> -> memref<80000x128xf32, #tpu.memory_space<hbm>>
      tpu.wait_indirect_dma semaphore(%arg18 : memref<!tpu.dma_semaphore, #tpu.memory_space<semaphore_mem>>) src(%dma_wait3A_162 : memref<80000x128xf32, #tpu.memory_space<hbm>>) dst(%arg13 : memref<125x128xf32, #tpu.memory_space<vmem>>)
      %scan3A_163 = arith.constant 0 : i32
      %scan3A_164 = arith.constant 0 : i32
      %scan3A_165 = arith.constant 125 : i32
      %scan3A_166 = arith.addi %scan3A_164, %scan3A_165 : i32
      %scan3A_167 = arith.constant 1 : i32
      %scan3A_168 = scf.for %scan3A_407 = %scan3A_164 to %scan3A_166 step %scan3A_167 iter_args(%scan3A_408 = %scan3A_163) -> (i32)  : i32 {
        %broadcast_in_dim3A = vector.broadcast %scan3A_407 : i32 to vector<16xi32>
        %gather3A = tpu.vector_load_idx %arg15[%broadcast_in_dim3A] : memref<125xf32, #tpu.memory_space<vmem>>[vector<16xi32>], vector<16xf32>,
        %get3A = arith.index_cast %scan3A_407 : i32 to index
        %get3A_409 = arith.constant 0 : index
        %get3A_410 = tpu.vector_load %arg13[%get3A, %get3A_409] {strides = array<i32>} : memref<125x128xf32, #tpu.memory_space<vmem>>, vector<16xf32>,
        %mul3A_411 = arith.mulf %get3A_410, %gather3A : vector<16xf32>
        %swap3A = arith.index_cast %scan3A_407 : i32 to index
        %swap3A_412 = arith.constant 0 : index
        %swap3A_413 = tpu.vector_load %arg13[%swap3A, %swap3A_412] {strides = array<i32>} : memref<125x128xf32, #tpu.memory_space<vmem>>, vector<16xf32>,
        tpu.vector_store %arg13[%swap3A, %swap3A_412], %mul3A_411 {strides = array<i32>} : memref<125x128xf32, #tpu.memory_space<vmem>>, vector<16xf32>,
        %get3A_414 = arith.index_cast %scan3A_407 : i32 to index
        %get3A_415 = arith.constant 16 : index
        %get3A_416 = tpu.vector_load %arg13[%get3A_414, %get3A_415] {strides = array<i32>} : memref<125x128xf32, #tpu.memory_space<vmem>>, vector<16xf32>,
        %mul3A_417 = arith.mulf %get3A_416, %gather3A : vector<16xf32>
        %swap3A_418 = arith.index_cast %scan3A_407 : i32 to index
        %swap3A_419 = arith.constant 16 : index
        %swap3A_420 = tpu.vector_load %arg13[%swap3A_418, %swap3A_419] {strides = array<i32>} : memref<125x128xf32, #tpu.memory_space<vmem>>, vector<16xf32>,
        tpu.vector_store %arg13[%swap3A_418, %swap3A_419], %mul3A_417 {strides = array<i32>} : memref<125x128xf32, #tpu.memory_space<vmem>>, vector<16xf32>,
        %get3A_421 = arith.index_cast %scan3A_407 : i32 to index
        %get3A_422 = arith.constant 32 : index
        %get3A_423 = tpu.vector_load %arg13[%get3A_421, %get3A_422] {strides = array<i32>} : memref<125x128xf32, #tpu.memory_space<vmem>>, vector<16xf32>,
        %mul3A_424 = arith.mulf %get3A_423, %gather3A : vector<16xf32>
        %swap3A_425 = arith.index_cast %scan3A_407 : i32 to index
        %swap3A_426 = arith.constant 32 : index
        %swap3A_427 = tpu.vector_load %arg13[%swap3A_425, %swap3A_426] {strides = array<i32>} : memref<125x128xf32, #tpu.memory_space<vmem>>, vector<16xf32>,
        tpu.vector_store %arg13[%swap3A_425, %swap3A_426], %mul3A_424 {strides = array<i32>} : memref<125x128xf32, #tpu.memory_space<vmem>>, vector<16xf32>,
        %get3A_428 = arith.index_cast %scan3A_407 : i32 to index
        %get3A_429 = arith.constant 48 : index
        %get3A_430 = tpu.vector_load %arg13[%get3A_428, %get3A_429] {strides = array<i32>} : memref<125x128xf32, #tpu.memory_space<vmem>>, vector<16xf32>,
        %mul3A_431 = arith.mulf %get3A_430, %gather3A : vector<16xf32>
        %swap3A_432 = arith.index_cast %scan3A_407 : i32 to index
        %swap3A_433 = arith.constant 48 : index
        %swap3A_434 = tpu.vector_load %arg13[%swap3A_432, %swap3A_433] {strides = array<i32>} : memref<125x128xf32, #tpu.memory_space<vmem>>, vector<16xf32>,
        tpu.vector_store %arg13[%swap3A_432, %swap3A_433], %mul3A_431 {strides = array<i32>} : memref<125x128xf32, #tpu.memory_space<vmem>>, vector<16xf32>,
        %get3A_435 = arith.index_cast %scan3A_407 : i32 to index
        %get3A_436 = arith.constant 64 : index
        %get3A_437 = tpu.vector_load %arg13[%get3A_435, %get3A_436] {strides = array<i32>} : memref<125x128xf32, #tpu.memory_space<vmem>>, vector<16xf32>,
        %mul3A_438 = arith.mulf %get3A_437, %gather3A : vector<16xf32>
        %swap3A_439 = arith.index_cast %scan3A_407 : i32 to index
        %swap3A_440 = arith.constant 64 : index
        %swap3A_441 = tpu.vector_load %arg13[%swap3A_439, %swap3A_440] {strides = array<i32>} : memref<125x128xf32, #tpu.memory_space<vmem>>, vector<16xf32>,
        tpu.vector_store %arg13[%swap3A_439, %swap3A_440], %mul3A_438 {strides = array<i32>} : memref<125x128xf32, #tpu.memory_space<vmem>>, vector<16xf32>,
        %get3A_442 = arith.index_cast %scan3A_407 : i32 to index
        %get3A_443 = arith.constant 80 : index
        %get3A_444 = tpu.vector_load %arg13[%get3A_442, %get3A_443] {strides = array<i32>} : memref<125x128xf32, #tpu.memory_space<vmem>>, vector<16xf32>,
        %mul3A_445 = arith.mulf %get3A_444, %gather3A : vector<16xf32>
        %swap3A_446 = arith.index_cast %scan3A_407 : i32 to index
        %swap3A_447 = arith.constant 80 : index
        %swap3A_448 = tpu.vector_load %arg13[%swap3A_446, %swap3A_447] {strides = array<i32>} : memref<125x128xf32, #tpu.memory_space<vmem>>, vector<16xf32>,
        tpu.vector_store %arg13[%swap3A_446, %swap3A_447], %mul3A_445 {strides = array<i32>} : memref<125x128xf32, #tpu.memory_space<vmem>>, vector<16xf32>,
        %get3A_449 = arith.index_cast %scan3A_407 : i32 to index
        %get3A_450 = arith.constant 96 : index
        %get3A_451 = tpu.vector_load %arg13[%get3A_449, %get3A_450] {strides = array<i32>} : memref<125x128xf32, #tpu.memory_space<vmem>>, vector<16xf32>,
        %mul3A_452 = arith.mulf %get3A_451, %gather3A : vector<16xf32>
        %swap3A_453 = arith.index_cast %scan3A_407 : i32 to index
        %swap3A_454 = arith.constant 96 : index
        %swap3A_455 = tpu.vector_load %arg13[%swap3A_453, %swap3A_454] {strides = array<i32>} : memref<125x128xf32, #tpu.memory_space<vmem>>, vector<16xf32>,
        tpu.vector_store %arg13[%swap3A_453, %swap3A_454], %mul3A_452 {strides = array<i32>} : memref<125x128xf32, #tpu.memory_space<vmem>>, vector<16xf32>,
        %get3A_456 = arith.index_cast %scan3A_407 : i32 to index
        %get3A_457 = arith.constant 112 : index
        %get3A_458 = tpu.vector_load %arg13[%get3A_456, %get3A_457] {strides = array<i32>} : memref<125x128xf32, #tpu.memory_space<vmem>>, vector<16xf32>,
        %mul3A_459 = arith.mulf %get3A_458, %gather3A : vector<16xf32>
        %swap3A_460 = arith.index_cast %scan3A_407 : i32 to index
        %swap3A_461 = arith.constant 112 : index
        %swap3A_462 = tpu.vector_load %arg13[%swap3A_460, %swap3A_461] {strides = array<i32>} : memref<125x128xf32, #tpu.memory_space<vmem>>, vector<16xf32>,
        tpu.vector_store %arg13[%swap3A_460, %swap3A_461], %mul3A_459 {strides = array<i32>} : memref<125x128xf32, #tpu.memory_space<vmem>>, vector<16xf32>,
        %scan3A_463 = arith.constant 0 : i32
        scf.yield %scan3A_463 : i32
      }
      %scan3A_169 = arith.constant 125 : i32
      %dma_start3A_170 = arith.constant 2 : i32
      %dma_start3A_171 = arith.constant 0 : i32
      %dma_start3A_172 = tpu.memref_slice %arg12[%dma_start3A_170, %dma_start3A_171] : memref<8x125xi32, #tpu.memory_space<vmem>> -> memref<1x125xi32, #tpu.memory_space<vmem>>
      %dma_start3A_173 = tpu.memref_squeeze %dma_start3A_172 : memref<1x125xi32, #tpu.memory_space<vmem>> -> memref<125xi32, #tpu.memory_space<vmem>>
      %dma_start3A_174 = arith.constant 0 : i32
      %dma_start3A_175 = arith.constant 0 : i32
      %dma_start3A_176 = tpu.memref_slice %arg17[%dma_start3A_174, %dma_start3A_175] : memref<10000x128xf32, #tpu.memory_space<vmem_shared>> -> memref<10000x128xf32, #tpu.memory_space<vmem_shared>>
      tpu.enqueue_indirect_dma source(%arg13 : memref<125x128xf32, #tpu.memory_space<vmem>>) target(%dma_start3A_176 : memref<10000x128xf32, #tpu.memory_space<vmem_shared>>) offsets(%dma_start3A_173 : memref<125xi32, #tpu.memory_space<vmem>>) semaphore(%arg22 : memref<!tpu.dma_semaphore, #tpu.memory_space<semaphore_mem>>) {add = true}
      %dma_wait3A_177 = arith.constant 2 : i32
      %dma_wait3A_178 = arith.constant 0 : i32
      %dma_wait3A_179 = tpu.memref_slice %arg12[%dma_wait3A_177, %dma_wait3A_178] : memref<8x125xi32, #tpu.memory_space<vmem>> -> memref<1x125xi32, #tpu.memory_space<vmem>>
      %dma_wait3A_180 = tpu.memref_squeeze %dma_wait3A_179 : memref<1x125xi32, #tpu.memory_space<vmem>> -> memref<125xi32, #tpu.memory_space<vmem>>
      %dma_wait3A_181 = arith.constant 0 : i32
      %dma_wait3A_182 = arith.constant 0 : i32
      %dma_wait3A_183 = tpu.memref_slice %arg17[%dma_wait3A_181, %dma_wait3A_182] : memref<10000x128xf32, #tpu.memory_space<vmem_shared>> -> memref<10000x128xf32, #tpu.memory_space<vmem_shared>>
      tpu.wait_indirect_dma semaphore(%arg22 : memref<!tpu.dma_semaphore, #tpu.memory_space<semaphore_mem>>) src(%arg13 : memref<125x128xf32, #tpu.memory_space<vmem>>) dst(%dma_wait3A_183 : memref<10000x128xf32, #tpu.memory_space<vmem_shared>>)
      %dma_start3A_184 = arith.constant 4 : i32
      %dma_start3A_185 = arith.constant 0 : i32
      %dma_start3A_186 = tpu.memref_slice %arg10[%dma_start3A_184, %dma_start3A_185] : memref<8x125xi32, #tpu.memory_space<vmem>> -> memref<1x125xi32, #tpu.memory_space<vmem>>
      %dma_start3A_187 = tpu.memref_squeeze %dma_start3A_186 : memref<1x125xi32, #tpu.memory_space<vmem>> -> memref<125xi32, #tpu.memory_space<vmem>>
      %dma_start3A_188 = arith.constant 0 : i32
      %dma_start3A_189 = arith.constant 0 : i32
      %dma_start3A_190 = tpu.memref_slice %arg2[%dma_start3A_188, %dma_start3A_189] : memref<80000x128xf32, #tpu.memory_space<hbm>> -> memref<80000x128xf32, #tpu.memory_space<hbm>>
      tpu.enqueue_indirect_dma source(%dma_start3A_190 : memref<80000x128xf32, #tpu.memory_space<hbm>>) target(%arg13 : memref<125x128xf32, #tpu.memory_space<vmem>>) offsets(%dma_start3A_187 : memref<125xi32, #tpu.memory_space<vmem>>) semaphore(%arg18 : memref<!tpu.dma_semaphore, #tpu.memory_space<semaphore_mem>>)
      %dma_start3A_191 = arith.constant 4 : i32
      %dma_start3A_192 = arith.constant 0 : i32
      %dma_start3A_193 = tpu.memref_slice %arg11[%dma_start3A_191, %dma_start3A_192] : memref<8x125xi32, #tpu.memory_space<vmem>> -> memref<1x125xi32, #tpu.memory_space<vmem>>
      %dma_start3A_194 = tpu.memref_squeeze %dma_start3A_193 : memref<1x125xi32, #tpu.memory_space<vmem>> -> memref<125xi32, #tpu.memory_space<vmem>>
      %dma_start3A_195 = arith.constant 0 : i32
      %dma_start3A_196 = tpu.memref_slice %arg3[%dma_start3A_195] : memref<80000xf32, #tpu.memory_space<hbm>> -> memref<80000xf32, #tpu.memory_space<hbm>>
      tpu.enqueue_indirect_dma source(%dma_start3A_196 : memref<80000xf32, #tpu.memory_space<hbm>>) target(%arg15 : memref<125xf32, #tpu.memory_space<vmem>>) offsets(%dma_start3A_194 : memref<125xi32, #tpu.memory_space<vmem>>) semaphore(%arg20 : memref<!tpu.dma_semaphore, #tpu.memory_space<semaphore_mem>>)
      %dma_wait3A_197 = arith.constant 3 : i32
      %dma_wait3A_198 = arith.constant 0 : i32
      %dma_wait3A_199 = tpu.memref_slice %arg11[%dma_wait3A_197, %dma_wait3A_198] : memref<8x125xi32, #tpu.memory_space<vmem>> -> memref<1x125xi32, #tpu.memory_space<vmem>>
      %dma_wait3A_200 = tpu.memref_squeeze %dma_wait3A_199 : memref<1x125xi32, #tpu.memory_space<vmem>> -> memref<125xi32, #tpu.memory_space<vmem>>
      %dma_wait3A_201 = arith.constant 0 : i32
      %dma_wait3A_202 = tpu.memref_slice %arg3[%dma_wait3A_201] : memref<80000xf32, #tpu.memory_space<hbm>> -> memref<80000xf32, #tpu.memory_space<hbm>>
      tpu.wait_indirect_dma semaphore(%arg21 : memref<!tpu.dma_semaphore, #tpu.memory_space<semaphore_mem>>) src(%dma_wait3A_202 : memref<80000xf32, #tpu.memory_space<hbm>>) dst(%arg16 : memref<125xf32, #tpu.memory_space<vmem>>)
      %dma_wait3A_203 = arith.constant 3 : i32
      %dma_wait3A_204 = arith.constant 0 : i32
      %dma_wait3A_205 = tpu.memref_slice %arg10[%dma_wait3A_203, %dma_wait3A_204] : memref<8x125xi32, #tpu.memory_space<vmem>> -> memref<1x125xi32, #tpu.memory_space<vmem>>
      %dma_wait3A_206 = tpu.memref_squeeze %dma_wait3A_205 : memref<1x125xi32, #tpu.memory_space<vmem>> -> memref<125xi32, #tpu.memory_space<vmem>>
      %dma_wait3A_207 = arith.constant 0 : i32
      %dma_wait3A_208 = arith.constant 0 : i32
      %dma_wait3A_209 = tpu.memref_slice %arg2[%dma_wait3A_207, %dma_wait3A_208] : memref<80000x128xf32, #tpu.memory_space<hbm>> -> memref<80000x128xf32, #tpu.memory_space<hbm>>
      tpu.wait_indirect_dma semaphore(%arg19 : memref<!tpu.dma_semaphore, #tpu.memory_space<semaphore_mem>>) src(%dma_wait3A_209 : memref<80000x128xf32, #tpu.memory_space<hbm>>) dst(%arg14 : memref<125x128xf32, #tpu.memory_space<vmem>>)
      %scan3A_210 = arith.constant 0 : i32
      %scan3A_211 = arith.constant 0 : i32
      %scan3A_212 = arith.constant 125 : i32
      %scan3A_213 = arith.addi %scan3A_211, %scan3A_212 : i32
      %scan3A_214 = arith.constant 1 : i32
      %scan3A_215 = scf.for %scan3A_407 = %scan3A_211 to %scan3A_213 step %scan3A_214 iter_args(%scan3A_408 = %scan3A_210) -> (i32)  : i32 {
        %broadcast_in_dim3A = vector.broadcast %scan3A_407 : i32 to vector<16xi32>
        %gather3A = tpu.vector_load_idx %arg16[%broadcast_in_dim3A] : memref<125xf32, #tpu.memory_space<vmem>>[vector<16xi32>], vector<16xf32>,
        %get3A = arith.index_cast %scan3A_407 : i32 to index
        %get3A_409 = arith.constant 0 : index
        %get3A_410 = tpu.vector_load %arg14[%get3A, %get3A_409] {strides = array<i32>} : memref<125x128xf32, #tpu.memory_space<vmem>>, vector<16xf32>,
        %mul3A_411 = arith.mulf %get3A_410, %gather3A : vector<16xf32>
        %swap3A = arith.index_cast %scan3A_407 : i32 to index
        %swap3A_412 = arith.constant 0 : index
        %swap3A_413 = tpu.vector_load %arg14[%swap3A, %swap3A_412] {strides = array<i32>} : memref<125x128xf32, #tpu.memory_space<vmem>>, vector<16xf32>,
        tpu.vector_store %arg14[%swap3A, %swap3A_412], %mul3A_411 {strides = array<i32>} : memref<125x128xf32, #tpu.memory_space<vmem>>, vector<16xf32>,
        %get3A_414 = arith.index_cast %scan3A_407 : i32 to index
        %get3A_415 = arith.constant 16 : index
        %get3A_416 = tpu.vector_load %arg14[%get3A_414, %get3A_415] {strides = array<i32>} : memref<125x128xf32, #tpu.memory_space<vmem>>, vector<16xf32>,
        %mul3A_417 = arith.mulf %get3A_416, %gather3A : vector<16xf32>
        %swap3A_418 = arith.index_cast %scan3A_407 : i32 to index
        %swap3A_419 = arith.constant 16 : index
        %swap3A_420 = tpu.vector_load %arg14[%swap3A_418, %swap3A_419] {strides = array<i32>} : memref<125x128xf32, #tpu.memory_space<vmem>>, vector<16xf32>,
        tpu.vector_store %arg14[%swap3A_418, %swap3A_419], %mul3A_417 {strides = array<i32>} : memref<125x128xf32, #tpu.memory_space<vmem>>, vector<16xf32>,
        %get3A_421 = arith.index_cast %scan3A_407 : i32 to index
        %get3A_422 = arith.constant 32 : index
        %get3A_423 = tpu.vector_load %arg14[%get3A_421, %get3A_422] {strides = array<i32>} : memref<125x128xf32, #tpu.memory_space<vmem>>, vector<16xf32>,
        %mul3A_424 = arith.mulf %get3A_423, %gather3A : vector<16xf32>
        %swap3A_425 = arith.index_cast %scan3A_407 : i32 to index
        %swap3A_426 = arith.constant 32 : index
        %swap3A_427 = tpu.vector_load %arg14[%swap3A_425, %swap3A_426] {strides = array<i32>} : memref<125x128xf32, #tpu.memory_space<vmem>>, vector<16xf32>,
        tpu.vector_store %arg14[%swap3A_425, %swap3A_426], %mul3A_424 {strides = array<i32>} : memref<125x128xf32, #tpu.memory_space<vmem>>, vector<16xf32>,
        %get3A_428 = arith.index_cast %scan3A_407 : i32 to index
        %get3A_429 = arith.constant 48 : index
        %get3A_430 = tpu.vector_load %arg14[%get3A_428, %get3A_429] {strides = array<i32>} : memref<125x128xf32, #tpu.memory_space<vmem>>, vector<16xf32>,
        %mul3A_431 = arith.mulf %get3A_430, %gather3A : vector<16xf32>
        %swap3A_432 = arith.index_cast %scan3A_407 : i32 to index
        %swap3A_433 = arith.constant 48 : index
        %swap3A_434 = tpu.vector_load %arg14[%swap3A_432, %swap3A_433] {strides = array<i32>} : memref<125x128xf32, #tpu.memory_space<vmem>>, vector<16xf32>,
        tpu.vector_store %arg14[%swap3A_432, %swap3A_433], %mul3A_431 {strides = array<i32>} : memref<125x128xf32, #tpu.memory_space<vmem>>, vector<16xf32>,
        %get3A_435 = arith.index_cast %scan3A_407 : i32 to index
        %get3A_436 = arith.constant 64 : index
        %get3A_437 = tpu.vector_load %arg14[%get3A_435, %get3A_436] {strides = array<i32>} : memref<125x128xf32, #tpu.memory_space<vmem>>, vector<16xf32>,
        %mul3A_438 = arith.mulf %get3A_437, %gather3A : vector<16xf32>
        %swap3A_439 = arith.index_cast %scan3A_407 : i32 to index
        %swap3A_440 = arith.constant 64 : index
        %swap3A_441 = tpu.vector_load %arg14[%swap3A_439, %swap3A_440] {strides = array<i32>} : memref<125x128xf32, #tpu.memory_space<vmem>>, vector<16xf32>,
        tpu.vector_store %arg14[%swap3A_439, %swap3A_440], %mul3A_438 {strides = array<i32>} : memref<125x128xf32, #tpu.memory_space<vmem>>, vector<16xf32>,
        %get3A_442 = arith.index_cast %scan3A_407 : i32 to index
        %get3A_443 = arith.constant 80 : index
        %get3A_444 = tpu.vector_load %arg14[%get3A_442, %get3A_443] {strides = array<i32>} : memref<125x128xf32, #tpu.memory_space<vmem>>, vector<16xf32>,
        %mul3A_445 = arith.mulf %get3A_444, %gather3A : vector<16xf32>
        %swap3A_446 = arith.index_cast %scan3A_407 : i32 to index
        %swap3A_447 = arith.constant 80 : index
        %swap3A_448 = tpu.vector_load %arg14[%swap3A_446, %swap3A_447] {strides = array<i32>} : memref<125x128xf32, #tpu.memory_space<vmem>>, vector<16xf32>,
        tpu.vector_store %arg14[%swap3A_446, %swap3A_447], %mul3A_445 {strides = array<i32>} : memref<125x128xf32, #tpu.memory_space<vmem>>, vector<16xf32>,
        %get3A_449 = arith.index_cast %scan3A_407 : i32 to index
        %get3A_450 = arith.constant 96 : index
        %get3A_451 = tpu.vector_load %arg14[%get3A_449, %get3A_450] {strides = array<i32>} : memref<125x128xf32, #tpu.memory_space<vmem>>, vector<16xf32>,
        %mul3A_452 = arith.mulf %get3A_451, %gather3A : vector<16xf32>
        %swap3A_453 = arith.index_cast %scan3A_407 : i32 to index
        %swap3A_454 = arith.constant 96 : index
        %swap3A_455 = tpu.vector_load %arg14[%swap3A_453, %swap3A_454] {strides = array<i32>} : memref<125x128xf32, #tpu.memory_space<vmem>>, vector<16xf32>,
        tpu.vector_store %arg14[%swap3A_453, %swap3A_454], %mul3A_452 {strides = array<i32>} : memref<125x128xf32, #tpu.memory_space<vmem>>, vector<16xf32>,
        %get3A_456 = arith.index_cast %scan3A_407 : i32 to index
        %get3A_457 = arith.constant 112 : index
        %get3A_458 = tpu.vector_load %arg14[%get3A_456, %get3A_457] {strides = array<i32>} : memref<125x128xf32, #tpu.memory_space<vmem>>, vector<16xf32>,
        %mul3A_459 = arith.mulf %get3A_458, %gather3A : vector<16xf32>
        %swap3A_460 = arith.index_cast %scan3A_407 : i32 to index
        %swap3A_461 = arith.constant 112 : index
        %swap3A_462 = tpu.vector_load %arg14[%swap3A_460, %swap3A_461] {strides = array<i32>} : memref<125x128xf32, #tpu.memory_space<vmem>>, vector<16xf32>,
        tpu.vector_store %arg14[%swap3A_460, %swap3A_461], %mul3A_459 {strides = array<i32>} : memref<125x128xf32, #tpu.memory_space<vmem>>, vector<16xf32>,
        %scan3A_463 = arith.constant 0 : i32
        scf.yield %scan3A_463 : i32
      }
      %scan3A_216 = arith.constant 125 : i32
      %dma_start3A_217 = arith.constant 3 : i32
      %dma_start3A_218 = arith.constant 0 : i32
      %dma_start3A_219 = tpu.memref_slice %arg12[%dma_start3A_217, %dma_start3A_218] : memref<8x125xi32, #tpu.memory_space<vmem>> -> memref<1x125xi32, #tpu.memory_space<vmem>>
      %dma_start3A_220 = tpu.memref_squeeze %dma_start3A_219 : memref<1x125xi32, #tpu.memory_space<vmem>> -> memref<125xi32, #tpu.memory_space<vmem>>
      %dma_start3A_221 = arith.constant 0 : i32
      %dma_start3A_222 = arith.constant 0 : i32
      %dma_start3A_223 = tpu.memref_slice %arg17[%dma_start3A_221, %dma_start3A_222] : memref<10000x128xf32, #tpu.memory_space<vmem_shared>> -> memref<10000x128xf32, #tpu.memory_space<vmem_shared>>
      tpu.enqueue_indirect_dma source(%arg14 : memref<125x128xf32, #tpu.memory_space<vmem>>) target(%dma_start3A_223 : memref<10000x128xf32, #tpu.memory_space<vmem_shared>>) offsets(%dma_start3A_220 : memref<125xi32, #tpu.memory_space<vmem>>) semaphore(%arg23 : memref<!tpu.dma_semaphore, #tpu.memory_space<semaphore_mem>>) {add = true}
      %dma_wait3A_224 = arith.constant 3 : i32
      %dma_wait3A_225 = arith.constant 0 : i32
      %dma_wait3A_226 = tpu.memref_slice %arg12[%dma_wait3A_224, %dma_wait3A_225] : memref<8x125xi32, #tpu.memory_space<vmem>> -> memref<1x125xi32, #tpu.memory_space<vmem>>
      %dma_wait3A_227 = tpu.memref_squeeze %dma_wait3A_226 : memref<1x125xi32, #tpu.memory_space<vmem>> -> memref<125xi32, #tpu.memory_space<vmem>>
      %dma_wait3A_228 = arith.constant 0 : i32
      %dma_wait3A_229 = arith.constant 0 : i32
      %dma_wait3A_230 = tpu.memref_slice %arg17[%dma_wait3A_228, %dma_wait3A_229] : memref<10000x128xf32, #tpu.memory_space<vmem_shared>> -> memref<10000x128xf32, #tpu.memory_space<vmem_shared>>
      tpu.wait_indirect_dma semaphore(%arg23 : memref<!tpu.dma_semaphore, #tpu.memory_space<semaphore_mem>>) src(%arg14 : memref<125x128xf32, #tpu.memory_space<vmem>>) dst(%dma_wait3A_230 : memref<10000x128xf32, #tpu.memory_space<vmem_shared>>)
      %dma_start3A_231 = arith.constant 5 : i32
      %dma_start3A_232 = arith.constant 0 : i32
      %dma_start3A_233 = tpu.memref_slice %arg10[%dma_start3A_231, %dma_start3A_232] : memref<8x125xi32, #tpu.memory_space<vmem>> -> memref<1x125xi32, #tpu.memory_space<vmem>>
      %dma_start3A_234 = tpu.memref_squeeze %dma_start3A_233 : memref<1x125xi32, #tpu.memory_space<vmem>> -> memref<125xi32, #tpu.memory_space<vmem>>
      %dma_start3A_235 = arith.constant 0 : i32
      %dma_start3A_236 = arith.constant 0 : i32
      %dma_start3A_237 = tpu.memref_slice %arg2[%dma_start3A_235, %dma_start3A_236] : memref<80000x128xf32, #tpu.memory_space<hbm>> -> memref<80000x128xf32, #tpu.memory_space<hbm>>
      tpu.enqueue_indirect_dma source(%dma_start3A_237 : memref<80000x128xf32, #tpu.memory_space<hbm>>) target(%arg14 : memref<125x128xf32, #tpu.memory_space<vmem>>) offsets(%dma_start3A_234 : memref<125xi32, #tpu.memory_space<vmem>>) semaphore(%arg19 : memref<!tpu.dma_semaphore, #tpu.memory_space<semaphore_mem>>)
      %dma_start3A_238 = arith.constant 5 : i32
      %dma_start3A_239 = arith.constant 0 : i32
      %dma_start3A_240 = tpu.memref_slice %arg11[%dma_start3A_238, %dma_start3A_239] : memref<8x125xi32, #tpu.memory_space<vmem>> -> memref<1x125xi32, #tpu.memory_space<vmem>>
      %dma_start3A_241 = tpu.memref_squeeze %dma_start3A_240 : memref<1x125xi32, #tpu.memory_space<vmem>> -> memref<125xi32, #tpu.memory_space<vmem>>
      %dma_start3A_242 = arith.constant 0 : i32
      %dma_start3A_243 = tpu.memref_slice %arg3[%dma_start3A_242] : memref<80000xf32, #tpu.memory_space<hbm>> -> memref<80000xf32, #tpu.memory_space<hbm>>
      tpu.enqueue_indirect_dma source(%dma_start3A_243 : memref<80000xf32, #tpu.memory_space<hbm>>) target(%arg16 : memref<125xf32, #tpu.memory_space<vmem>>) offsets(%dma_start3A_241 : memref<125xi32, #tpu.memory_space<vmem>>) semaphore(%arg21 : memref<!tpu.dma_semaphore, #tpu.memory_space<semaphore_mem>>)
      %dma_wait3A_244 = arith.constant 4 : i32
      %dma_wait3A_245 = arith.constant 0 : i32
      %dma_wait3A_246 = tpu.memref_slice %arg11[%dma_wait3A_244, %dma_wait3A_245] : memref<8x125xi32, #tpu.memory_space<vmem>> -> memref<1x125xi32, #tpu.memory_space<vmem>>
      %dma_wait3A_247 = tpu.memref_squeeze %dma_wait3A_246 : memref<1x125xi32, #tpu.memory_space<vmem>> -> memref<125xi32, #tpu.memory_space<vmem>>
      %dma_wait3A_248 = arith.constant 0 : i32
      %dma_wait3A_249 = tpu.memref_slice %arg3[%dma_wait3A_248] : memref<80000xf32, #tpu.memory_space<hbm>> -> memref<80000xf32, #tpu.memory_space<hbm>>
      tpu.wait_indirect_dma semaphore(%arg20 : memref<!tpu.dma_semaphore, #tpu.memory_space<semaphore_mem>>) src(%dma_wait3A_249 : memref<80000xf32, #tpu.memory_space<hbm>>) dst(%arg15 : memref<125xf32, #tpu.memory_space<vmem>>)
      %dma_wait3A_250 = arith.constant 4 : i32
      %dma_wait3A_251 = arith.constant 0 : i32
      %dma_wait3A_252 = tpu.memref_slice %arg10[%dma_wait3A_250, %dma_wait3A_251] : memref<8x125xi32, #tpu.memory_space<vmem>> -> memref<1x125xi32, #tpu.memory_space<vmem>>
      %dma_wait3A_253 = tpu.memref_squeeze %dma_wait3A_252 : memref<1x125xi32, #tpu.memory_space<vmem>> -> memref<125xi32, #tpu.memory_space<vmem>>
      %dma_wait3A_254 = arith.constant 0 : i32
      %dma_wait3A_255 = arith.constant 0 : i32
      %dma_wait3A_256 = tpu.memref_slice %arg2[%dma_wait3A_254, %dma_wait3A_255] : memref<80000x128xf32, #tpu.memory_space<hbm>> -> memref<80000x128xf32, #tpu.memory_space<hbm>>
      tpu.wait_indirect_dma semaphore(%arg18 : memref<!tpu.dma_semaphore, #tpu.memory_space<semaphore_mem>>) src(%dma_wait3A_256 : memref<80000x128xf32, #tpu.memory_space<hbm>>) dst(%arg13 : memref<125x128xf32, #tpu.memory_space<vmem>>)
      %scan3A_257 = arith.constant 0 : i32
      %scan3A_258 = arith.constant 0 : i32
      %scan3A_259 = arith.constant 125 : i32
      %scan3A_260 = arith.addi %scan3A_258, %scan3A_259 : i32
      %scan3A_261 = arith.constant 1 : i32
      %scan3A_262 = scf.for %scan3A_407 = %scan3A_258 to %scan3A_260 step %scan3A_261 iter_args(%scan3A_408 = %scan3A_257) -> (i32)  : i32 {
        %broadcast_in_dim3A = vector.broadcast %scan3A_407 : i32 to vector<16xi32>
        %gather3A = tpu.vector_load_idx %arg15[%broadcast_in_dim3A] : memref<125xf32, #tpu.memory_space<vmem>>[vector<16xi32>], vector<16xf32>,
        %get3A = arith.index_cast %scan3A_407 : i32 to index
        %get3A_409 = arith.constant 0 : index
        %get3A_410 = tpu.vector_load %arg13[%get3A, %get3A_409] {strides = array<i32>} : memref<125x128xf32, #tpu.memory_space<vmem>>, vector<16xf32>,
        %mul3A_411 = arith.mulf %get3A_410, %gather3A : vector<16xf32>
        %swap3A = arith.index_cast %scan3A_407 : i32 to index
        %swap3A_412 = arith.constant 0 : index
        %swap3A_413 = tpu.vector_load %arg13[%swap3A, %swap3A_412] {strides = array<i32>} : memref<125x128xf32, #tpu.memory_space<vmem>>, vector<16xf32>,
        tpu.vector_store %arg13[%swap3A, %swap3A_412], %mul3A_411 {strides = array<i32>} : memref<125x128xf32, #tpu.memory_space<vmem>>, vector<16xf32>,
        %get3A_414 = arith.index_cast %scan3A_407 : i32 to index
        %get3A_415 = arith.constant 16 : index
        %get3A_416 = tpu.vector_load %arg13[%get3A_414, %get3A_415] {strides = array<i32>} : memref<125x128xf32, #tpu.memory_space<vmem>>, vector<16xf32>,
        %mul3A_417 = arith.mulf %get3A_416, %gather3A : vector<16xf32>
        %swap3A_418 = arith.index_cast %scan3A_407 : i32 to index
        %swap3A_419 = arith.constant 16 : index
        %swap3A_420 = tpu.vector_load %arg13[%swap3A_418, %swap3A_419] {strides = array<i32>} : memref<125x128xf32, #tpu.memory_space<vmem>>, vector<16xf32>,
        tpu.vector_store %arg13[%swap3A_418, %swap3A_419], %mul3A_417 {strides = array<i32>} : memref<125x128xf32, #tpu.memory_space<vmem>>, vector<16xf32>,
        %get3A_421 = arith.index_cast %scan3A_407 : i32 to index
        %get3A_422 = arith.constant 32 : index
        %get3A_423 = tpu.vector_load %arg13[%get3A_421, %get3A_422] {strides = array<i32>} : memref<125x128xf32, #tpu.memory_space<vmem>>, vector<16xf32>,
        %mul3A_424 = arith.mulf %get3A_423, %gather3A : vector<16xf32>
        %swap3A_425 = arith.index_cast %scan3A_407 : i32 to index
        %swap3A_426 = arith.constant 32 : index
        %swap3A_427 = tpu.vector_load %arg13[%swap3A_425, %swap3A_426] {strides = array<i32>} : memref<125x128xf32, #tpu.memory_space<vmem>>, vector<16xf32>,
        tpu.vector_store %arg13[%swap3A_425, %swap3A_426], %mul3A_424 {strides = array<i32>} : memref<125x128xf32, #tpu.memory_space<vmem>>, vector<16xf32>,
        %get3A_428 = arith.index_cast %scan3A_407 : i32 to index
        %get3A_429 = arith.constant 48 : index
        %get3A_430 = tpu.vector_load %arg13[%get3A_428, %get3A_429] {strides = array<i32>} : memref<125x128xf32, #tpu.memory_space<vmem>>, vector<16xf32>,
        %mul3A_431 = arith.mulf %get3A_430, %gather3A : vector<16xf32>
        %swap3A_432 = arith.index_cast %scan3A_407 : i32 to index
        %swap3A_433 = arith.constant 48 : index
        %swap3A_434 = tpu.vector_load %arg13[%swap3A_432, %swap3A_433] {strides = array<i32>} : memref<125x128xf32, #tpu.memory_space<vmem>>, vector<16xf32>,
        tpu.vector_store %arg13[%swap3A_432, %swap3A_433], %mul3A_431 {strides = array<i32>} : memref<125x128xf32, #tpu.memory_space<vmem>>, vector<16xf32>,
        %get3A_435 = arith.index_cast %scan3A_407 : i32 to index
        %get3A_436 = arith.constant 64 : index
        %get3A_437 = tpu.vector_load %arg13[%get3A_435, %get3A_436] {strides = array<i32>} : memref<125x128xf32, #tpu.memory_space<vmem>>, vector<16xf32>,
        %mul3A_438 = arith.mulf %get3A_437, %gather3A : vector<16xf32>
        %swap3A_439 = arith.index_cast %scan3A_407 : i32 to index
        %swap3A_440 = arith.constant 64 : index
        %swap3A_441 = tpu.vector_load %arg13[%swap3A_439, %swap3A_440] {strides = array<i32>} : memref<125x128xf32, #tpu.memory_space<vmem>>, vector<16xf32>,
        tpu.vector_store %arg13[%swap3A_439, %swap3A_440], %mul3A_438 {strides = array<i32>} : memref<125x128xf32, #tpu.memory_space<vmem>>, vector<16xf32>,
        %get3A_442 = arith.index_cast %scan3A_407 : i32 to index
        %get3A_443 = arith.constant 80 : index
        %get3A_444 = tpu.vector_load %arg13[%get3A_442, %get3A_443] {strides = array<i32>} : memref<125x128xf32, #tpu.memory_space<vmem>>, vector<16xf32>,
        %mul3A_445 = arith.mulf %get3A_444, %gather3A : vector<16xf32>
        %swap3A_446 = arith.index_cast %scan3A_407 : i32 to index
        %swap3A_447 = arith.constant 80 : index
        %swap3A_448 = tpu.vector_load %arg13[%swap3A_446, %swap3A_447] {strides = array<i32>} : memref<125x128xf32, #tpu.memory_space<vmem>>, vector<16xf32>,
        tpu.vector_store %arg13[%swap3A_446, %swap3A_447], %mul3A_445 {strides = array<i32>} : memref<125x128xf32, #tpu.memory_space<vmem>>, vector<16xf32>,
        %get3A_449 = arith.index_cast %scan3A_407 : i32 to index
        %get3A_450 = arith.constant 96 : index
        %get3A_451 = tpu.vector_load %arg13[%get3A_449, %get3A_450] {strides = array<i32>} : memref<125x128xf32, #tpu.memory_space<vmem>>, vector<16xf32>,
        %mul3A_452 = arith.mulf %get3A_451, %gather3A : vector<16xf32>
        %swap3A_453 = arith.index_cast %scan3A_407 : i32 to index
        %swap3A_454 = arith.constant 96 : index
        %swap3A_455 = tpu.vector_load %arg13[%swap3A_453, %swap3A_454] {strides = array<i32>} : memref<125x128xf32, #tpu.memory_space<vmem>>, vector<16xf32>,
        tpu.vector_store %arg13[%swap3A_453, %swap3A_454], %mul3A_452 {strides = array<i32>} : memref<125x128xf32, #tpu.memory_space<vmem>>, vector<16xf32>,
        %get3A_456 = arith.index_cast %scan3A_407 : i32 to index
        %get3A_457 = arith.constant 112 : index
        %get3A_458 = tpu.vector_load %arg13[%get3A_456, %get3A_457] {strides = array<i32>} : memref<125x128xf32, #tpu.memory_space<vmem>>, vector<16xf32>,
        %mul3A_459 = arith.mulf %get3A_458, %gather3A : vector<16xf32>
        %swap3A_460 = arith.index_cast %scan3A_407 : i32 to index
        %swap3A_461 = arith.constant 112 : index
        %swap3A_462 = tpu.vector_load %arg13[%swap3A_460, %swap3A_461] {strides = array<i32>} : memref<125x128xf32, #tpu.memory_space<vmem>>, vector<16xf32>,
        tpu.vector_store %arg13[%swap3A_460, %swap3A_461], %mul3A_459 {strides = array<i32>} : memref<125x128xf32, #tpu.memory_space<vmem>>, vector<16xf32>,
        %scan3A_463 = arith.constant 0 : i32
        scf.yield %scan3A_463 : i32
      }
      %scan3A_263 = arith.constant 125 : i32
      %dma_start3A_264 = arith.constant 4 : i32
      %dma_start3A_265 = arith.constant 0 : i32
      %dma_start3A_266 = tpu.memref_slice %arg12[%dma_start3A_264, %dma_start3A_265] : memref<8x125xi32, #tpu.memory_space<vmem>> -> memref<1x125xi32, #tpu.memory_space<vmem>>
      %dma_start3A_267 = tpu.memref_squeeze %dma_start3A_266 : memref<1x125xi32, #tpu.memory_space<vmem>> -> memref<125xi32, #tpu.memory_space<vmem>>
      %dma_start3A_268 = arith.constant 0 : i32
      %dma_start3A_269 = arith.constant 0 : i32
      %dma_start3A_270 = tpu.memref_slice %arg17[%dma_start3A_268, %dma_start3A_269] : memref<10000x128xf32, #tpu.memory_space<vmem_shared>> -> memref<10000x128xf32, #tpu.memory_space<vmem_shared>>
      tpu.enqueue_indirect_dma source(%arg13 : memref<125x128xf32, #tpu.memory_space<vmem>>) target(%dma_start3A_270 : memref<10000x128xf32, #tpu.memory_space<vmem_shared>>) offsets(%dma_start3A_267 : memref<125xi32, #tpu.memory_space<vmem>>) semaphore(%arg22 : memref<!tpu.dma_semaphore, #tpu.memory_space<semaphore_mem>>) {add = true}
      %dma_wait3A_271 = arith.constant 4 : i32
      %dma_wait3A_272 = arith.constant 0 : i32
      %dma_wait3A_273 = tpu.memref_slice %arg12[%dma_wait3A_271, %dma_wait3A_272] : memref<8x125xi32, #tpu.memory_space<vmem>> -> memref<1x125xi32, #tpu.memory_space<vmem>>
      %dma_wait3A_274 = tpu.memref_squeeze %dma_wait3A_273 : memref<1x125xi32, #tpu.memory_space<vmem>> -> memref<125xi32, #tpu.memory_space<vmem>>
      %dma_wait3A_275 = arith.constant 0 : i32
      %dma_wait3A_276 = arith.constant 0 : i32
      %dma_wait3A_277 = tpu.memref_slice %arg17[%dma_wait3A_275, %dma_wait3A_276] : memref<10000x128xf32, #tpu.memory_space<vmem_shared>> -> memref<10000x128xf32, #tpu.memory_space<vmem_shared>>
      tpu.wait_indirect_dma semaphore(%arg22 : memref<!tpu.dma_semaphore, #tpu.memory_space<semaphore_mem>>) src(%arg13 : memref<125x128xf32, #tpu.memory_space<vmem>>) dst(%dma_wait3A_277 : memref<10000x128xf32, #tpu.memory_space<vmem_shared>>)
      %dma_start3A_278 = arith.constant 6 : i32
      %dma_start3A_279 = arith.constant 0 : i32
      %dma_start3A_280 = tpu.memref_slice %arg10[%dma_start3A_278, %dma_start3A_279] : memref<8x125xi32, #tpu.memory_space<vmem>> -> memref<1x125xi32, #tpu.memory_space<vmem>>
      %dma_start3A_281 = tpu.memref_squeeze %dma_start3A_280 : memref<1x125xi32, #tpu.memory_space<vmem>> -> memref<125xi32, #tpu.memory_space<vmem>>
      %dma_start3A_282 = arith.constant 0 : i32
      %dma_start3A_283 = arith.constant 0 : i32
      %dma_start3A_284 = tpu.memref_slice %arg2[%dma_start3A_282, %dma_start3A_283] : memref<80000x128xf32, #tpu.memory_space<hbm>> -> memref<80000x128xf32, #tpu.memory_space<hbm>>
      tpu.enqueue_indirect_dma source(%dma_start3A_284 : memref<80000x128xf32, #tpu.memory_space<hbm>>) target(%arg13 : memref<125x128xf32, #tpu.memory_space<vmem>>) offsets(%dma_start3A_281 : memref<125xi32, #tpu.memory_space<vmem>>) semaphore(%arg18 : memref<!tpu.dma_semaphore, #tpu.memory_space<semaphore_mem>>)
      %dma_start3A_285 = arith.constant 6 : i32
      %dma_start3A_286 = arith.constant 0 : i32
      %dma_start3A_287 = tpu.memref_slice %arg11[%dma_start3A_285, %dma_start3A_286] : memref<8x125xi32, #tpu.memory_space<vmem>> -> memref<1x125xi32, #tpu.memory_space<vmem>>
      %dma_start3A_288 = tpu.memref_squeeze %dma_start3A_287 : memref<1x125xi32, #tpu.memory_space<vmem>> -> memref<125xi32, #tpu.memory_space<vmem>>
      %dma_start3A_289 = arith.constant 0 : i32
      %dma_start3A_290 = tpu.memref_slice %arg3[%dma_start3A_289] : memref<80000xf32, #tpu.memory_space<hbm>> -> memref<80000xf32, #tpu.memory_space<hbm>>
      tpu.enqueue_indirect_dma source(%dma_start3A_290 : memref<80000xf32, #tpu.memory_space<hbm>>) target(%arg15 : memref<125xf32, #tpu.memory_space<vmem>>) offsets(%dma_start3A_288 : memref<125xi32, #tpu.memory_space<vmem>>) semaphore(%arg20 : memref<!tpu.dma_semaphore, #tpu.memory_space<semaphore_mem>>)
      %dma_wait3A_291 = arith.constant 5 : i32
      %dma_wait3A_292 = arith.constant 0 : i32
      %dma_wait3A_293 = tpu.memref_slice %arg11[%dma_wait3A_291, %dma_wait3A_292] : memref<8x125xi32, #tpu.memory_space<vmem>> -> memref<1x125xi32, #tpu.memory_space<vmem>>
      %dma_wait3A_294 = tpu.memref_squeeze %dma_wait3A_293 : memref<1x125xi32, #tpu.memory_space<vmem>> -> memref<125xi32, #tpu.memory_space<vmem>>
      %dma_wait3A_295 = arith.constant 0 : i32
      %dma_wait3A_296 = tpu.memref_slice %arg3[%dma_wait3A_295] : memref<80000xf32, #tpu.memory_space<hbm>> -> memref<80000xf32, #tpu.memory_space<hbm>>
      tpu.wait_indirect_dma semaphore(%arg21 : memref<!tpu.dma_semaphore, #tpu.memory_space<semaphore_mem>>) src(%dma_wait3A_296 : memref<80000xf32, #tpu.memory_space<hbm>>) dst(%arg16 : memref<125xf32, #tpu.memory_space<vmem>>)
      %dma_wait3A_297 = arith.constant 5 : i32
      %dma_wait3A_298 = arith.constant 0 : i32
      %dma_wait3A_299 = tpu.memref_slice %arg10[%dma_wait3A_297, %dma_wait3A_298] : memref<8x125xi32, #tpu.memory_space<vmem>> -> memref<1x125xi32, #tpu.memory_space<vmem>>
      %dma_wait3A_300 = tpu.memref_squeeze %dma_wait3A_299 : memref<1x125xi32, #tpu.memory_space<vmem>> -> memref<125xi32, #tpu.memory_space<vmem>>
      %dma_wait3A_301 = arith.constant 0 : i32
      %dma_wait3A_302 = arith.constant 0 : i32
      %dma_wait3A_303 = tpu.memref_slice %arg2[%dma_wait3A_301, %dma_wait3A_302] : memref<80000x128xf32, #tpu.memory_space<hbm>> -> memref<80000x128xf32, #tpu.memory_space<hbm>>
      tpu.wait_indirect_dma semaphore(%arg19 : memref<!tpu.dma_semaphore, #tpu.memory_space<semaphore_mem>>) src(%dma_wait3A_303 : memref<80000x128xf32, #tpu.memory_space<hbm>>) dst(%arg14 : memref<125x128xf32, #tpu.memory_space<vmem>>)
      %scan3A_304 = arith.constant 0 : i32
      %scan3A_305 = arith.constant 0 : i32
      %scan3A_306 = arith.constant 125 : i32
      %scan3A_307 = arith.addi %scan3A_305, %scan3A_306 : i32
      %scan3A_308 = arith.constant 1 : i32
      %scan3A_309 = scf.for %scan3A_407 = %scan3A_305 to %scan3A_307 step %scan3A_308 iter_args(%scan3A_408 = %scan3A_304) -> (i32)  : i32 {
        %broadcast_in_dim3A = vector.broadcast %scan3A_407 : i32 to vector<16xi32>
        %gather3A = tpu.vector_load_idx %arg16[%broadcast_in_dim3A] : memref<125xf32, #tpu.memory_space<vmem>>[vector<16xi32>], vector<16xf32>,
        %get3A = arith.index_cast %scan3A_407 : i32 to index
        %get3A_409 = arith.constant 0 : index
        %get3A_410 = tpu.vector_load %arg14[%get3A, %get3A_409] {strides = array<i32>} : memref<125x128xf32, #tpu.memory_space<vmem>>, vector<16xf32>,
        %mul3A_411 = arith.mulf %get3A_410, %gather3A : vector<16xf32>
        %swap3A = arith.index_cast %scan3A_407 : i32 to index
        %swap3A_412 = arith.constant 0 : index
        %swap3A_413 = tpu.vector_load %arg14[%swap3A, %swap3A_412] {strides = array<i32>} : memref<125x128xf32, #tpu.memory_space<vmem>>, vector<16xf32>,
        tpu.vector_store %arg14[%swap3A, %swap3A_412], %mul3A_411 {strides = array<i32>} : memref<125x128xf32, #tpu.memory_space<vmem>>, vector<16xf32>,
        %get3A_414 = arith.index_cast %scan3A_407 : i32 to index
        %get3A_415 = arith.constant 16 : index
        %get3A_416 = tpu.vector_load %arg14[%get3A_414, %get3A_415] {strides = array<i32>} : memref<125x128xf32, #tpu.memory_space<vmem>>, vector<16xf32>,
        %mul3A_417 = arith.mulf %get3A_416, %gather3A : vector<16xf32>
        %swap3A_418 = arith.index_cast %scan3A_407 : i32 to index
        %swap3A_419 = arith.constant 16 : index
        %swap3A_420 = tpu.vector_load %arg14[%swap3A_418, %swap3A_419] {strides = array<i32>} : memref<125x128xf32, #tpu.memory_space<vmem>>, vector<16xf32>,
        tpu.vector_store %arg14[%swap3A_418, %swap3A_419], %mul3A_417 {strides = array<i32>} : memref<125x128xf32, #tpu.memory_space<vmem>>, vector<16xf32>,
        %get3A_421 = arith.index_cast %scan3A_407 : i32 to index
        %get3A_422 = arith.constant 32 : index
        %get3A_423 = tpu.vector_load %arg14[%get3A_421, %get3A_422] {strides = array<i32>} : memref<125x128xf32, #tpu.memory_space<vmem>>, vector<16xf32>,
        %mul3A_424 = arith.mulf %get3A_423, %gather3A : vector<16xf32>
        %swap3A_425 = arith.index_cast %scan3A_407 : i32 to index
        %swap3A_426 = arith.constant 32 : index
        %swap3A_427 = tpu.vector_load %arg14[%swap3A_425, %swap3A_426] {strides = array<i32>} : memref<125x128xf32, #tpu.memory_space<vmem>>, vector<16xf32>,
        tpu.vector_store %arg14[%swap3A_425, %swap3A_426], %mul3A_424 {strides = array<i32>} : memref<125x128xf32, #tpu.memory_space<vmem>>, vector<16xf32>,
        %get3A_428 = arith.index_cast %scan3A_407 : i32 to index
        %get3A_429 = arith.constant 48 : index
        %get3A_430 = tpu.vector_load %arg14[%get3A_428, %get3A_429] {strides = array<i32>} : memref<125x128xf32, #tpu.memory_space<vmem>>, vector<16xf32>,
        %mul3A_431 = arith.mulf %get3A_430, %gather3A : vector<16xf32>
        %swap3A_432 = arith.index_cast %scan3A_407 : i32 to index
        %swap3A_433 = arith.constant 48 : index
        %swap3A_434 = tpu.vector_load %arg14[%swap3A_432, %swap3A_433] {strides = array<i32>} : memref<125x128xf32, #tpu.memory_space<vmem>>, vector<16xf32>,
        tpu.vector_store %arg14[%swap3A_432, %swap3A_433], %mul3A_431 {strides = array<i32>} : memref<125x128xf32, #tpu.memory_space<vmem>>, vector<16xf32>,
        %get3A_435 = arith.index_cast %scan3A_407 : i32 to index
        %get3A_436 = arith.constant 64 : index
        %get3A_437 = tpu.vector_load %arg14[%get3A_435, %get3A_436] {strides = array<i32>} : memref<125x128xf32, #tpu.memory_space<vmem>>, vector<16xf32>,
        %mul3A_438 = arith.mulf %get3A_437, %gather3A : vector<16xf32>
        %swap3A_439 = arith.index_cast %scan3A_407 : i32 to index
        %swap3A_440 = arith.constant 64 : index
        %swap3A_441 = tpu.vector_load %arg14[%swap3A_439, %swap3A_440] {strides = array<i32>} : memref<125x128xf32, #tpu.memory_space<vmem>>, vector<16xf32>,
        tpu.vector_store %arg14[%swap3A_439, %swap3A_440], %mul3A_438 {strides = array<i32>} : memref<125x128xf32, #tpu.memory_space<vmem>>, vector<16xf32>,
        %get3A_442 = arith.index_cast %scan3A_407 : i32 to index
        %get3A_443 = arith.constant 80 : index
        %get3A_444 = tpu.vector_load %arg14[%get3A_442, %get3A_443] {strides = array<i32>} : memref<125x128xf32, #tpu.memory_space<vmem>>, vector<16xf32>,
        %mul3A_445 = arith.mulf %get3A_444, %gather3A : vector<16xf32>
        %swap3A_446 = arith.index_cast %scan3A_407 : i32 to index
        %swap3A_447 = arith.constant 80 : index
        %swap3A_448 = tpu.vector_load %arg14[%swap3A_446, %swap3A_447] {strides = array<i32>} : memref<125x128xf32, #tpu.memory_space<vmem>>, vector<16xf32>,
        tpu.vector_store %arg14[%swap3A_446, %swap3A_447], %mul3A_445 {strides = array<i32>} : memref<125x128xf32, #tpu.memory_space<vmem>>, vector<16xf32>,
        %get3A_449 = arith.index_cast %scan3A_407 : i32 to index
        %get3A_450 = arith.constant 96 : index
        %get3A_451 = tpu.vector_load %arg14[%get3A_449, %get3A_450] {strides = array<i32>} : memref<125x128xf32, #tpu.memory_space<vmem>>, vector<16xf32>,
        %mul3A_452 = arith.mulf %get3A_451, %gather3A : vector<16xf32>
        %swap3A_453 = arith.index_cast %scan3A_407 : i32 to index
        %swap3A_454 = arith.constant 96 : index
        %swap3A_455 = tpu.vector_load %arg14[%swap3A_453, %swap3A_454] {strides = array<i32>} : memref<125x128xf32, #tpu.memory_space<vmem>>, vector<16xf32>,
        tpu.vector_store %arg14[%swap3A_453, %swap3A_454], %mul3A_452 {strides = array<i32>} : memref<125x128xf32, #tpu.memory_space<vmem>>, vector<16xf32>,
        %get3A_456 = arith.index_cast %scan3A_407 : i32 to index
        %get3A_457 = arith.constant 112 : index
        %get3A_458 = tpu.vector_load %arg14[%get3A_456, %get3A_457] {strides = array<i32>} : memref<125x128xf32, #tpu.memory_space<vmem>>, vector<16xf32>,
        %mul3A_459 = arith.mulf %get3A_458, %gather3A : vector<16xf32>
        %swap3A_460 = arith.index_cast %scan3A_407 : i32 to index
        %swap3A_461 = arith.constant 112 : index
        %swap3A_462 = tpu.vector_load %arg14[%swap3A_460, %swap3A_461] {strides = array<i32>} : memref<125x128xf32, #tpu.memory_space<vmem>>, vector<16xf32>,
        tpu.vector_store %arg14[%swap3A_460, %swap3A_461], %mul3A_459 {strides = array<i32>} : memref<125x128xf32, #tpu.memory_space<vmem>>, vector<16xf32>,
        %scan3A_463 = arith.constant 0 : i32
        scf.yield %scan3A_463 : i32
      }
      %scan3A_310 = arith.constant 125 : i32
      %dma_start3A_311 = arith.constant 5 : i32
      %dma_start3A_312 = arith.constant 0 : i32
      %dma_start3A_313 = tpu.memref_slice %arg12[%dma_start3A_311, %dma_start3A_312] : memref<8x125xi32, #tpu.memory_space<vmem>> -> memref<1x125xi32, #tpu.memory_space<vmem>>
      %dma_start3A_314 = tpu.memref_squeeze %dma_start3A_313 : memref<1x125xi32, #tpu.memory_space<vmem>> -> memref<125xi32, #tpu.memory_space<vmem>>
      %dma_start3A_315 = arith.constant 0 : i32
      %dma_start3A_316 = arith.constant 0 : i32
      %dma_start3A_317 = tpu.memref_slice %arg17[%dma_start3A_315, %dma_start3A_316] : memref<10000x128xf32, #tpu.memory_space<vmem_shared>> -> memref<10000x128xf32, #tpu.memory_space<vmem_shared>>
      tpu.enqueue_indirect_dma source(%arg14 : memref<125x128xf32, #tpu.memory_space<vmem>>) target(%dma_start3A_317 : memref<10000x128xf32, #tpu.memory_space<vmem_shared>>) offsets(%dma_start3A_314 : memref<125xi32, #tpu.memory_space<vmem>>) semaphore(%arg23 : memref<!tpu.dma_semaphore, #tpu.memory_space<semaphore_mem>>) {add = true}
      %dma_wait3A_318 = arith.constant 5 : i32
      %dma_wait3A_319 = arith.constant 0 : i32
      %dma_wait3A_320 = tpu.memref_slice %arg12[%dma_wait3A_318, %dma_wait3A_319] : memref<8x125xi32, #tpu.memory_space<vmem>> -> memref<1x125xi32, #tpu.memory_space<vmem>>
      %dma_wait3A_321 = tpu.memref_squeeze %dma_wait3A_320 : memref<1x125xi32, #tpu.memory_space<vmem>> -> memref<125xi32, #tpu.memory_space<vmem>>
      %dma_wait3A_322 = arith.constant 0 : i32
      %dma_wait3A_323 = arith.constant 0 : i32
      %dma_wait3A_324 = tpu.memref_slice %arg17[%dma_wait3A_322, %dma_wait3A_323] : memref<10000x128xf32, #tpu.memory_space<vmem_shared>> -> memref<10000x128xf32, #tpu.memory_space<vmem_shared>>
      tpu.wait_indirect_dma semaphore(%arg23 : memref<!tpu.dma_semaphore, #tpu.memory_space<semaphore_mem>>) src(%arg14 : memref<125x128xf32, #tpu.memory_space<vmem>>) dst(%dma_wait3A_324 : memref<10000x128xf32, #tpu.memory_space<vmem_shared>>)
      %dma_start3A_325 = arith.constant 7 : i32
      %dma_start3A_326 = arith.constant 0 : i32
      %dma_start3A_327 = tpu.memref_slice %arg10[%dma_start3A_325, %dma_start3A_326] : memref<8x125xi32, #tpu.memory_space<vmem>> -> memref<1x125xi32, #tpu.memory_space<vmem>>
      %dma_start3A_328 = tpu.memref_squeeze %dma_start3A_327 : memref<1x125xi32, #tpu.memory_space<vmem>> -> memref<125xi32, #tpu.memory_space<vmem>>
      %dma_start3A_329 = arith.constant 0 : i32
      %dma_start3A_330 = arith.constant 0 : i32
      %dma_start3A_331 = tpu.memref_slice %arg2[%dma_start3A_329, %dma_start3A_330] : memref<80000x128xf32, #tpu.memory_space<hbm>> -> memref<80000x128xf32, #tpu.memory_space<hbm>>
      tpu.enqueue_indirect_dma source(%dma_start3A_331 : memref<80000x128xf32, #tpu.memory_space<hbm>>) target(%arg14 : memref<125x128xf32, #tpu.memory_space<vmem>>) offsets(%dma_start3A_328 : memref<125xi32, #tpu.memory_space<vmem>>) semaphore(%arg19 : memref<!tpu.dma_semaphore, #tpu.memory_space<semaphore_mem>>)
      %dma_start3A_332 = arith.constant 7 : i32
      %dma_start3A_333 = arith.constant 0 : i32
      %dma_start3A_334 = tpu.memref_slice %arg11[%dma_start3A_332, %dma_start3A_333] : memref<8x125xi32, #tpu.memory_space<vmem>> -> memref<1x125xi32, #tpu.memory_space<vmem>>
      %dma_start3A_335 = tpu.memref_squeeze %dma_start3A_334 : memref<1x125xi32, #tpu.memory_space<vmem>> -> memref<125xi32, #tpu.memory_space<vmem>>
      %dma_start3A_336 = arith.constant 0 : i32
      %dma_start3A_337 = tpu.memref_slice %arg3[%dma_start3A_336] : memref<80000xf32, #tpu.memory_space<hbm>> -> memref<80000xf32, #tpu.memory_space<hbm>>
      tpu.enqueue_indirect_dma source(%dma_start3A_337 : memref<80000xf32, #tpu.memory_space<hbm>>) target(%arg16 : memref<125xf32, #tpu.memory_space<vmem>>) offsets(%dma_start3A_335 : memref<125xi32, #tpu.memory_space<vmem>>) semaphore(%arg21 : memref<!tpu.dma_semaphore, #tpu.memory_space<semaphore_mem>>)
      %dma_wait3A_338 = arith.constant 6 : i32
      %dma_wait3A_339 = arith.constant 0 : i32
      %dma_wait3A_340 = tpu.memref_slice %arg11[%dma_wait3A_338, %dma_wait3A_339] : memref<8x125xi32, #tpu.memory_space<vmem>> -> memref<1x125xi32, #tpu.memory_space<vmem>>
      %dma_wait3A_341 = tpu.memref_squeeze %dma_wait3A_340 : memref<1x125xi32, #tpu.memory_space<vmem>> -> memref<125xi32, #tpu.memory_space<vmem>>
      %dma_wait3A_342 = arith.constant 0 : i32
      %dma_wait3A_343 = tpu.memref_slice %arg3[%dma_wait3A_342] : memref<80000xf32, #tpu.memory_space<hbm>> -> memref<80000xf32, #tpu.memory_space<hbm>>
      tpu.wait_indirect_dma semaphore(%arg20 : memref<!tpu.dma_semaphore, #tpu.memory_space<semaphore_mem>>) src(%dma_wait3A_343 : memref<80000xf32, #tpu.memory_space<hbm>>) dst(%arg15 : memref<125xf32, #tpu.memory_space<vmem>>)
      %dma_wait3A_344 = arith.constant 6 : i32
      %dma_wait3A_345 = arith.constant 0 : i32
      %dma_wait3A_346 = tpu.memref_slice %arg10[%dma_wait3A_344, %dma_wait3A_345] : memref<8x125xi32, #tpu.memory_space<vmem>> -> memref<1x125xi32, #tpu.memory_space<vmem>>
      %dma_wait3A_347 = tpu.memref_squeeze %dma_wait3A_346 : memref<1x125xi32, #tpu.memory_space<vmem>> -> memref<125xi32, #tpu.memory_space<vmem>>
      %dma_wait3A_348 = arith.constant 0 : i32
      %dma_wait3A_349 = arith.constant 0 : i32
      %dma_wait3A_350 = tpu.memref_slice %arg2[%dma_wait3A_348, %dma_wait3A_349] : memref<80000x128xf32, #tpu.memory_space<hbm>> -> memref<80000x128xf32, #tpu.memory_space<hbm>>
      tpu.wait_indirect_dma semaphore(%arg18 : memref<!tpu.dma_semaphore, #tpu.memory_space<semaphore_mem>>) src(%dma_wait3A_350 : memref<80000x128xf32, #tpu.memory_space<hbm>>) dst(%arg13 : memref<125x128xf32, #tpu.memory_space<vmem>>)
      %scan3A_351 = arith.constant 0 : i32
      %scan3A_352 = arith.constant 0 : i32
      %scan3A_353 = arith.constant 125 : i32
      %scan3A_354 = arith.addi %scan3A_352, %scan3A_353 : i32
      %scan3A_355 = arith.constant 1 : i32
      %scan3A_356 = scf.for %scan3A_407 = %scan3A_352 to %scan3A_354 step %scan3A_355 iter_args(%scan3A_408 = %scan3A_351) -> (i32)  : i32 {
        %broadcast_in_dim3A = vector.broadcast %scan3A_407 : i32 to vector<16xi32>
        %gather3A = tpu.vector_load_idx %arg15[%broadcast_in_dim3A] : memref<125xf32, #tpu.memory_space<vmem>>[vector<16xi32>], vector<16xf32>,
        %get3A = arith.index_cast %scan3A_407 : i32 to index
        %get3A_409 = arith.constant 0 : index
        %get3A_410 = tpu.vector_load %arg13[%get3A, %get3A_409] {strides = array<i32>} : memref<125x128xf32, #tpu.memory_space<vmem>>, vector<16xf32>,
        %mul3A_411 = arith.mulf %get3A_410, %gather3A : vector<16xf32>
        %swap3A = arith.index_cast %scan3A_407 : i32 to index
        %swap3A_412 = arith.constant 0 : index
        %swap3A_413 = tpu.vector_load %arg13[%swap3A, %swap3A_412] {strides = array<i32>} : memref<125x128xf32, #tpu.memory_space<vmem>>, vector<16xf32>,
        tpu.vector_store %arg13[%swap3A, %swap3A_412], %mul3A_411 {strides = array<i32>} : memref<125x128xf32, #tpu.memory_space<vmem>>, vector<16xf32>,
        %get3A_414 = arith.index_cast %scan3A_407 : i32 to index
        %get3A_415 = arith.constant 16 : index
        %get3A_416 = tpu.vector_load %arg13[%get3A_414, %get3A_415] {strides = array<i32>} : memref<125x128xf32, #tpu.memory_space<vmem>>, vector<16xf32>,
        %mul3A_417 = arith.mulf %get3A_416, %gather3A : vector<16xf32>
        %swap3A_418 = arith.index_cast %scan3A_407 : i32 to index
        %swap3A_419 = arith.constant 16 : index
        %swap3A_420 = tpu.vector_load %arg13[%swap3A_418, %swap3A_419] {strides = array<i32>} : memref<125x128xf32, #tpu.memory_space<vmem>>, vector<16xf32>,
        tpu.vector_store %arg13[%swap3A_418, %swap3A_419], %mul3A_417 {strides = array<i32>} : memref<125x128xf32, #tpu.memory_space<vmem>>, vector<16xf32>,
        %get3A_421 = arith.index_cast %scan3A_407 : i32 to index
        %get3A_422 = arith.constant 32 : index
        %get3A_423 = tpu.vector_load %arg13[%get3A_421, %get3A_422] {strides = array<i32>} : memref<125x128xf32, #tpu.memory_space<vmem>>, vector<16xf32>,
        %mul3A_424 = arith.mulf %get3A_423, %gather3A : vector<16xf32>
        %swap3A_425 = arith.index_cast %scan3A_407 : i32 to index
        %swap3A_426 = arith.constant 32 : index
        %swap3A_427 = tpu.vector_load %arg13[%swap3A_425, %swap3A_426] {strides = array<i32>} : memref<125x128xf32, #tpu.memory_space<vmem>>, vector<16xf32>,
        tpu.vector_store %arg13[%swap3A_425, %swap3A_426], %mul3A_424 {strides = array<i32>} : memref<125x128xf32, #tpu.memory_space<vmem>>, vector<16xf32>,
        %get3A_428 = arith.index_cast %scan3A_407 : i32 to index
        %get3A_429 = arith.constant 48 : index
        %get3A_430 = tpu.vector_load %arg13[%get3A_428, %get3A_429] {strides = array<i32>} : memref<125x128xf32, #tpu.memory_space<vmem>>, vector<16xf32>,
        %mul3A_431 = arith.mulf %get3A_430, %gather3A : vector<16xf32>
        %swap3A_432 = arith.index_cast %scan3A_407 : i32 to index
        %swap3A_433 = arith.constant 48 : index
        %swap3A_434 = tpu.vector_load %arg13[%swap3A_432, %swap3A_433] {strides = array<i32>} : memref<125x128xf32, #tpu.memory_space<vmem>>, vector<16xf32>,
        tpu.vector_store %arg13[%swap3A_432, %swap3A_433], %mul3A_431 {strides = array<i32>} : memref<125x128xf32, #tpu.memory_space<vmem>>, vector<16xf32>,
        %get3A_435 = arith.index_cast %scan3A_407 : i32 to index
        %get3A_436 = arith.constant 64 : index
        %get3A_437 = tpu.vector_load %arg13[%get3A_435, %get3A_436] {strides = array<i32>} : memref<125x128xf32, #tpu.memory_space<vmem>>, vector<16xf32>,
        %mul3A_438 = arith.mulf %get3A_437, %gather3A : vector<16xf32>
        %swap3A_439 = arith.index_cast %scan3A_407 : i32 to index
        %swap3A_440 = arith.constant 64 : index
        %swap3A_441 = tpu.vector_load %arg13[%swap3A_439, %swap3A_440] {strides = array<i32>} : memref<125x128xf32, #tpu.memory_space<vmem>>, vector<16xf32>,
        tpu.vector_store %arg13[%swap3A_439, %swap3A_440], %mul3A_438 {strides = array<i32>} : memref<125x128xf32, #tpu.memory_space<vmem>>, vector<16xf32>,
        %get3A_442 = arith.index_cast %scan3A_407 : i32 to index
        %get3A_443 = arith.constant 80 : index
        %get3A_444 = tpu.vector_load %arg13[%get3A_442, %get3A_443] {strides = array<i32>} : memref<125x128xf32, #tpu.memory_space<vmem>>, vector<16xf32>,
        %mul3A_445 = arith.mulf %get3A_444, %gather3A : vector<16xf32>
        %swap3A_446 = arith.index_cast %scan3A_407 : i32 to index
        %swap3A_447 = arith.constant 80 : index
        %swap3A_448 = tpu.vector_load %arg13[%swap3A_446, %swap3A_447] {strides = array<i32>} : memref<125x128xf32, #tpu.memory_space<vmem>>, vector<16xf32>,
        tpu.vector_store %arg13[%swap3A_446, %swap3A_447], %mul3A_445 {strides = array<i32>} : memref<125x128xf32, #tpu.memory_space<vmem>>, vector<16xf32>,
        %get3A_449 = arith.index_cast %scan3A_407 : i32 to index
        %get3A_450 = arith.constant 96 : index
        %get3A_451 = tpu.vector_load %arg13[%get3A_449, %get3A_450] {strides = array<i32>} : memref<125x128xf32, #tpu.memory_space<vmem>>, vector<16xf32>,
        %mul3A_452 = arith.mulf %get3A_451, %gather3A : vector<16xf32>
        %swap3A_453 = arith.index_cast %scan3A_407 : i32 to index
        %swap3A_454 = arith.constant 96 : index
        %swap3A_455 = tpu.vector_load %arg13[%swap3A_453, %swap3A_454] {strides = array<i32>} : memref<125x128xf32, #tpu.memory_space<vmem>>, vector<16xf32>,
        tpu.vector_store %arg13[%swap3A_453, %swap3A_454], %mul3A_452 {strides = array<i32>} : memref<125x128xf32, #tpu.memory_space<vmem>>, vector<16xf32>,
        %get3A_456 = arith.index_cast %scan3A_407 : i32 to index
        %get3A_457 = arith.constant 112 : index
        %get3A_458 = tpu.vector_load %arg13[%get3A_456, %get3A_457] {strides = array<i32>} : memref<125x128xf32, #tpu.memory_space<vmem>>, vector<16xf32>,
        %mul3A_459 = arith.mulf %get3A_458, %gather3A : vector<16xf32>
        %swap3A_460 = arith.index_cast %scan3A_407 : i32 to index
        %swap3A_461 = arith.constant 112 : index
        %swap3A_462 = tpu.vector_load %arg13[%swap3A_460, %swap3A_461] {strides = array<i32>} : memref<125x128xf32, #tpu.memory_space<vmem>>, vector<16xf32>,
        tpu.vector_store %arg13[%swap3A_460, %swap3A_461], %mul3A_459 {strides = array<i32>} : memref<125x128xf32, #tpu.memory_space<vmem>>, vector<16xf32>,
        %scan3A_463 = arith.constant 0 : i32
        scf.yield %scan3A_463 : i32
      }
      %scan3A_357 = arith.constant 125 : i32
      %dma_start3A_358 = arith.constant 6 : i32
      %dma_start3A_359 = arith.constant 0 : i32
      %dma_start3A_360 = tpu.memref_slice %arg12[%dma_start3A_358, %dma_start3A_359] : memref<8x125xi32, #tpu.memory_space<vmem>> -> memref<1x125xi32, #tpu.memory_space<vmem>>
      %dma_start3A_361 = tpu.memref_squeeze %dma_start3A_360 : memref<1x125xi32, #tpu.memory_space<vmem>> -> memref<125xi32, #tpu.memory_space<vmem>>
      %dma_start3A_362 = arith.constant 0 : i32
      %dma_start3A_363 = arith.constant 0 : i32
      %dma_start3A_364 = tpu.memref_slice %arg17[%dma_start3A_362, %dma_start3A_363] : memref<10000x128xf32, #tpu.memory_space<vmem_shared>> -> memref<10000x128xf32, #tpu.memory_space<vmem_shared>>
      tpu.enqueue_indirect_dma source(%arg13 : memref<125x128xf32, #tpu.memory_space<vmem>>) target(%dma_start3A_364 : memref<10000x128xf32, #tpu.memory_space<vmem_shared>>) offsets(%dma_start3A_361 : memref<125xi32, #tpu.memory_space<vmem>>) semaphore(%arg22 : memref<!tpu.dma_semaphore, #tpu.memory_space<semaphore_mem>>) {add = true}
      %dma_wait3A_365 = arith.constant 7 : i32
      %dma_wait3A_366 = arith.constant 0 : i32
      %dma_wait3A_367 = tpu.memref_slice %arg11[%dma_wait3A_365, %dma_wait3A_366] : memref<8x125xi32, #tpu.memory_space<vmem>> -> memref<1x125xi32, #tpu.memory_space<vmem>>
      %dma_wait3A_368 = tpu.memref_squeeze %dma_wait3A_367 : memref<1x125xi32, #tpu.memory_space<vmem>> -> memref<125xi32, #tpu.memory_space<vmem>>
      %dma_wait3A_369 = arith.constant 0 : i32
      %dma_wait3A_370 = tpu.memref_slice %arg3[%dma_wait3A_369] : memref<80000xf32, #tpu.memory_space<hbm>> -> memref<80000xf32, #tpu.memory_space<hbm>>
      tpu.wait_indirect_dma semaphore(%arg21 : memref<!tpu.dma_semaphore, #tpu.memory_space<semaphore_mem>>) src(%dma_wait3A_370 : memref<80000xf32, #tpu.memory_space<hbm>>) dst(%arg16 : memref<125xf32, #tpu.memory_space<vmem>>)
      %dma_wait3A_371 = arith.constant 7 : i32
      %dma_wait3A_372 = arith.constant 0 : i32
      %dma_wait3A_373 = tpu.memref_slice %arg10[%dma_wait3A_371, %dma_wait3A_372] : memref<8x125xi32, #tpu.memory_space<vmem>> -> memref<1x125xi32, #tpu.memory_space<vmem>>
      %dma_wait3A_374 = tpu.memref_squeeze %dma_wait3A_373 : memref<1x125xi32, #tpu.memory_space<vmem>> -> memref<125xi32, #tpu.memory_space<vmem>>
      %dma_wait3A_375 = arith.constant 0 : i32
      %dma_wait3A_376 = arith.constant 0 : i32
      %dma_wait3A_377 = tpu.memref_slice %arg2[%dma_wait3A_375, %dma_wait3A_376] : memref<80000x128xf32, #tpu.memory_space<hbm>> -> memref<80000x128xf32, #tpu.memory_space<hbm>>
      tpu.wait_indirect_dma semaphore(%arg19 : memref<!tpu.dma_semaphore, #tpu.memory_space<semaphore_mem>>) src(%dma_wait3A_377 : memref<80000x128xf32, #tpu.memory_space<hbm>>) dst(%arg14 : memref<125x128xf32, #tpu.memory_space<vmem>>)
      %scan3A_378 = arith.constant 0 : i32
      %scan3A_379 = arith.constant 0 : i32
      %scan3A_380 = arith.constant 125 : i32
      %scan3A_381 = arith.addi %scan3A_379, %scan3A_380 : i32
      %scan3A_382 = arith.constant 1 : i32
      %scan3A_383 = scf.for %scan3A_407 = %scan3A_379 to %scan3A_381 step %scan3A_382 iter_args(%scan3A_408 = %scan3A_378) -> (i32)  : i32 {
        %broadcast_in_dim3A = vector.broadcast %scan3A_407 : i32 to vector<16xi32>
        %gather3A = tpu.vector_load_idx %arg16[%broadcast_in_dim3A] : memref<125xf32, #tpu.memory_space<vmem>>[vector<16xi32>], vector<16xf32>,
        %get3A = arith.index_cast %scan3A_407 : i32 to index
        %get3A_409 = arith.constant 0 : index
        %get3A_410 = tpu.vector_load %arg14[%get3A, %get3A_409] {strides = array<i32>} : memref<125x128xf32, #tpu.memory_space<vmem>>, vector<16xf32>,
        %mul3A_411 = arith.mulf %get3A_410, %gather3A : vector<16xf32>
        %swap3A = arith.index_cast %scan3A_407 : i32 to index
        %swap3A_412 = arith.constant 0 : index
        %swap3A_413 = tpu.vector_load %arg14[%swap3A, %swap3A_412] {strides = array<i32>} : memref<125x128xf32, #tpu.memory_space<vmem>>, vector<16xf32>,
        tpu.vector_store %arg14[%swap3A, %swap3A_412], %mul3A_411 {strides = array<i32>} : memref<125x128xf32, #tpu.memory_space<vmem>>, vector<16xf32>,
        %get3A_414 = arith.index_cast %scan3A_407 : i32 to index
        %get3A_415 = arith.constant 16 : index
        %get3A_416 = tpu.vector_load %arg14[%get3A_414, %get3A_415] {strides = array<i32>} : memref<125x128xf32, #tpu.memory_space<vmem>>, vector<16xf32>,
        %mul3A_417 = arith.mulf %get3A_416, %gather3A : vector<16xf32>
        %swap3A_418 = arith.index_cast %scan3A_407 : i32 to index
        %swap3A_419 = arith.constant 16 : index
        %swap3A_420 = tpu.vector_load %arg14[%swap3A_418, %swap3A_419] {strides = array<i32>} : memref<125x128xf32, #tpu.memory_space<vmem>>, vector<16xf32>,
        tpu.vector_store %arg14[%swap3A_418, %swap3A_419], %mul3A_417 {strides = array<i32>} : memref<125x128xf32, #tpu.memory_space<vmem>>, vector<16xf32>,
        %get3A_421 = arith.index_cast %scan3A_407 : i32 to index
        %get3A_422 = arith.constant 32 : index
        %get3A_423 = tpu.vector_load %arg14[%get3A_421, %get3A_422] {strides = array<i32>} : memref<125x128xf32, #tpu.memory_space<vmem>>, vector<16xf32>,
        %mul3A_424 = arith.mulf %get3A_423, %gather3A : vector<16xf32>
        %swap3A_425 = arith.index_cast %scan3A_407 : i32 to index
        %swap3A_426 = arith.constant 32 : index
        %swap3A_427 = tpu.vector_load %arg14[%swap3A_425, %swap3A_426] {strides = array<i32>} : memref<125x128xf32, #tpu.memory_space<vmem>>, vector<16xf32>,
        tpu.vector_store %arg14[%swap3A_425, %swap3A_426], %mul3A_424 {strides = array<i32>} : memref<125x128xf32, #tpu.memory_space<vmem>>, vector<16xf32>,
        %get3A_428 = arith.index_cast %scan3A_407 : i32 to index
        %get3A_429 = arith.constant 48 : index
        %get3A_430 = tpu.vector_load %arg14[%get3A_428, %get3A_429] {strides = array<i32>} : memref<125x128xf32, #tpu.memory_space<vmem>>, vector<16xf32>,
        %mul3A_431 = arith.mulf %get3A_430, %gather3A : vector<16xf32>
        %swap3A_432 = arith.index_cast %scan3A_407 : i32 to index
        %swap3A_433 = arith.constant 48 : index
        %swap3A_434 = tpu.vector_load %arg14[%swap3A_432, %swap3A_433] {strides = array<i32>} : memref<125x128xf32, #tpu.memory_space<vmem>>, vector<16xf32>,
        tpu.vector_store %arg14[%swap3A_432, %swap3A_433], %mul3A_431 {strides = array<i32>} : memref<125x128xf32, #tpu.memory_space<vmem>>, vector<16xf32>,
        %get3A_435 = arith.index_cast %scan3A_407 : i32 to index
        %get3A_436 = arith.constant 64 : index
        %get3A_437 = tpu.vector_load %arg14[%get3A_435, %get3A_436] {strides = array<i32>} : memref<125x128xf32, #tpu.memory_space<vmem>>, vector<16xf32>,
        %mul3A_438 = arith.mulf %get3A_437, %gather3A : vector<16xf32>
        %swap3A_439 = arith.index_cast %scan3A_407 : i32 to index
        %swap3A_440 = arith.constant 64 : index
        %swap3A_441 = tpu.vector_load %arg14[%swap3A_439, %swap3A_440] {strides = array<i32>} : memref<125x128xf32, #tpu.memory_space<vmem>>, vector<16xf32>,
        tpu.vector_store %arg14[%swap3A_439, %swap3A_440], %mul3A_438 {strides = array<i32>} : memref<125x128xf32, #tpu.memory_space<vmem>>, vector<16xf32>,
        %get3A_442 = arith.index_cast %scan3A_407 : i32 to index
        %get3A_443 = arith.constant 80 : index
        %get3A_444 = tpu.vector_load %arg14[%get3A_442, %get3A_443] {strides = array<i32>} : memref<125x128xf32, #tpu.memory_space<vmem>>, vector<16xf32>,
        %mul3A_445 = arith.mulf %get3A_444, %gather3A : vector<16xf32>
        %swap3A_446 = arith.index_cast %scan3A_407 : i32 to index
        %swap3A_447 = arith.constant 80 : index
        %swap3A_448 = tpu.vector_load %arg14[%swap3A_446, %swap3A_447] {strides = array<i32>} : memref<125x128xf32, #tpu.memory_space<vmem>>, vector<16xf32>,
        tpu.vector_store %arg14[%swap3A_446, %swap3A_447], %mul3A_445 {strides = array<i32>} : memref<125x128xf32, #tpu.memory_space<vmem>>, vector<16xf32>,
        %get3A_449 = arith.index_cast %scan3A_407 : i32 to index
        %get3A_450 = arith.constant 96 : index
        %get3A_451 = tpu.vector_load %arg14[%get3A_449, %get3A_450] {strides = array<i32>} : memref<125x128xf32, #tpu.memory_space<vmem>>, vector<16xf32>,
        %mul3A_452 = arith.mulf %get3A_451, %gather3A : vector<16xf32>
        %swap3A_453 = arith.index_cast %scan3A_407 : i32 to index
        %swap3A_454 = arith.constant 96 : index
        %swap3A_455 = tpu.vector_load %arg14[%swap3A_453, %swap3A_454] {strides = array<i32>} : memref<125x128xf32, #tpu.memory_space<vmem>>, vector<16xf32>,
        tpu.vector_store %arg14[%swap3A_453, %swap3A_454], %mul3A_452 {strides = array<i32>} : memref<125x128xf32, #tpu.memory_space<vmem>>, vector<16xf32>,
        %get3A_456 = arith.index_cast %scan3A_407 : i32 to index
        %get3A_457 = arith.constant 112 : index
        %get3A_458 = tpu.vector_load %arg14[%get3A_456, %get3A_457] {strides = array<i32>} : memref<125x128xf32, #tpu.memory_space<vmem>>, vector<16xf32>,
        %mul3A_459 = arith.mulf %get3A_458, %gather3A : vector<16xf32>
        %swap3A_460 = arith.index_cast %scan3A_407 : i32 to index
        %swap3A_461 = arith.constant 112 : index
        %swap3A_462 = tpu.vector_load %arg14[%swap3A_460, %swap3A_461] {strides = array<i32>} : memref<125x128xf32, #tpu.memory_space<vmem>>, vector<16xf32>,
        tpu.vector_store %arg14[%swap3A_460, %swap3A_461], %mul3A_459 {strides = array<i32>} : memref<125x128xf32, #tpu.memory_space<vmem>>, vector<16xf32>,
        %scan3A_463 = arith.constant 0 : i32
        scf.yield %scan3A_463 : i32
      }
      %scan3A_384 = arith.constant 125 : i32
      %dma_start3A_385 = arith.constant 7 : i32
      %dma_start3A_386 = arith.constant 0 : i32
      %dma_start3A_387 = tpu.memref_slice %arg12[%dma_start3A_385, %dma_start3A_386] : memref<8x125xi32, #tpu.memory_space<vmem>> -> memref<1x125xi32, #tpu.memory_space<vmem>>
      %dma_start3A_388 = tpu.memref_squeeze %dma_start3A_387 : memref<1x125xi32, #tpu.memory_space<vmem>> -> memref<125xi32, #tpu.memory_space<vmem>>
      %dma_start3A_389 = arith.constant 0 : i32
      %dma_start3A_390 = arith.constant 0 : i32
      %dma_start3A_391 = tpu.memref_slice %arg17[%dma_start3A_389, %dma_start3A_390] : memref<10000x128xf32, #tpu.memory_space<vmem_shared>> -> memref<10000x128xf32, #tpu.memory_space<vmem_shared>>
      tpu.enqueue_indirect_dma source(%arg14 : memref<125x128xf32, #tpu.memory_space<vmem>>) target(%dma_start3A_391 : memref<10000x128xf32, #tpu.memory_space<vmem_shared>>) offsets(%dma_start3A_388 : memref<125xi32, #tpu.memory_space<vmem>>) semaphore(%arg23 : memref<!tpu.dma_semaphore, #tpu.memory_space<semaphore_mem>>) {add = true}
      %dma_wait3A_392 = arith.constant 6 : i32
      %dma_wait3A_393 = arith.constant 0 : i32
      %dma_wait3A_394 = tpu.memref_slice %arg12[%dma_wait3A_392, %dma_wait3A_393] : memref<8x125xi32, #tpu.memory_space<vmem>> -> memref<1x125xi32, #tpu.memory_space<vmem>>
      %dma_wait3A_395 = tpu.memref_squeeze %dma_wait3A_394 : memref<1x125xi32, #tpu.memory_space<vmem>> -> memref<125xi32, #tpu.memory_space<vmem>>
      %dma_wait3A_396 = arith.constant 0 : i32
      %dma_wait3A_397 = arith.constant 0 : i32
      %dma_wait3A_398 = tpu.memref_slice %arg17[%dma_wait3A_396, %dma_wait3A_397] : memref<10000x128xf32, #tpu.memory_space<vmem_shared>> -> memref<10000x128xf32, #tpu.memory_space<vmem_shared>>
      tpu.wait_indirect_dma semaphore(%arg22 : memref<!tpu.dma_semaphore, #tpu.memory_space<semaphore_mem>>) src(%arg13 : memref<125x128xf32, #tpu.memory_space<vmem>>) dst(%dma_wait3A_398 : memref<10000x128xf32, #tpu.memory_space<vmem_shared>>)
      %dma_wait3A_399 = arith.constant 7 : i32
      %dma_wait3A_400 = arith.constant 0 : i32
      %dma_wait3A_401 = tpu.memref_slice %arg12[%dma_wait3A_399, %dma_wait3A_400] : memref<8x125xi32, #tpu.memory_space<vmem>> -> memref<1x125xi32, #tpu.memory_space<vmem>>
      %dma_wait3A_402 = tpu.memref_squeeze %dma_wait3A_401 : memref<1x125xi32, #tpu.memory_space<vmem>> -> memref<125xi32, #tpu.memory_space<vmem>>
      %dma_wait3A_403 = arith.constant 0 : i32
      %dma_wait3A_404 = arith.constant 0 : i32
      %dma_wait3A_405 = tpu.memref_slice %arg17[%dma_wait3A_403, %dma_wait3A_404] : memref<10000x128xf32, #tpu.memory_space<vmem_shared>> -> memref<10000x128xf32, #tpu.memory_space<vmem_shared>>
      tpu.wait_indirect_dma semaphore(%arg23 : memref<!tpu.dma_semaphore, #tpu.memory_space<semaphore_mem>>) src(%arg14 : memref<125x128xf32, #tpu.memory_space<vmem>>) dst(%dma_wait3A_405 : memref<10000x128xf32, #tpu.memory_space<vmem_shared>>)
      %scan3A_406 = arith.constant 0 : i32
      scf.yield %scan3A_406 : i32
    }
    %scan3A_8 = arith.constant 10 : i32
    %barrier3A_9 = arith.constant 0 : index
    tpu.barrier barrier_id(%barrier3A_9)
    %eq3A = arith.constant 0 : i32
    %eq3A_10 = arith.cmpi eq, %arg0, %eq3A : i32
    %lt3A_11 = arith.constant 10 : i32
    %lt3A_12 = arith.cmpi slt, %arg1, %lt3A_11 : i32
    %and3A = arith.andi %eq3A_10, %lt3A_12 : i1
    %convert_element_type3A_13 = arith.extui %and3A : i1 to i32
    %cond3A_14 = arith.constant 0 : i32
    %cond3A_15 = arith.cmpi ne, %convert_element_type3A_13, %cond3A_14 : i32
    scf.if %cond3A_15 {
      %mul3A_24 = arith.constant 1000 : i32
      %mul3A_25 = arith.muli %arg1, %mul3A_24 : i32
      %mul3A_26 = arith.constant 1000 : i32
      %mul3A_27 = arith.muli %arg1, %mul3A_26 : i32
      "tpu.region"() ({
        %run_scoped3A = tpu.sem_alloc : memref<!tpu.dma_semaphore, #tpu.memory_space<semaphore_mem>>
        %dma_start3A = arith.constant 0 : i32
        %dma_start3A_28 = tpu.memref_slice %arg8[%mul3A_27, %dma_start3A] : memref<10000x128xf32, #tpu.memory_space<hbm>> -> memref<1000x128xf32, #tpu.memory_space<hbm>>
        %dma_start3A_29 = arith.constant 0 : i32
        %dma_start3A_30 = tpu.memref_slice %arg17[%mul3A_25, %dma_start3A_29] : memref<10000x128xf32, #tpu.memory_space<vmem_shared>> -> memref<1000x128xf32, #tpu.memory_space<vmem_shared>>
        tpu.enqueue_dma source(%dma_start3A_30 : memref<1000x128xf32, #tpu.memory_space<vmem_shared>>) target(%dma_start3A_28 : memref<1000x128xf32, #tpu.memory_space<hbm>>) target_semaphore(%run_scoped3A : memref<!tpu.dma_semaphore, #tpu.memory_space<semaphore_mem>>)
        %dma_wait3A = arith.constant 0 : i32
        %dma_wait3A_31 = tpu.memref_slice %arg8[%mul3A_27, %dma_wait3A] : memref<10000x128xf32, #tpu.memory_space<hbm>> -> memref<1000x128xf32, #tpu.memory_space<hbm>>
        %dma_wait3A_32 = arith.constant 0 : i32
        %dma_wait3A_33 = tpu.memref_slice %arg17[%mul3A_25, %dma_wait3A_32] : memref<10000x128xf32, #tpu.memory_space<vmem_shared>> -> memref<1000x128xf32, #tpu.memory_space<vmem_shared>>
        tpu.wait_dma2 semaphore(%run_scoped3A : memref<!tpu.dma_semaphore, #tpu.memory_space<semaphore_mem>>) src(%dma_wait3A_33 : memref<1000x128xf32, #tpu.memory_space<vmem_shared>>) dst(%dma_wait3A_31 : memref<1000x128xf32, #tpu.memory_space<hbm>>)
        tpu.yield
      }) : () -> ()
    } else {
    }
    %eq3A_16 = arith.constant 1 : i32
    %eq3A_17 = arith.cmpi eq, %arg0, %eq3A_16 : i32
    %lt3A_18 = arith.constant 10 : i32
    %lt3A_19 = arith.cmpi slt, %arg1, %lt3A_18 : i32
    %and3A_20 = arith.andi %eq3A_17, %lt3A_19 : i1
    %convert_element_type3A_21 = arith.extui %and3A_20 : i1 to i32
    %cond3A_22 = arith.constant 0 : i32
    %cond3A_23 = arith.cmpi ne, %convert_element_type3A_21, %cond3A_22 : i32
    scf.if %cond3A_23 {
      %mul3A_24 = arith.constant 1000 : i32
      %mul3A_25 = arith.muli %arg1, %mul3A_24 : i32
      %mul3A_26 = arith.constant 1000 : i32
      %mul3A_27 = arith.muli %arg1, %mul3A_26 : i32
      "tpu.region"() ({
        %run_scoped3A = tpu.sem_alloc : memref<!tpu.dma_semaphore, #tpu.memory_space<semaphore_mem>>
        %dma_start3A = arith.constant 0 : i32
        %dma_start3A_28 = tpu.memref_slice %arg9[%mul3A_27, %dma_start3A] : memref<10000x128xf32, #tpu.memory_space<hbm>> -> memref<1000x128xf32, #tpu.memory_space<hbm>>
        %dma_start3A_29 = arith.constant 0 : i32
        %dma_start3A_30 = tpu.memref_slice %arg17[%mul3A_25, %dma_start3A_29] : memref<10000x128xf32, #tpu.memory_space<vmem_shared>> -> memref<1000x128xf32, #tpu.memory_space<vmem_shared>>
        tpu.enqueue_dma source(%dma_start3A_30 : memref<1000x128xf32, #tpu.memory_space<vmem_shared>>) target(%dma_start3A_28 : memref<1000x128xf32, #tpu.memory_space<hbm>>) target_semaphore(%run_scoped3A : memref<!tpu.dma_semaphore, #tpu.memory_space<semaphore_mem>>)
        %dma_wait3A = arith.constant 0 : i32
        %dma_wait3A_31 = tpu.memref_slice %arg9[%mul3A_27, %dma_wait3A] : memref<10000x128xf32, #tpu.memory_space<hbm>> -> memref<1000x128xf32, #tpu.memory_space<hbm>>
        %dma_wait3A_32 = arith.constant 0 : i32
        %dma_wait3A_33 = tpu.memref_slice %arg17[%mul3A_25, %dma_wait3A_32] : memref<10000x128xf32, #tpu.memory_space<vmem_shared>> -> memref<1000x128xf32, #tpu.memory_space<vmem_shared>>
        tpu.wait_dma2 semaphore(%run_scoped3A : memref<!tpu.dma_semaphore, #tpu.memory_space<semaphore_mem>>) src(%dma_wait3A_33 : memref<1000x128xf32, #tpu.memory_space<vmem_shared>>) dst(%dma_wait3A_31 : memref<1000x128xf32, #tpu.memory_space<hbm>>)
        tpu.yield
      }) : () -> ()
    } else {
    }
    return
  }
}

#map = affine_map<(d0, d1) -> (0, 0, 0)>
#map1 = affine_map<(d0, d1) -> (0)>
module attributes {stable_mosaic.version = 14 : i64} {
  func.func @_sc_counts_body(%arg0: i32, %arg1: i32, %arg2: memref<32x80x125xi32, #tpu.memory_space<hbm>>, %arg3: memref<16000xf32, #tpu.memory_space<hbm>>, %arg4: memref<80000xf32, #tpu.memory_space<hbm>>, %arg5: memref<80000xf32, #tpu.memory_space<hbm>>, %arg6: memref<8x125xi32, #tpu.memory_space<vmem>>, %arg7: memref<128xf32, #tpu.memory_space<vmem>>, %arg8: memref<80000xf32, #tpu.memory_space<vmem_shared>>) attributes {dimension_semantics = [#tpu.dimension_semantics<core_parallel>, #tpu.dimension_semantics<subcore_parallel>], iteration_bounds = array<i64: 2, 16>, scalar_prefetch = 0 : i64, scratch_operands = 3 : i64, tpu.core_type = #tpu.core_type<sc_vector_subcore>, window_params = [{transform_indices = #map}, {transform_indices = #map1}, {transform_indices = #map1}, {transform_indices = #map1}]} {
    %mul3A = arith.constant 2 : i32
    %mul3A_0 = arith.muli %arg1, %mul3A : i32
    %add3A = arith.addi %mul3A_0, %arg0 : i32
    %lt3A = arith.constant 5 : i32
    %lt3A_1 = arith.cmpi slt, %arg1, %lt3A : i32
    %convert_element_type3A = arith.extui %lt3A_1 : i1 to i32
    %cond3A = arith.constant 0 : i32
    %cond3A_2 = arith.cmpi ne, %convert_element_type3A, %cond3A : i32
    scf.if %cond3A_2 {
      %mul3A_40 = arith.constant 16000 : i32
      %mul3A_41 = arith.muli %arg1, %mul3A_40 : i32
      "tpu.region"() ({
        %run_scoped3A = tpu.sem_alloc : memref<!tpu.dma_semaphore, #tpu.memory_space<semaphore_mem>>
        %dma_start3A = tpu.memref_slice %arg8[%mul3A_41] : memref<80000xf32, #tpu.memory_space<vmem_shared>> -> memref<16000xf32, #tpu.memory_space<vmem_shared>>
        tpu.enqueue_dma source(%arg3 : memref<16000xf32, #tpu.memory_space<hbm>>) target(%dma_start3A : memref<16000xf32, #tpu.memory_space<vmem_shared>>) target_semaphore(%run_scoped3A : memref<!tpu.dma_semaphore, #tpu.memory_space<semaphore_mem>>)
        %dma_wait3A = tpu.memref_slice %arg8[%mul3A_41] : memref<80000xf32, #tpu.memory_space<vmem_shared>> -> memref<16000xf32, #tpu.memory_space<vmem_shared>>
        tpu.wait_dma2 semaphore(%run_scoped3A : memref<!tpu.dma_semaphore, #tpu.memory_space<semaphore_mem>>) src(%arg3 : memref<16000xf32, #tpu.memory_space<hbm>>) dst(%dma_wait3A : memref<16000xf32, #tpu.memory_space<vmem_shared>>)
        tpu.yield
      }) : () -> ()
    } else {
    }
    %broadcast_in_dim3A = arith.constant 1.000000e+00 : f32
    %broadcast_in_dim3A_3 = vector.broadcast %broadcast_in_dim3A : f32 to vector<16xf32>
    %swap3A = arith.constant 0 : index
    %swap3A_4 = tpu.vector_load %arg7[%swap3A] {strides = array<i32>} : memref<128xf32, #tpu.memory_space<vmem>>, vector<16xf32>,
    tpu.vector_store %arg7[%swap3A], %broadcast_in_dim3A_3 {strides = array<i32>} : memref<128xf32, #tpu.memory_space<vmem>>, vector<16xf32>,
    %swap3A_5 = arith.constant 16 : index
    %swap3A_6 = tpu.vector_load %arg7[%swap3A_5] {strides = array<i32>} : memref<128xf32, #tpu.memory_space<vmem>>, vector<16xf32>,
    tpu.vector_store %arg7[%swap3A_5], %broadcast_in_dim3A_3 {strides = array<i32>} : memref<128xf32, #tpu.memory_space<vmem>>, vector<16xf32>,
    %swap3A_7 = arith.constant 32 : index
    %swap3A_8 = tpu.vector_load %arg7[%swap3A_7] {strides = array<i32>} : memref<128xf32, #tpu.memory_space<vmem>>, vector<16xf32>,
    tpu.vector_store %arg7[%swap3A_7], %broadcast_in_dim3A_3 {strides = array<i32>} : memref<128xf32, #tpu.memory_space<vmem>>, vector<16xf32>,
    %swap3A_9 = arith.constant 48 : index
    %swap3A_10 = tpu.vector_load %arg7[%swap3A_9] {strides = array<i32>} : memref<128xf32, #tpu.memory_space<vmem>>, vector<16xf32>,
    tpu.vector_store %arg7[%swap3A_9], %broadcast_in_dim3A_3 {strides = array<i32>} : memref<128xf32, #tpu.memory_space<vmem>>, vector<16xf32>,
    %swap3A_11 = arith.constant 64 : index
    %swap3A_12 = tpu.vector_load %arg7[%swap3A_11] {strides = array<i32>} : memref<128xf32, #tpu.memory_space<vmem>>, vector<16xf32>,
    tpu.vector_store %arg7[%swap3A_11], %broadcast_in_dim3A_3 {strides = array<i32>} : memref<128xf32, #tpu.memory_space<vmem>>, vector<16xf32>,
    %swap3A_13 = arith.constant 80 : index
    %swap3A_14 = tpu.vector_load %arg7[%swap3A_13] {strides = array<i32>} : memref<128xf32, #tpu.memory_space<vmem>>, vector<16xf32>,
    tpu.vector_store %arg7[%swap3A_13], %broadcast_in_dim3A_3 {strides = array<i32>} : memref<128xf32, #tpu.memory_space<vmem>>, vector<16xf32>,
    %swap3A_15 = arith.constant 96 : index
    %swap3A_16 = tpu.vector_load %arg7[%swap3A_15] {strides = array<i32>} : memref<128xf32, #tpu.memory_space<vmem>>, vector<16xf32>,
    tpu.vector_store %arg7[%swap3A_15], %broadcast_in_dim3A_3 {strides = array<i32>} : memref<128xf32, #tpu.memory_space<vmem>>, vector<16xf32>,
    %swap3A_17 = arith.constant 112 : index
    %swap3A_18 = tpu.vector_load %arg7[%swap3A_17] {strides = array<i32>} : memref<128xf32, #tpu.memory_space<vmem>>, vector<16xf32>,
    tpu.vector_store %arg7[%swap3A_17], %broadcast_in_dim3A_3 {strides = array<i32>} : memref<128xf32, #tpu.memory_space<vmem>>, vector<16xf32>,
    %barrier3A = arith.constant 0 : index
    tpu.barrier barrier_id(%barrier3A)
    %scan3A = arith.constant 0 : i32
    %scan3A_19 = arith.constant 0 : i32
    %scan3A_20 = arith.constant 10 : i32
    %scan3A_21 = arith.addi %scan3A_19, %scan3A_20 : i32
    %scan3A_22 = arith.constant 1 : i32
    %scan3A_23 = scf.for %scan3A_40 = %scan3A_19 to %scan3A_21 step %scan3A_22 iter_args(%scan3A_41 = %scan3A) -> (i32)  : i32 {
      %mul3A_42 = arith.constant 8 : i32
      %mul3A_43 = arith.muli %scan3A_40, %mul3A_42 : i32
      "tpu.region"() ({
        %run_scoped3A = tpu.sem_alloc : memref<!tpu.dma_semaphore, #tpu.memory_space<semaphore_mem>>
        %dma_start3A = arith.constant 0 : i32
        %dma_start3A_52 = tpu.memref_slice %arg2[%add3A, %mul3A_43, %dma_start3A] : memref<32x80x125xi32, #tpu.memory_space<hbm>> -> memref<1x8x125xi32, #tpu.memory_space<hbm>>
        %dma_start3A_53 = tpu.memref_squeeze %dma_start3A_52 : memref<1x8x125xi32, #tpu.memory_space<hbm>> -> memref<8x125xi32, #tpu.memory_space<hbm>>
        %dma_start3A_54 = arith.constant 0 : i32
        %dma_start3A_55 = tpu.memref_slice %arg2[%add3A, %mul3A_43, %dma_start3A_54] : memref<32x80x125xi32, #tpu.memory_space<hbm>> -> memref<1x8x125xi32, #tpu.memory_space<hbm>>
        %dma_start3A_56 = tpu.memref_squeeze %dma_start3A_55 : memref<1x8x125xi32, #tpu.memory_space<hbm>> -> memref<8x125xi32, #tpu.memory_space<hbm>>
        tpu.enqueue_dma source(%dma_start3A_56 : memref<8x125xi32, #tpu.memory_space<hbm>>) target(%arg6 : memref<8x125xi32, #tpu.memory_space<vmem>>) target_semaphore(%run_scoped3A : memref<!tpu.dma_semaphore, #tpu.memory_space<semaphore_mem>>)
        %dma_wait3A = arith.constant 0 : i32
        %dma_wait3A_57 = tpu.memref_slice %arg2[%add3A, %mul3A_43, %dma_wait3A] : memref<32x80x125xi32, #tpu.memory_space<hbm>> -> memref<1x8x125xi32, #tpu.memory_space<hbm>>
        %dma_wait3A_58 = tpu.memref_squeeze %dma_wait3A_57 : memref<1x8x125xi32, #tpu.memory_space<hbm>> -> memref<8x125xi32, #tpu.memory_space<hbm>>
        %dma_wait3A_59 = arith.constant 0 : i32
        %dma_wait3A_60 = tpu.memref_slice %arg2[%add3A, %mul3A_43, %dma_wait3A_59] : memref<32x80x125xi32, #tpu.memory_space<hbm>> -> memref<1x8x125xi32, #tpu.memory_space<hbm>>
        %dma_wait3A_61 = tpu.memref_squeeze %dma_wait3A_60 : memref<1x8x125xi32, #tpu.memory_space<hbm>> -> memref<8x125xi32, #tpu.memory_space<hbm>>
        tpu.wait_dma2 semaphore(%run_scoped3A : memref<!tpu.dma_semaphore, #tpu.memory_space<semaphore_mem>>) src(%dma_wait3A_61 : memref<8x125xi32, #tpu.memory_space<hbm>>) dst(%arg6 : memref<8x125xi32, #tpu.memory_space<vmem>>)
        tpu.yield
      }) : () -> ()
      %scan3A_44 = arith.constant 0 : i32
      %scan3A_45 = arith.constant 0 : i32
      %scan3A_46 = arith.constant 8 : i32
      %scan3A_47 = arith.addi %scan3A_45, %scan3A_46 : i32
      %scan3A_48 = arith.constant 1 : i32
      %scan3A_49 = scf.for %scan3A_52 = %scan3A_45 to %scan3A_47 step %scan3A_48 iter_args(%scan3A_53 = %scan3A_44) -> (i32)  : i32 {
        "tpu.region"() ({
          %run_scoped3A = tpu.sem_alloc : memref<!tpu.dma_semaphore, #tpu.memory_space<semaphore_mem>>
          %dma_start3A = arith.constant 0 : i32
          %dma_start3A_55 = tpu.memref_slice %arg7[%dma_start3A] : memref<128xf32, #tpu.memory_space<vmem>> -> memref<125xf32, #tpu.memory_space<vmem>>
          %dma_start3A_56 = arith.constant 0 : i32
          %dma_start3A_57 = tpu.memref_slice %arg6[%scan3A_52, %dma_start3A_56] : memref<8x125xi32, #tpu.memory_space<vmem>> -> memref<1x125xi32, #tpu.memory_space<vmem>>
          %dma_start3A_58 = tpu.memref_squeeze %dma_start3A_57 : memref<1x125xi32, #tpu.memory_space<vmem>> -> memref<125xi32, #tpu.memory_space<vmem>>
          %dma_start3A_59 = arith.constant 0 : i32
          %dma_start3A_60 = tpu.memref_slice %arg8[%dma_start3A_59] : memref<80000xf32, #tpu.memory_space<vmem_shared>> -> memref<80000xf32, #tpu.memory_space<vmem_shared>>
          tpu.enqueue_indirect_dma source(%dma_start3A_55 : memref<125xf32, #tpu.memory_space<vmem>>) target(%dma_start3A_60 : memref<80000xf32, #tpu.memory_space<vmem_shared>>) offsets(%dma_start3A_58 : memref<125xi32, #tpu.memory_space<vmem>>) semaphore(%run_scoped3A : memref<!tpu.dma_semaphore, #tpu.memory_space<semaphore_mem>>) {add = true}
          %dma_wait3A = arith.constant 0 : i32
          %dma_wait3A_61 = tpu.memref_slice %arg7[%dma_wait3A] : memref<128xf32, #tpu.memory_space<vmem>> -> memref<125xf32, #tpu.memory_space<vmem>>
          %dma_wait3A_62 = arith.constant 0 : i32
          %dma_wait3A_63 = tpu.memref_slice %arg6[%scan3A_52, %dma_wait3A_62] : memref<8x125xi32, #tpu.memory_space<vmem>> -> memref<1x125xi32, #tpu.memory_space<vmem>>
          %dma_wait3A_64 = tpu.memref_squeeze %dma_wait3A_63 : memref<1x125xi32, #tpu.memory_space<vmem>> -> memref<125xi32, #tpu.memory_space<vmem>>
          %dma_wait3A_65 = arith.constant 0 : i32
          %dma_wait3A_66 = tpu.memref_slice %arg8[%dma_wait3A_65] : memref<80000xf32, #tpu.memory_space<vmem_shared>> -> memref<80000xf32, #tpu.memory_space<vmem_shared>>
          tpu.wait_indirect_dma semaphore(%run_scoped3A : memref<!tpu.dma_semaphore, #tpu.memory_space<semaphore_mem>>) src(%dma_wait3A_61 : memref<125xf32, #tpu.memory_space<vmem>>) dst(%dma_wait3A_66 : memref<80000xf32, #tpu.memory_space<vmem_shared>>)
          tpu.yield
        }) : () -> ()
        %scan3A_54 = arith.constant 0 : i32
        scf.yield %scan3A_54 : i32
      }
      %scan3A_50 = arith.constant 8 : i32
      %scan3A_51 = arith.constant 0 : i32
      scf.yield %scan3A_51 : i32
    }
    %scan3A_24 = arith.constant 10 : i32
    %barrier3A_25 = arith.constant 0 : index
    tpu.barrier barrier_id(%barrier3A_25)
    %eq3A = arith.constant 0 : i32
    %eq3A_26 = arith.cmpi eq, %arg0, %eq3A : i32
    %lt3A_27 = arith.constant 5 : i32
    %lt3A_28 = arith.cmpi slt, %arg1, %lt3A_27 : i32
    %and3A = arith.andi %eq3A_26, %lt3A_28 : i1
    %convert_element_type3A_29 = arith.extui %and3A : i1 to i32
    %cond3A_30 = arith.constant 0 : i32
    %cond3A_31 = arith.cmpi ne, %convert_element_type3A_29, %cond3A_30 : i32
    scf.if %cond3A_31 {
      %mul3A_40 = arith.constant 16000 : i32
      %mul3A_41 = arith.muli %arg1, %mul3A_40 : i32
      %mul3A_42 = arith.constant 16000 : i32
      %mul3A_43 = arith.muli %arg1, %mul3A_42 : i32
      "tpu.region"() ({
        %run_scoped3A = tpu.sem_alloc : memref<!tpu.dma_semaphore, #tpu.memory_space<semaphore_mem>>
        %dma_start3A = tpu.memref_slice %arg4[%mul3A_43] : memref<80000xf32, #tpu.memory_space<hbm>> -> memref<16000xf32, #tpu.memory_space<hbm>>
        %dma_start3A_44 = tpu.memref_slice %arg8[%mul3A_41] : memref<80000xf32, #tpu.memory_space<vmem_shared>> -> memref<16000xf32, #tpu.memory_space<vmem_shared>>
        tpu.enqueue_dma source(%dma_start3A_44 : memref<16000xf32, #tpu.memory_space<vmem_shared>>) target(%dma_start3A : memref<16000xf32, #tpu.memory_space<hbm>>) target_semaphore(%run_scoped3A : memref<!tpu.dma_semaphore, #tpu.memory_space<semaphore_mem>>)
        %dma_wait3A = tpu.memref_slice %arg4[%mul3A_43] : memref<80000xf32, #tpu.memory_space<hbm>> -> memref<16000xf32, #tpu.memory_space<hbm>>
        %dma_wait3A_45 = tpu.memref_slice %arg8[%mul3A_41] : memref<80000xf32, #tpu.memory_space<vmem_shared>> -> memref<16000xf32, #tpu.memory_space<vmem_shared>>
        tpu.wait_dma2 semaphore(%run_scoped3A : memref<!tpu.dma_semaphore, #tpu.memory_space<semaphore_mem>>) src(%dma_wait3A_45 : memref<16000xf32, #tpu.memory_space<vmem_shared>>) dst(%dma_wait3A : memref<16000xf32, #tpu.memory_space<hbm>>)
        tpu.yield
      }) : () -> ()
    } else {
    }
    %eq3A_32 = arith.constant 1 : i32
    %eq3A_33 = arith.cmpi eq, %arg0, %eq3A_32 : i32
    %lt3A_34 = arith.constant 5 : i32
    %lt3A_35 = arith.cmpi slt, %arg1, %lt3A_34 : i32
    %and3A_36 = arith.andi %eq3A_33, %lt3A_35 : i1
    %convert_element_type3A_37 = arith.extui %and3A_36 : i1 to i32
    %cond3A_38 = arith.constant 0 : i32
    %cond3A_39 = arith.cmpi ne, %convert_element_type3A_37, %cond3A_38 : i32
    scf.if %cond3A_39 {
      %mul3A_40 = arith.constant 16000 : i32
      %mul3A_41 = arith.muli %arg1, %mul3A_40 : i32
      %mul3A_42 = arith.constant 16000 : i32
      %mul3A_43 = arith.muli %arg1, %mul3A_42 : i32
      "tpu.region"() ({
        %run_scoped3A = tpu.sem_alloc : memref<!tpu.dma_semaphore, #tpu.memory_space<semaphore_mem>>
        %dma_start3A = tpu.memref_slice %arg5[%mul3A_43] : memref<80000xf32, #tpu.memory_space<hbm>> -> memref<16000xf32, #tpu.memory_space<hbm>>
        %dma_start3A_44 = tpu.memref_slice %arg8[%mul3A_41] : memref<80000xf32, #tpu.memory_space<vmem_shared>> -> memref<16000xf32, #tpu.memory_space<vmem_shared>>
        tpu.enqueue_dma source(%dma_start3A_44 : memref<16000xf32, #tpu.memory_space<vmem_shared>>) target(%dma_start3A : memref<16000xf32, #tpu.memory_space<hbm>>) target_semaphore(%run_scoped3A : memref<!tpu.dma_semaphore, #tpu.memory_space<semaphore_mem>>)
        %dma_wait3A = tpu.memref_slice %arg5[%mul3A_43] : memref<80000xf32, #tpu.memory_space<hbm>> -> memref<16000xf32, #tpu.memory_space<hbm>>
        %dma_wait3A_45 = tpu.memref_slice %arg8[%mul3A_41] : memref<80000xf32, #tpu.memory_space<vmem_shared>> -> memref<16000xf32, #tpu.memory_space<vmem_shared>>
        tpu.wait_dma2 semaphore(%run_scoped3A : memref<!tpu.dma_semaphore, #tpu.memory_space<semaphore_mem>>) src(%dma_wait3A_45 : memref<16000xf32, #tpu.memory_space<vmem_shared>>) dst(%dma_wait3A : memref<16000xf32, #tpu.memory_space<hbm>>)
        tpu.yield
      }) : () -> ()
    } else {
    }
    return
  }
}

module attributes {stable_mosaic.version = 14 : i64} {
  func.func @_tc_pre_body(%arg0: i32, %arg1: i32, %arg2: memref<400x128xf32, #tpu.memory_space<vmem>>, %arg3: memref<1x128x128xf32, #tpu.memory_space<vmem>>, %arg4: memref<128x128xf32, #tpu.memory_space<vmem>>, %arg5: memref<2x3200xf32, #tpu.memory_space<vmem>>, %arg6: memref<400x128xf32, #tpu.memory_space<vmem>>, %arg7: memref<400x128xf32, #tpu.memory_space<vmem>>, %arg8: memref<1x1x3200xf32, #tpu.memory_space<vmem>>) attributes {dimension_semantics = [#tpu.dimension_semantics<arbitrary>, #tpu.dimension_semantics<arbitrary>], iteration_bounds = array<i64: 25, 8>, scalar_prefetch = 0 : i64, scratch_operands = 0 : i64, tpu.core_type = #tpu.core_type<tc>, window_params = [{transform_indices = @transform_0, window_bounds = array<i64: 400, 128>}, {transform_indices = @transform_1, window_bounds = array<i64: 1, 128, 128>}, {pipeline_mode = #tpu.pipeline_mode<synchronous>, transform_indices = @transform_2, window_bounds = array<i64: 128, 128>}, {transform_indices = @transform_3, window_bounds = array<i64: 2, 3200>}, {transform_indices = @transform_4, window_bounds = array<i64: 400, 128>}, {transform_indices = @transform_5, window_bounds = array<i64: 400, 128>}, {transform_indices = @transform_6, window_bounds = array<i64: 1, 1, 3200>}]} {
    %get3A = arith.constant 0 : index
    %get3A_0 = arith.constant 0 : index
    %get3A_1 = vector.load %arg2[%get3A, %get3A_0] : memref<400x128xf32, #tpu.memory_space<vmem>>, vector<400x128xf32>
    %get3A_2 = arith.constant 0 : index
    %get3A_3 = arith.constant 0 : index
    %get3A_4 = arith.constant 0 : index
    %get3A_5 = vector.load %arg3[%get3A_2, %get3A_3, %get3A_4] : memref<1x128x128xf32, #tpu.memory_space<vmem>>, vector<1x128x128xf32>
    %get3A_6 = vector.shape_cast %get3A_5 : vector<1x128x128xf32> to vector<128x128xf32>
    %dot_general3A = arith.constant dense<0.000000e+00> : vector<400x128xf32>
    %dot_general3A_7 = tpu.matmul %get3A_1, %get3A_6, %dot_general3A {dimension_numbers = #tpu.dot_dimension_numbers<[1], [0], [0], [1], [0, 0, 1, 1], [], []>, transpose_lhs_hint = false} : vector<400x128xf32>, vector<128x128xf32>, vector<400x128xf32> -> vector<400x128xf32>
    %swap3A = arith.constant 0 : index
    %swap3A_8 = arith.constant 0 : index
    %swap3A_9 = vector.load %arg6[%swap3A, %swap3A_8] : memref<400x128xf32, #tpu.memory_space<vmem>>, vector<400x128xf32>
    tpu.vector_store %arg6[%swap3A, %swap3A_8], %dot_general3A_7 {strides = array<i32>} : memref<400x128xf32, #tpu.memory_space<vmem>>, vector<400x128xf32>,
    %eq3A = arith.constant 0 : i32
    %eq3A_10 = arith.cmpi eq, %arg1, %eq3A : i32
    %convert_element_type3A = arith.extui %eq3A_10 : i1 to i32
    %cond3A = arith.constant 0 : i32
    %cond3A_11 = arith.cmpi ne, %convert_element_type3A, %cond3A : i32
    scf.if %cond3A_11 {
      %get3A_12 = arith.constant 0 : index
      %get3A_13 = arith.constant 0 : index
      %get3A_14 = vector.load %arg2[%get3A_12, %get3A_13] : memref<400x128xf32, #tpu.memory_space<vmem>>, vector<400x128xf32>
      %get3A_15 = arith.constant 0 : index
      %get3A_16 = arith.constant 0 : index
      %get3A_17 = vector.load %arg4[%get3A_15, %get3A_16] : memref<128x128xf32, #tpu.memory_space<vmem>>, vector<128x128xf32>
      %dot_general3A_18 = arith.constant dense<0.000000e+00> : vector<400x128xf32>
      %dot_general3A_19 = tpu.matmul %get3A_14, %get3A_17, %dot_general3A_18 {dimension_numbers = #tpu.dot_dimension_numbers<[1], [0], [0], [1], [0, 0, 1, 1], [], []>, transpose_lhs_hint = false} : vector<400x128xf32>, vector<128x128xf32>, vector<400x128xf32> -> vector<400x128xf32>
      %swap3A_20 = arith.constant 0 : index
      %swap3A_21 = arith.constant 0 : index
      %swap3A_22 = vector.load %arg7[%swap3A_20, %swap3A_21] : memref<400x128xf32, #tpu.memory_space<vmem>>, vector<400x128xf32>
      tpu.vector_store %arg7[%swap3A_20, %swap3A_21], %dot_general3A_19 {strides = array<i32>} : memref<400x128xf32, #tpu.memory_space<vmem>>, vector<400x128xf32>,
      %get3A_23 = arith.constant 0 : index
      %get3A_24 = arith.constant 0 : index
      %get3A_25 = vector.load %arg5[%get3A_23, %get3A_24] : memref<2x3200xf32, #tpu.memory_space<vmem>>, vector<1x3200xf32>
      %get3A_26 = vector.shape_cast %get3A_25 : vector<1x3200xf32> to vector<3200xf32>
      %get3A_27 = arith.constant 1 : index
      %get3A_28 = arith.constant 0 : index
      %get3A_29 = vector.load %arg5[%get3A_27, %get3A_28] : memref<2x3200xf32, #tpu.memory_space<vmem>>, vector<1x3200xf32>
      %get3A_30 = vector.shape_cast %get3A_29 : vector<1x3200xf32> to vector<3200xf32>
      %add3A = arith.addf %get3A_26, %get3A_30 : vector<3200xf32>
      %max3A = arith.constant 1.000000e+00 : f32
      %max3A_31 = vector.broadcast %max3A : f32 to vector<3200xf32>
      %max3A_32 = arith.maximumf %add3A, %max3A_31 : vector<3200xf32>
      %div3A = arith.constant 1.000000e+00 : f32
      %div3A_33 = vector.broadcast %div3A : f32 to vector<3200xf32>
      %div3A_34 = arith.divf %div3A_33, %max3A_32 : vector<3200xf32>
      %reshape3A = vector.shape_cast %div3A_34 : vector<3200xf32> to vector<1x1x3200xf32>
      %swap3A_35 = arith.constant 0 : index
      %swap3A_36 = arith.constant 0 : index
      %swap3A_37 = arith.constant 0 : index
      %swap3A_38 = vector.load %arg8[%swap3A_35, %swap3A_36, %swap3A_37] : memref<1x1x3200xf32, #tpu.memory_space<vmem>>, vector<1x1x3200xf32>
      tpu.vector_store %arg8[%swap3A_35, %swap3A_36, %swap3A_37], %reshape3A {strides = array<i32>} : memref<1x1x3200xf32, #tpu.memory_space<vmem>>, vector<1x1x3200xf32>,
    } else {
    }
    return
  }
  func.func @transform_0(%arg0: i32, %arg1: i32) -> (i32, i32) {
    %c0_i32 = arith.constant 0 : i32
    %c0_i32_0 = arith.constant 0 : i32
    return %arg0, %c0_i32 : i32, i32
  }
  func.func @transform_1(%arg0: i32, %arg1: i32) -> (i32, i32, i32) {
    %c0_i32 = arith.constant 0 : i32
    %c0_i32_0 = arith.constant 0 : i32
    %c0_i32_1 = arith.constant 0 : i32
    return %arg1, %c0_i32, %c0_i32_0 : i32, i32, i32
  }
  func.func @transform_2(%arg0: i32, %arg1: i32) -> (i32, i32) {
    %c0_i32 = arith.constant 0 : i32
    %c0_i32_0 = arith.constant 0 : i32
    %c0_i32_1 = arith.constant 0 : i32
    return %c0_i32, %c0_i32_0 : i32, i32
  }
  func.func @transform_3(%arg0: i32, %arg1: i32) -> (i32, i32) {
    %c0_i32 = arith.constant 0 : i32
    %c0_i32_0 = arith.constant 0 : i32
    return %c0_i32, %arg0 : i32, i32
  }
  func.func @transform_4(%arg0: i32, %arg1: i32) -> (i32, i32) {
    %mul3A = arith.constant 25 : i32
    %mul3A_0 = arith.muli %arg1, %mul3A : i32
    %add3A = arith.addi %mul3A_0, %arg0 : i32
    %c0_i32 = arith.constant 0 : i32
    %c0_i32_1 = arith.constant 0 : i32
    return %add3A, %c0_i32 : i32, i32
  }
  func.func @transform_5(%arg0: i32, %arg1: i32) -> (i32, i32) {
    %c0_i32 = arith.constant 0 : i32
    %c0_i32_0 = arith.constant 0 : i32
    return %arg0, %c0_i32 : i32, i32
  }
  func.func @transform_6(%arg0: i32, %arg1: i32) -> (i32, i32, i32) {
    %c0_i32 = arith.constant 0 : i32
    %c0_i32_0 = arith.constant 0 : i32
    %c0_i32_1 = arith.constant 0 : i32
    return %arg0, %c0_i32, %c0_i32_0 : i32, i32, i32
  }
}

module attributes {stable_mosaic.version = 14 : i64} {
  func.func @_tc_post_body(%arg0: i32, %arg1: memref<400x128xf32, #tpu.memory_space<vmem>>, %arg2: memref<400x128xf32, #tpu.memory_space<vmem>>, %arg3: memref<400x128xf32, #tpu.memory_space<vmem>>, %arg4: memref<400x128xf32, #tpu.memory_space<vmem>>, %arg5: memref<1x128xf32, #tpu.memory_space<vmem>>, %arg6: memref<1x128xf32, #tpu.memory_space<vmem>>, %arg7: memref<1x128xf32, #tpu.memory_space<vmem>>, %arg8: memref<1x1xf32, #tpu.memory_space<vmem>>, %arg9: memref<400x128xf32, #tpu.memory_space<vmem>>) attributes {dimension_semantics = [#tpu.dimension_semantics<arbitrary>], iteration_bounds = array<i64: 25>, scalar_prefetch = 0 : i64, scratch_operands = 0 : i64, tpu.core_type = #tpu.core_type<tc>, window_params = [{transform_indices = @transform_0, window_bounds = array<i64: 400, 128>}, {transform_indices = @transform_1, window_bounds = array<i64: 400, 128>}, {transform_indices = @transform_2, window_bounds = array<i64: 400, 128>}, {transform_indices = @transform_3, window_bounds = array<i64: 400, 128>}, {pipeline_mode = #tpu.pipeline_mode<synchronous>, transform_indices = @transform_4, window_bounds = array<i64: 1, 128>}, {pipeline_mode = #tpu.pipeline_mode<synchronous>, transform_indices = @transform_5, window_bounds = array<i64: 1, 128>}, {pipeline_mode = #tpu.pipeline_mode<synchronous>, transform_indices = @transform_6, window_bounds = array<i64: 1, 128>}, {pipeline_mode = #tpu.pipeline_mode<synchronous>, transform_indices = @transform_7, window_bounds = array<i64: 1, 1>}, {transform_indices = @transform_8, window_bounds = array<i64: 400, 128>}]} {
    %get3A = arith.constant 0 : index
    %get3A_0 = arith.constant 0 : index
    %get3A_1 = vector.load %arg1[%get3A, %get3A_0] : memref<400x128xf32, #tpu.memory_space<vmem>>, vector<400x128xf32>
    %get3A_2 = arith.constant 0 : index
    %get3A_3 = arith.constant 0 : index
    %get3A_4 = vector.load %arg2[%get3A_2, %get3A_3] : memref<400x128xf32, #tpu.memory_space<vmem>>, vector<400x128xf32>
    %add3A = arith.addf %get3A_1, %get3A_4 : vector<400x128xf32>
    %get3A_5 = arith.constant 0 : index
    %get3A_6 = arith.constant 0 : index
    %get3A_7 = vector.load %arg3[%get3A_5, %get3A_6] : memref<400x128xf32, #tpu.memory_space<vmem>>, vector<400x128xf32>
    %add3A_8 = arith.addf %add3A, %get3A_7 : vector<400x128xf32>
    %get3A_9 = arith.constant 0 : index
    %get3A_10 = arith.constant 0 : index
    %get3A_11 = vector.load %arg5[%get3A_9, %get3A_10] : memref<1x128xf32, #tpu.memory_space<vmem>>, vector<1x128xf32>
    %add3A_12 = vector.broadcast %get3A_11 : vector<1x128xf32> to vector<400x128xf32>
    %add3A_13 = arith.addf %add3A_8, %add3A_12 : vector<400x128xf32>
    %get3A_14 = arith.constant 0 : index
    %get3A_15 = arith.constant 0 : index
    %get3A_16 = vector.load %arg4[%get3A_14, %get3A_15] : memref<400x128xf32, #tpu.memory_space<vmem>>, vector<400x128xf32>
    %get3A_17 = arith.constant 0 : index
    %get3A_18 = arith.constant 0 : index
    %get3A_19 = vector.load %arg6[%get3A_17, %get3A_18] : memref<1x128xf32, #tpu.memory_space<vmem>>, vector<1x128xf32>
    %mul3A = vector.broadcast %get3A_19 : vector<1x128xf32> to vector<400x128xf32>
    %mul3A_20 = arith.mulf %add3A_13, %mul3A : vector<400x128xf32>
    %reduce_sum3A = arith.constant dense<0.000000e+00> : vector<400xf32>
    %reduce_sum3A_21 = vector.multi_reduction <add>, %mul3A_20, %reduce_sum3A [1] : vector<400x128xf32> to vector<400xf32>
    %broadcast_in_dim3A = vector.shape_cast %reduce_sum3A_21 : vector<400xf32> to vector<400x1xf32>
    %get3A_22 = arith.constant 0 : index
    %get3A_23 = arith.constant 0 : index
    %get3A_24 = vector.load %arg7[%get3A_22, %get3A_23] : memref<1x128xf32, #tpu.memory_space<vmem>>, vector<1x128xf32>
    %mul3A_25 = vector.broadcast %get3A_24 : vector<1x128xf32> to vector<400x128xf32>
    %mul3A_26 = arith.mulf %get3A_16, %mul3A_25 : vector<400x128xf32>
    %reduce_sum3A_27 = arith.constant dense<0.000000e+00> : vector<400xf32>
    %reduce_sum3A_28 = vector.multi_reduction <add>, %mul3A_26, %reduce_sum3A_27 [1] : vector<400x128xf32> to vector<400xf32>
    %broadcast_in_dim3A_29 = vector.shape_cast %reduce_sum3A_28 : vector<400xf32> to vector<400x1xf32>
    %add3A_30 = arith.addf %broadcast_in_dim3A, %broadcast_in_dim3A_29 : vector<400x1xf32>
    %get3A_31 = arith.constant 0 : index
    %get3A_32 = arith.constant 0 : index
    %get3A_33 = vector.load %arg8[%get3A_31, %get3A_32] : memref<1x1xf32, #tpu.memory_space<vmem>>, vector<1x1xf32>
    %get3A_34 = vector.extract %get3A_33[0, 0] : f32 from vector<1x1xf32>
    %add3A_35 = vector.broadcast %get3A_34 : f32 to vector<400x1xf32>
    %add3A_36 = arith.addf %add3A_30, %add3A_35 : vector<400x1xf32>
    %logistic3A = arith.negf %add3A_36 : vector<400x1xf32>
    %logistic3A_37 = math.exp %logistic3A : vector<400x1xf32>
    %logistic3A_38 = arith.constant 1.000000e+00 : f32
    %logistic3A_39 = vector.broadcast %logistic3A_38 : f32 to vector<400x1xf32>
    %logistic3A_40 = arith.addf %logistic3A_39, %logistic3A_37 : vector<400x1xf32>
    %logistic3A_41 = arith.divf %logistic3A_39, %logistic3A_40 : vector<400x1xf32>
    %tanh3A = math.tanh %add3A_13 : vector<400x128xf32>
    %mul3A_42 = vector.broadcast %logistic3A_41 : vector<400x1xf32> to vector<400x128xf32>
    %mul3A_43 = arith.mulf %tanh3A, %mul3A_42 : vector<400x128xf32>
    %sub3A = arith.constant 1.000000e+00 : f32
    %sub3A_44 = vector.broadcast %sub3A : f32 to vector<400x1xf32>
    %sub3A_45 = arith.subf %sub3A_44, %logistic3A_41 : vector<400x1xf32>
    %mul3A_46 = vector.broadcast %sub3A_45 : vector<400x1xf32> to vector<400x128xf32>
    %mul3A_47 = arith.mulf %get3A_16, %mul3A_46 : vector<400x128xf32>
    %add3A_48 = arith.addf %mul3A_43, %mul3A_47 : vector<400x128xf32>
    %swap3A = arith.constant 0 : index
    %swap3A_49 = arith.constant 0 : index
    %swap3A_50 = vector.load %arg9[%swap3A, %swap3A_49] : memref<400x128xf32, #tpu.memory_space<vmem>>, vector<400x128xf32>
    tpu.vector_store %arg9[%swap3A, %swap3A_49], %add3A_48 {strides = array<i32>} : memref<400x128xf32, #tpu.memory_space<vmem>>, vector<400x128xf32>,
    return
  }
  func.func @transform_0(%arg0: i32) -> (i32, i32) {
    %c0_i32 = arith.constant 0 : i32
    %c0_i32_0 = arith.constant 0 : i32
    return %arg0, %c0_i32 : i32, i32
  }
  func.func @transform_1(%arg0: i32) -> (i32, i32) {
    %c0_i32 = arith.constant 0 : i32
    %c0_i32_0 = arith.constant 0 : i32
    return %arg0, %c0_i32 : i32, i32
  }
  func.func @transform_2(%arg0: i32) -> (i32, i32) {
    %c0_i32 = arith.constant 0 : i32
    %c0_i32_0 = arith.constant 0 : i32
    return %arg0, %c0_i32 : i32, i32
  }
  func.func @transform_3(%arg0: i32) -> (i32, i32) {
    %c0_i32 = arith.constant 0 : i32
    %c0_i32_0 = arith.constant 0 : i32
    return %arg0, %c0_i32 : i32, i32
  }
  func.func @transform_4(%arg0: i32) -> (i32, i32) {
    %c0_i32 = arith.constant 0 : i32
    %c0_i32_0 = arith.constant 0 : i32
    %c0_i32_1 = arith.constant 0 : i32
    return %c0_i32, %c0_i32_0 : i32, i32
  }
  func.func @transform_5(%arg0: i32) -> (i32, i32) {
    %c0_i32 = arith.constant 0 : i32
    %c0_i32_0 = arith.constant 0 : i32
    %c0_i32_1 = arith.constant 0 : i32
    return %c0_i32, %c0_i32_0 : i32, i32
  }
  func.func @transform_6(%arg0: i32) -> (i32, i32) {
    %c0_i32 = arith.constant 0 : i32
    %c0_i32_0 = arith.constant 0 : i32
    %c0_i32_1 = arith.constant 0 : i32
    return %c0_i32, %c0_i32_0 : i32, i32
  }
  func.func @transform_7(%arg0: i32) -> (i32, i32) {
    %c0_i32 = arith.constant 0 : i32
    %c0_i32_0 = arith.constant 0 : i32
    %c0_i32_1 = arith.constant 0 : i32
    return %c0_i32, %c0_i32_0 : i32, i32
  }
  func.func @transform_8(%arg0: i32) -> (i32, i32) {
    %c0_i32 = arith.constant 0 : i32
    %c0_i32_0 = arith.constant 0 : i32
    return %arg0, %c0_i32 : i32, i32
  }
}

</mosaic_0001>

<sc_bundles>
// kernel: kernel.6.cloned.1.call-start
scs
__scs_entry_jumppad:
0x0: {  	(pc) =	sbr.rel $0x88, $3  }
0x1: {  	(tag) =	ssettag $0x0;
	lr =	simm.s32 $0x1  }
0x2: {  	[smem:$0x3F99] =	sst lr;
	_ =	strace $0xD0000000  }
0x3: {  	_ = 	snop  }
0x4: {  	_ = 	snop  }
0x5: {  	_ = 	snop  }
0x6: {  	_ = 	snop  }
0x7: {  	_ = 	snop  }
__scs_overlays_trampoline_lowered:
0x8: {  	[smem:$0x3FA8] =	sst s0  }
0x9: {  	[smem:$0x3FA9] =	sst s1  }
0xa: {  	[smem:$0x3FAA] =	sst s2  }
0xb: {  	[smem:$0x3FAB] =	sst s3  }
0xc: {  	[smem:$0x3FAC] =	sst s4  }
0xd: {  	[smem:$0x3FAD] =	sst s5  }
0xe: {  	[smem:$0x3FAE] =	sst s6  }
0xf: {  	[smem:$0x3FAF] =	sst s7  }
0x10: {  	[smem:$0x3FB0] =	sst s8  }
0x11: {  	[smem:$0x3FB1] =	sst s9;
	s0 =	simm.s32 @!p0 $0x0  }
0x12: {  	s1 =	sld [smem:$0x3F97];
	s0 =	simm.s32 @p0 $0x1  }
0x13: {  	[smem:$0x3FB2] =	sst s0;
	s0 =	simm.s32 @!p1 $0x0  }
0x14: {  	s2 =	sld [smem:$0x3F96];
	s0 =	simm.s32 @p1 $0x1  }
0x15: {  	[smem:$0x3FB3] =	sst s0;
	s0 =	simm.s32 @!p2 $0x0  }
0x16: {  	s3 =	sld [smem:$0x3FDB];
	s0 =	simm.s32 @p2 $0x1  }
0x17: {  	s4 =	simm.s32 $0x1BF5;
	[smem:$0x3FB5] =	sst s0  }
0x18: {  	s0 =	sld [smem:$0x3F98];
	_ =	swait.ge [sflag:s4], $0x0  }
0x19: {  	s7 =	sld [smem:$0x3F99]  }
0x1a: {  	s8 =	sadd.s32 $0xFFFFE003, lr  }
0x1b: {  	s9 =	sadd.s32 $0xFFFFFEF7, lr;
	s5 =	simm.s32 $0xFFFFFFFF;
	p2 =	slt.u32 s8, $0xFFFFF086  }
0x1c: {  	p1 =	slt.u32 s9, $0xF7A;
	s5 =	simm.s32 @!p2 $0x0  }
0x1d: {  	s5 =	simm.s32 @p1 $0x1;
	p0 =	seq.s32 s7, s2  }
0x1e: {  	s7 =	smul.u32 @!p0 $0xF7A, s2;
	p2 =	seq.s32 @!p0 s5, $0x0  }
0x1f: {  	s9 =	smul.u32 $0xF7A, s1;
	s8 =	simm.s32 @!p0 $0x1BF5;
	p2 =	por !p2, p0  }
0x20: {  	[sflag:s8] =	ssyncset.s32 @!p0 $0xFFFFF086;
	s6 =	sadd.s32 @!p0 s3, s7;
	s7 =	simm.s32 @!p0 $0x108  }
0x21: {  	s3 =	sadd.s32 s3, s9;
	s6 =	sadd.s32 @!p0 $0x88, s6;
	s7 =	simm.s32 @p2 $0x1082  }
0x22: {  	[simem:s7], [sflag:s8] =	dma.local @!p0 [hbm:s6], $0xF7A  }
0x23: {  	s9 =	sor.u32 $0xD0000000, s2;
	s6 =	simm.s32 $0x108;
	_ =	swait.ge @!p0 [sflag:s8], $0x0  }
0x24: {  	s3 =	sadd.s32 $0x88, s3;
	s6 =	simm.s32 @!p1 $0x1082;
	[sflag:s4] =	ssyncset.s32 $0xFFFFF086  }
0x25: {  	[simem:s6], [sflag:s4] =	dma.local [hbm:s3], $0xF7A  }
0x26: {  	[smem:$0x3F99] =	sst s1;
	(tag) =	ssettag s2;
	_ =	strace s9  }
0x27: {  	s1 =	sld [smem:$0x3FA9]  }
0x28: {  	s2 =	sld [smem:$0x3FAA]  }
0x29: {  	s4 =	sld [smem:$0x3FAC]  }
0x2a: {  	p0 =	seq.s32 s5, $0x0;
	s5 =	sld [smem:$0x3FAD]  }
0x2b: {  	s6 =	sld [smem:$0x3FAE]  }
0x2c: {  	s7 =	sld [smem:$0x3FAF]  }
0x2d: {  	s3 =	simm.s32 $0x108;
	s8 =	sld [smem:$0x3FB0]  }
0x2e: {  	s3 =	simm.s32 @!p0 $0x1082;
	s9 =	sld [smem:$0x3FB1]  }
0x2f: {  	lr =	sadd.s32 s0, s3;
	s0 =	sld [smem:$0x3FA8]  }
0x30: {  	s3 =	sld [smem:$0x3FAB]  }
0x31: {  	[smem:$0x3FB4] =	sst s10  }
0x32: {  	s10 =	sld [smem:$0x3FB2];
	_ =	sdelay $0x3  }
0x33: {  	p0 =	seq.s32 s10, $0x1;
	s10 =	sld [smem:$0x3FB4];
	_ =	sdelay $0x3  }
0x34: {  	[smem:$0x3FB4] =	sst s10  }
0x35: {  	s10 =	sld [smem:$0x3FB3];
	_ =	sdelay $0x3  }
0x36: {  	p1 =	seq.s32 s10, $0x1;
	s10 =	sld [smem:$0x3FB4];
	_ =	sdelay $0x3  }
0x37: {  	[smem:$0x3FB4] =	sst s10  }
0x38: {  	s10 =	sld [smem:$0x3FB5]  }
0x39: {  	_ = 	snop;
	(pc) =	sbr.ind lr, $3  }
0x3a: {  	_ = 	snop  }
0x3b: {  	_ = 	snop  }
0x3c: {  	p2 =	seq.s32 s10, $0x1;
	s10 =	sld [smem:$0x3FB4]  }
0x3d: {  	_ =	shalt  }
0x3e: {  	_ =	shalt  }
0x3f: {  	_ =	shalt  }
0x40: {  	_ =	shalt  }
0x41: {  	_ =	shalt  }
0x42: {  	_ =	shalt  }
0x43: {  	_ =	shalt  }
0x44: {  	_ =	shalt  }
0x45: {  	_ =	shalt  }
0x46: {  	_ =	shalt  }
0x47: {  	_ =	shalt  }
0x48: {  	_ =	shalt  }
0x49: {  	_ =	shalt  }
0x4a: {  	_ =	shalt  }
0x4b: {  	_ =	shalt  }
0x4c: {  	_ =	shalt  }
0x4d: {  	_ =	shalt  }
0x4e: {  	_ =	shalt  }
0x4f: {  	_ =	shalt  }
0x50: {  	_ =	shalt  }
0x51: {  	_ =	shalt  }
0x52: {  	_ =	shalt  }
0x53: {  	_ =	shalt  }
0x54: {  	_ =	shalt  }
0x55: {  	_ =	shalt  }
0x56: {  	_ =	shalt  }
0x57: {  	_ =	shalt  }
0x58: {  	_ =	shalt  }
0x59: {  	_ =	shalt  }
0x5a: {  	_ =	shalt  }
0x5b: {  	_ =	shalt  }
0x5c: {  	_ =	shalt  }
0x5d: {  	_ =	shalt  }
0x5e: {  	_ =	shalt  }
0x5f: {  	_ =	shalt  }
0x60: {  	_ =	shalt  }
0x61: {  	_ =	shalt  }
0x62: {  	_ =	shalt  }
0x63: {  	_ =	shalt  }
0x64: {  	_ =	shalt  }
0x65: {  	_ =	shalt  }
0x66: {  	_ =	shalt  }
0x67: {  	_ =	shalt  }
0x68: {  	_ =	shalt  }
0x69: {  	_ =	shalt  }
0x6a: {  	_ =	shalt  }
0x6b: {  	_ =	shalt  }
0x6c: {  	_ =	shalt  }
0x6d: {  	_ =	shalt  }
0x6e: {  	_ =	shalt  }
0x6f: {  	_ =	shalt  }
0x70: {  	_ =	shalt  }
0x71: {  	_ =	shalt  }
0x72: {  	_ =	shalt  }
0x73: {  	_ =	shalt  }
0x74: {  	_ =	shalt  }
0x75: {  	_ =	shalt  }
0x76: {  	_ =	shalt  }
0x77: {  	_ =	shalt  }
0x78: {  	_ =	shalt  }
0x79: {  	_ =	shalt  }
0x7a: {  	_ =	shalt  }
0x7b: {  	_ =	shalt  }
0x7c: {  	_ =	shalt  }
0x7d: {  	_ =	shalt  }
0x7e: {  	_ =	shalt  }
0x7f: {  	_ =	shalt  }
0x80: {  	_ =	shalt  }
0x81: {  	_ =	shalt  }
0x82: {  	_ =	shalt  }
0x83: {  	_ =	shalt  }
0x84: {  	_ =	shalt  }
0x85: {  	_ =	shalt  }
0x86: {  	_ =	shalt  }
0x87: {  	_ =	shalt  }
.Lfunc_end0:
.L_simem_size_0:
called_computation_lowered:
.L_overlay_start_0:
0x88: {  	s2 =	sld [smem:$0x3FD9]  }
0x89: {  	s3 =	sld [smem:$0x3FFE];
	_ =	sdelay $0x1  }
0x8a: {  	s1 =	srdreg.scid  }
0x8b: {  	s0 =	sand.u32 $0x1, s1  }
0x8c: {  	s17 =	sshll.u32 s0, $0xA;
	s2 =	sadd.s32 s3, s2  }
0x8d: {  	s2 =	sadd.s32 s2, s17  }
0x8e: {  	[smem:$0x3FC0] =	sst s2  }
0x8f: {  	_ = 	snop  }
0x90: {  	s2 =	sld [smem:$0x3FD0];
	(tm) =	ssettm $0x1  }
0x91: {  	s18 =	sld [smem:$0x3FFB];
	_ =	sdelay $0x3  }
0x92: {  	_ =	strace s18  }
0x93: {  	s3 =	sld [smem:$0x3FFC];
	_ =	sdelay $0x3  }
0x94: {  	_ =	strace s3  }
0x95: {  	s3 =	sld [smem:$0x3FFD];
	_ =	sdelay $0x3  }
0x96: {  	_ =	strace s3  }
0x97: {  	_ =	strace $0x8FFFFFFF  }
0x98: {  	s19 =	sld [smem:$0x3FDB];
	_ =	sdelay $0x1  }
0x99: {  	s4 =	simm.s32 $_scs_section_size  }
0x9a: {  	s5 =	simm.s32 $_size__tile_overlayer_lowered;
	s6 =	simm.s32 $_tile_overlayer_lowered  }
0x9b: {  	s22 =	simm.s32 $0x1BFF;
	s21 =	sshll.u32 s6, $0x1;
	s3 =	sadd.s32 s4, s19  }
0x9c: {  	s7 =	simm.s32 $0x0;
	s20 =	sshll.u32 s5, $0x1;
	s5 =	sadd.s32 s21, s3  }
0x9d: {  	[timem:s7], [sflag:s22] =	dma.local [hbm:s5], s20  }
0x9e: {  	_ =	swait.ge [sflag:s22], s20  }
0x9f: {  	s4 =	ssub.s32 $0x0, s20;
	[sflag:s22] =	ssyncset.done $0x0  }
0xa0: {  	[sflag:s22] =	ssyncadd.s32 s4;
	_ =	sdelay $0x1  }
0xa1: {  	s23 =	simm.s32 $0x1B8B  }
0xa2: {  	_ =	swait.ge [sflag:s23], $0x1  }
0xa3: {  	[sflag:s23] =	ssyncset.done $0x0  }
0xa4: {  	s25 =	simm.s32 $0x1B8E;
	s24 =	sld [smem:$0x3FFE];
	[sflag:s23] =	ssyncadd.s32 $0xFFFFFFFF  }
0xa5: {  	s26 =	simm.s32 $execute0_lowered;
	[smem:$0x3FD2] =	sst s25  }
0xa6: {  	s5 =	sshll.u32 s26, $0x1;
	_ =	strace $0x80000046;
	[dreg:$0x1] =	wrdreg $0xFFFFFFFF  }
0xa7: {  	s28 =	simm.s32 $_size_execute0_lowered;
	s3 =	sadd.s32 s3, s5;
	[dreg:$0x0] =	wrdreg $0x0  }
0xa8: {  	s5 =	sshll.u32 s28, $0x1;
	[dreg:$0x2] =	wrdreg s3  }
0xa9: {  	[dreg:$0x3] =	wrdreg s5  }
0xaa: {  	[dreg:$0x4] =	wrdreg $0xC0  }
0xab: {  	_ =	task [dreg:s7], $0x5FFFF  }
0xac: {  	[dreg:$0x1] =	wrdreg $0xFFFFFFFF  }
0xad: {  	[dreg:$0x0] =	wrdreg $0x60  }
0xae: {  	[dreg:$0x2] =	wrdreg s24  }
0xaf: {  	[dreg:$0x3] =	wrdreg s2  }
0xb0: {  	[dreg:$0x4] =	wrdreg $0x4800  }
0xb1: {  	[dreg:$0x5] =	wrdreg $0x9  }
0xb2: {  	_ =	task.clear_ibuf [dreg:s7], $0x6FFFF;
	_ =	strace $0x90000046  }
0xb3: {  	s29 =	simm.s32 $0x9;
	_ =	strace $0x80000048  }
0xb4: {  	_ =	swait.ge [sflag:s29], $0x1  }
0xb5: {  	[sflag:s29] =	ssyncadd.s32 $0xFFFFFFFF  }
0xb6: {  	_ =	strace $0x90000048  }
0xb7: {  	_ =	sfence  }
0xb8: {  	s30 =	sld [smem:$0x0];
	_ =	sdelay $0x2  }
0xb9: {  	s31 =	sshll.u32 s1, $0xD;
	s1 =	sshrl.u32 s1, $0x2  }
0xba: {  	s3 =	sand.u32 $0x4000, s31;
	s1 =	sadd.s32 s1, s30  }
0xbb: {  	s0 =	sor.u32 s3, s0;
	s1 =	sshll.u32 s1, $0x11  }
0xbc: {  	s0 =	sor.u32 s1, s0  }
0xbd: {  	s0 =	sadd.s32 $0x8F2B, s0  }
0xbe: {  	[sflag:s0] =	ssyncadd.remote.s32 $0x1  }
0xbf: {  	_ =	sfence.sel $0xFFFF  }
0xc0: {  	[dreg:$0x0] =	wrdreg $0xFFFFFFFF;
	(pc) =	sbr.abs _section_cstart, $3  }
0xc1: {  	[dreg:$0x1] =	wrdreg $0xFFFFFFFF  }
0xc2: {  	_ =	task.clear_ibuf [dreg:s7], $0x2FFFF;
	_ =	strace $0x9FFFFFFF  }
0xc3: {  	(tm) =	ssettm $0x7FFFFFFF  }
tec
execute0_lowered:
.L_overlay_start_1:
0x0: {  	(tag) =	ssettag $0x1  }
0x1: {  	s5 =	rddreg [dreg:$0x0]  }
0x2: {  	s1 =	srdreg.scid;
	s6 =	rddreg [dreg:$0x1]  }
0x3: {  	s0 =	stileid.u32;
	s2 =	rddreg [dreg:$0x2];
	s3 =	simm.s32 $0x0  }
0x4: {  	s14 =	simm.s32 $0x400;
	s15 =	simm.s32 $0x80;
	s16 =	simm.s32 $0x100  }
0x5: {  	s17 =	simm.s32 $0x180;
	s18 =	simm.s32 $0x200;
	s19 =	simm.s32 $0x280  }
0x6: {  	s20 =	simm.s32 $0x300;
	s21 =	simm.s32 $0x380;
	s4 =	smul.u32 $0x5000, s0  }
0x7: {  	s7 =	sand.u32 $0x1, s1;
	s1 =	rddreg [dreg:$0x3];
	s29 =	smul.u32 $0x3E80, s0  }
0x8: {  	s25 =	simm.s32 $0x0;
	[smem:$0x7FF] =	sst s3;
	s12 =	smul.u32 $0xFA00, s0  }
0x9: {  	p1 =	slt.u32 s0, $0x5;
	s8 =	smul.u32 $0x2800, s7;
	_ =	strace $0x80000047  }
0xa: {  	s30 =	ssub.s32 $0x2, s7;
	p0 =	seq.s32 s7, $0x0;
	p2 =	seq.s32 s7, $0x1  }
0xb: {  	s10 =	sshrl.u32 s29, $0x3;
	s13 =	sshrl.u32 s30, $0x1;
	s31 =	sshrl.u32 s12, $0x2  }
0xc: {  	p0 =	por !p0, !p1;
	p1 =	por !p1, !p2;
	p2 =	sgt.u32 s0, $0x4  }
0xd: {  	s4 =	sadd.s32 s8, s4;
	s11 =	sadd.s32 s10, s5;
	s13 =	ssub.s32 s30, s13  }
0xe: {  	s12 =	sadd.s32 s31, s2;
	p0 =	por !p0, !p0;
	p1 =	por !p1, !p1  }
0xf: {  	s4 =	sshrl.u32 s4, $0x3;
	s7 =	sadd.s32 $0xC000, s11;
	s8 =	smax.u32 s13, $0x1  }
0x10: {  	s11 =	sshrl.u32 @!p2 s12, $0x3;
	s12 =	simm.s32 $0x1;
	s13 =	simm.s32 $0x7D  }
0x11: {  	s22 =	sshll.u32 @p0 s0, $0x6;
	s24 =	sshll.u32 @p1 s0, $0x6;
	s9 =	sadd.s32 s4, s5  }
0x12: {  	s4 =	sadd.s32 $0xB800, s5;
	s5 =	sadd.s32 s6, s10;
	s6 =	sadd.s32 s29, s2  }
0x13: {  	s10 =	sshll.u32 @!p2 s0, $0x6;
	s22 =	sor.u32 @p0 $0x1C01, s22;
	s24 =	sor.u32 @p1 $0x1C01, s24  }
0x14: {  	v0 =	vimm.f32 $1.000000000e+00;
	s9 =	sadd.s32 $0x1800, s9;
	s10 =	sor.u32 @!p2 $0x1C01, s10;
	s23 =	sshrl.u32 @p0 s6, $0x3  }
.LBB2_1:
0x15: {  	[spmem:s11], [sflag:s10] =	dma.local @!p2 [hbm:s4], $0x7D0  }
0x16: {  	s26 =	simm.s32 @!p2 $0x1  }
0x17: {  	_ =	swait.ge @!p2 [sflag:s26], $0x7D0  }
0x18: {  	[sflag:s26] =	ssyncset.done @!p2 $0x0  }
0x19: {  	[sflag:s26] =	ssyncadd.s32 @!p2 $0xFFFFF830  }
0x1a: {  	[tilespmem:$0x400] =	vst v0  }
0x1b: {  	[tilespmem:$0x410] =	vst v0  }
0x1c: {  	[tilespmem:$0x420] =	vst v0  }
0x1d: {  	[tilespmem:$0x430] =	vst v0  }
0x1e: {  	[tilespmem:$0x440] =	vst v0  }
0x1f: {  	[tilespmem:$0x450] =	vst v0  }
0x20: {  	[tilespmem:$0x460] =	vst v0  }
0x21: {  	[tilespmem:$0x470] =	vst v0  }
0x22: {  	s31 =	sadd.s32 $0x0, s9;
	[bflag:$0x0] =	sbarrier.arrive $0xFFFF  }
0x23: {  	[tilespmem:s3], [sflag:$0x1] =	stream.linear.gather [hbm4b:s31+s3], $0x400, $0x38;
	[tilespmem:$0x1808] =	vst v63  }
0x24: {  	_ =	swait.ge [sflag:s12], $0x400  }
0x25: {  	[sflag:s12] =	ssyncset.done $0x0  }
0x26: {  	[sflag:s12] =	ssyncadd.s32 $0xFFFFFC00  }
0x27: {  	[spmem:s2] =	stream.indirect.scatter.add.f32 [tilespmem:s14], [sflag:$0x1], $0x1, s3, s13, $0xb8;
	[tilespmem:$0x1808] =	vst v63  }
0x28: {  	_ =	swait.ge [sflag:s12], $0x7D  }
0x29: {  	[sflag:s12] =	ssyncset.done $0x0  }
0x2a: {  	[sflag:s12] =	ssyncadd.s32 $0xFFFFFF83  }
0x2b: {  	[spmem:s2] =	stream.indirect.scatter.add.f32 [tilespmem:s14], [sflag:$0x1], $0x1, s15, s13, $0xb8;
	[tilespmem:$0x1808] =	vst v63  }
0x2c: {  	_ =	swait.ge [sflag:s12], $0x7D  }
0x2d: {  	[sflag:s12] =	ssyncset.done $0x0  }
0x2e: {  	[sflag:s12] =	ssyncadd.s32 $0xFFFFFF83  }
0x2f: {  	[spmem:s2] =	stream.indirect.scatter.add.f32 [tilespmem:s14], [sflag:$0x1], $0x1, s16, s13, $0xb8;
	[tilespmem:$0x1808] =	vst v63  }
0x30: {  	_ =	swait.ge [sflag:s12], $0x7D  }
0x31: {  	[sflag:s12] =	ssyncset.done $0x0  }
0x32: {  	[sflag:s12] =	ssyncadd.s32 $0xFFFFFF83  }
0x33: {  	[spmem:s2] =	stream.indirect.scatter.add.f32 [tilespmem:s14], [sflag:$0x1], $0x1, s17, s13, $0xb8;
	[tilespmem:$0x1808] =	vst v63  }
0x34: {  	_ =	swait.ge [sflag:s12], $0x7D  }
0x35: {  	[sflag:s12] =	ssyncset.done $0x0  }
0x36: {  	[sflag:s12] =	ssyncadd.s32 $0xFFFFFF83  }
0x37: {  	[spmem:s2] =	stream.indirect.scatter.add.f32 [tilespmem:s14], [sflag:$0x1], $0x1, s18, s13, $0xb8;
	[tilespmem:$0x1808] =	vst v63  }
0x38: {  	_ =	swait.ge [sflag:s12], $0x7D  }
0x39: {  	[sflag:s12] =	ssyncset.done $0x0  }
0x3a: {  	[sflag:s12] =	ssyncadd.s32 $0xFFFFFF83  }
0x3b: {  	[spmem:s2] =	stream.indirect.scatter.add.f32 [tilespmem:s14], [sflag:$0x1], $0x1, s19, s13, $0xb8;
	[tilespmem:$0x1808] =	vst v63  }
0x3c: {  	_ =	swait.ge [sflag:s12], $0x7D  }
0x3d: {  	[sflag:s12] =	ssyncset.done $0x0  }
0x3e: {  	[sflag:s12] =	ssyncadd.s32 $0xFFFFFF83  }
0x3f: {  	[spmem:s2] =	stream.indirect.scatter.add.f32 [tilespmem:s14], [sflag:$0x1], $0x1, s20, s13, $0xb8;
	[tilespmem:$0x1808] =	vst v63  }
0x40: {  	_ =	swait.ge [sflag:s12], $0x7D  }
0x41: {  	[sflag:s12] =	ssyncset.done $0x0  }
0x42: {  	[sflag:s12] =	ssyncadd.s32 $0xFFFFFF83  }
0x43: {  	[spmem:s2] =	stream.indirect.scatter.add.f32 [tilespmem:s14], [sflag:$0x1], $0x1, s21, s13, $0xb8;
	[tilespmem:$0x1808] =	vst v63  }
0x44: {  	_ =	swait.ge [sflag:s12], $0x7D  }
0x45: {  	s29 =	simm.s32 $0x100;
	s26 =	simm.s32 $0x80;
	[sflag:s12] =	ssyncset.done $0x0  }
.LBB2_2:
0x46: {  	s30 =	sadd.s32 s26, s9  }
0x47: {  	[sflag:s12] =	ssyncadd.s32 $0xFFFFFF83;
	s26 =	smov.u32 s29;
	s28 =	sadd.s32 $0x80, s29  }
0x48: {  	[tilespmem:s3], [sflag:$0x1] =	stream.linear.gather [hbm4b:s30+s3], $0x400, $0x38;
	[tilespmem:$0x1808] =	vst v63  }
0x49: {  	p3 =	sne.s32 s29, $0x480;
	_ =	swait.ge [sflag:s12], $0x400  }
0x4a: {  	[sflag:s12] =	ssyncset.done $0x0  }
0x4b: {  	[sflag:s12] =	ssyncadd.s32 $0xFFFFFC00  }
0x4c: {  	[spmem:s2] =	stream.indirect.scatter.add.f32 [tilespmem:s14], [sflag:$0x1], $0x1, s3, s13, $0xb8;
	[tilespmem:$0x1808] =	vst v63  }
0x4d: {  	_ =	swait.ge [sflag:s12], $0x7D  }
0x4e: {  	[sflag:s12] =	ssyncset.done $0x0  }
0x4f: {  	[sflag:s12] =	ssyncadd.s32 $0xFFFFFF83  }
0x50: {  	[spmem:s2] =	stream.indirect.scatter.add.f32 [tilespmem:s14], [sflag:$0x1], $0x1, s15, s13, $0xb8;
	[tilespmem:$0x1808] =	vst v63  }
0x51: {  	_ =	swait.ge [sflag:s12], $0x7D  }
0x52: {  	[sflag:s12] =	ssyncset.done $0x0  }
0x53: {  	[sflag:s12] =	ssyncadd.s32 $0xFFFFFF83  }
0x54: {  	[spmem:s2] =	stream.indirect.scatter.add.f32 [tilespmem:s14], [sflag:$0x1], $0x1, s16, s13, $0xb8;
	[tilespmem:$0x1808] =	vst v63  }
0x55: {  	_ =	swait.ge [sflag:s12], $0x7D  }
0x56: {  	[sflag:s12] =	ssyncset.done $0x0  }
0x57: {  	[sflag:s12] =	ssyncadd.s32 $0xFFFFFF83  }
0x58: {  	[spmem:s2] =	stream.indirect.scatter.add.f32 [tilespmem:s14], [sflag:$0x1], $0x1, s17, s13, $0xb8;
	[tilespmem:$0x1808] =	vst v63  }
0x59: {  	_ =	swait.ge [sflag:s12], $0x7D  }
0x5a: {  	[sflag:s12] =	ssyncset.done $0x0  }
0x5b: {  	[sflag:s12] =	ssyncadd.s32 $0xFFFFFF83  }
0x5c: {  	[spmem:s2] =	stream.indirect.scatter.add.f32 [tilespmem:s14], [sflag:$0x1], $0x1, s18, s13, $0xb8;
	[tilespmem:$0x1808] =	vst v63  }
0x5d: {  	_ =	swait.ge [sflag:s12], $0x7D  }
0x5e: {  	[sflag:s12] =	ssyncset.done $0x0  }
0x5f: {  	[sflag:s12] =	ssyncadd.s32 $0xFFFFFF83  }
0x60: {  	[spmem:s2] =	stream.indirect.scatter.add.f32 [tilespmem:s14], [sflag:$0x1], $0x1, s19, s13, $0xb8;
	[tilespmem:$0x1808] =	vst v63  }
0x61: {  	_ =	swait.ge [sflag:s12], $0x7D  }
0x62: {  	[sflag:s12] =	ssyncset.done $0x0  }
0x63: {  	[sflag:s12] =	ssyncadd.s32 $0xFFFFFF83  }
0x64: {  	[spmem:s2] =	stream.indirect.scatter.add.f32 [tilespmem:s14], [sflag:$0x1], $0x1, s20, s13, $0xb8;
	[tilespmem:$0x1808] =	vst v63  }
0x65: {  	_ =	swait.ge [sflag:s12], $0x7D  }
.Ltmp0:
0x66: {  	[sflag:s12] =	ssyncset.done $0x0;
	(pc) =	sbr.rel @p3 .LBB2_2-.Ltmp0, $4  }
0x67: {  	[sflag:s12] =	ssyncadd.s32 $0xFFFFFF83  }
0x68: {  	[spmem:s2] =	stream.indirect.scatter.add.f32 [tilespmem:s14], [sflag:$0x1], $0x1, s21, s13, $0xb8;
	[tilespmem:$0x1808] =	vst v63  }
0x69: {  	_ =	swait.ge [sflag:s12], $0x7D  }
0x6a: {  	s29 =	smov.u32 s28;
	[sflag:s12] =	ssyncset.done $0x0  }
0x6b: {  	s26 =	sadd.s32 s26, s9;
	[sflag:s12] =	ssyncadd.s32 $0xFFFFFF83  }
0x6c: {  	[tilespmem:s3], [sflag:$0x1] =	stream.linear.gather [hbm4b:s26+s3], $0x400, $0x38;
	[tilespmem:$0x1808] =	vst v63  }
0x6d: {  	_ =	swait.ge [sflag:s12], $0x400  }
0x6e: {  	[sflag:s12] =	ssyncset.done $0x0  }
0x6f: {  	[sflag:s12] =	ssyncadd.s32 $0xFFFFFC00  }
0x70: {  	[spmem:s2] =	stream.indirect.scatter.add.f32 [tilespmem:s14], [sflag:$0x1], $0x1, s3, s13, $0xb8;
	[tilespmem:$0x1808] =	vst v63  }
0x71: {  	_ =	swait.ge [sflag:s12], $0x7D  }
0x72: {  	[sflag:s12] =	ssyncset.done $0x0  }
0x73: {  	[sflag:s12] =	ssyncadd.s32 $0xFFFFFF83  }
0x74: {  	[spmem:s2] =	stream.indirect.scatter.add.f32 [tilespmem:s14], [sflag:$0x1], $0x1, s15, s13, $0xb8;
	[tilespmem:$0x1808] =	vst v63  }
0x75: {  	_ =	swait.ge [sflag:s12], $0x7D  }
0x76: {  	[sflag:s12] =	ssyncset.done $0x0  }
0x77: {  	[sflag:s12] =	ssyncadd.s32 $0xFFFFFF83  }
0x78: {  	[spmem:s2] =	stream.indirect.scatter.add.f32 [tilespmem:s14], [sflag:$0x1], $0x1, s16, s13, $0xb8;
	[tilespmem:$0x1808] =	vst v63  }
0x79: {  	_ =	swait.ge [sflag:s12], $0x7D  }
0x7a: {  	[sflag:s12] =	ssyncset.done $0x0  }
0x7b: {  	[sflag:s12] =	ssyncadd.s32 $0xFFFFFF83  }
0x7c: {  	[spmem:s2] =	stream.indirect.scatter.add.f32 [tilespmem:s14], [sflag:$0x1], $0x1, s17, s13, $0xb8;
	[tilespmem:$0x1808] =	vst v63  }
0x7d: {  	_ =	swait.ge [sflag:s12], $0x7D  }
0x7e: {  	[sflag:s12] =	ssyncset.done $0x0  }
0x7f: {  	[sflag:s12] =	ssyncadd.s32 $0xFFFFFF83  }
0x80: {  	[spmem:s2] =	stream.indirect.scatter.add.f32 [tilespmem:s14], [sflag:$0x1], $0x1, s18, s13, $0xb8;
	[tilespmem:$0x1808] =	vst v63  }
0x81: {  	_ =	swait.ge [sflag:s12], $0x7D  }
0x82: {  	[sflag:s12] =	ssyncset.done $0x0  }
0x83: {  	[sflag:s12] =	ssyncadd.s32 $0xFFFFFF83  }
0x84: {  	[spmem:s2] =	stream.indirect.scatter.add.f32 [tilespmem:s14], [sflag:$0x1], $0x1, s19, s13, $0xb8;
	[tilespmem:$0x1808] =	vst v63  }
0x85: {  	_ =	swait.ge [sflag:s12], $0x7D  }
0x86: {  	[sflag:s12] =	ssyncset.done $0x0  }
0x87: {  	[sflag:s12] =	ssyncadd.s32 $0xFFFFFF83  }
0x88: {  	[spmem:s2] =	stream.indirect.scatter.add.f32 [tilespmem:s14], [sflag:$0x1], $0x1, s20, s13, $0xb8;
	[tilespmem:$0x1808] =	vst v63  }
0x89: {  	_ =	swait.ge [sflag:s12], $0x7D  }
0x8a: {  	[sflag:s12] =	ssyncset.done $0x0  }
0x8b: {  	[sflag:s12] =	ssyncadd.s32 $0xFFFFFF83  }
0x8c: {  	[spmem:s2] =	stream.indirect.scatter.add.f32 [tilespmem:s14], [sflag:$0x1], $0x1, s21, s13, $0xb8;
	[tilespmem:$0x1808] =	vst v63  }
0x8d: {  	_ =	swait.ge [sflag:s12], $0x7D  }
0x8e: {  	[sflag:s12] =	ssyncset.done $0x0  }
0x8f: {  	[sflag:s12] =	ssyncadd.s32 $0xFFFFFF83  }
0x90: {  	s26 =	simm.s32 @p0 $0x1;
	[bflag:$0x0] =	sbarrier.arrive $0xFFFF  }
0x91: {  	[hbm:s5], [sflag:s22] =	dma.local @p0 [spmem:s23], $0x7D0  }
0x92: {  	_ =	swait.ge @p0 [sflag:s26], $0x7D0  }
0x93: {  	s25 =	sadd.s32 $0x1, s25;
	[sflag:s26] =	ssyncset.done @p0 $0x0  }
0x94: {  	p3 =	sne.s32 s25, s8;
	[sflag:s26] =	ssyncadd.s32 @p0 $0xFFFFF830;
	s26 =	sshrl.u32 @p1 s6, $0x3  }
0x95: {  	[hbm:s7], [sflag:s24] =	dma.local @p1 [spmem:s26], $0x7D0  }
.Ltmp1:
0x96: {  	_ = 	snop;
	(pc) =	sbr.rel @p3 .LBB2_1-.Ltmp1, $4  }
0x97: {  	s26 =	simm.s32 @p1 $0x1  }
0x98: {  	_ =	swait.ge @p1 [sflag:s26], $0x7D0  }
0x99: {  	[sflag:s26] =	ssyncset.done @p1 $0x0  }
0x9a: {  	[sflag:s26] =	ssyncadd.s32 @p1 $0xFFFFF830  }
0x9b: {  	_ =	sfence.sel $0x180000  }
0x9c: {  	[bflag:$0x0] =	sbarrier.arrive $0xFFFF  }
0x9d: {  	p0 =	sne.s32 s0, $0x0;
	_ =	strace $0x90000047  }
0x9e: {  	s0 =	sadd.s32 @!p0 $0x100000, s1;
	[bflag:$0x2] =	sbarrier.arrive $0xFFFF  }
0x9f: {  	[sflag:s0] =	ssyncadd.tile.s32 @!p0 $0x1;
	_ =	shalt  }
.Lfunc_end2:
_tile_overlayer_lowered:
.L_overlay_start_2:
0xa0: {  	(tag) =	ssettag $0x2  }
0xa1: {  	s0 =	rddreg [dreg:$0x0];
	s2 =	stileid.u32  }
0xa2: {  	s1 =	rddreg [dreg:$0x1];
	p0 =	sne.s32 s2, $0x0  }
0xa3: {  	s3 =	rddreg [dreg:$0x2];
	[bflag:$0x3] =	sbarrier.arrive $0xFFFF;
	s2 =	simm.s32 @!p0 $0x1C01  }
0xa4: {  	[timem:s3], [sflag:s2] =	dma.local @!p0 [hbm:s0], s1  }
0xa5: {  	s0 =	simm.s32 @!p0 $0x1  }
0xa6: {  	_ =	swait.ge @!p0 [sflag:s0], s1  }
0xa7: {  	s1 =	ssub.s32 @!p0 $0x0, s1;
	[sflag:s0] =	ssyncset.done @!p0 $0x0  }
0xa8: {  	[sflag:s0] =	ssyncadd.s32 @!p0 s1  }
0xa9: {  	[bflag:$0x3] =	sbarrier.arrive $0xFFFF  }
0xaa: {  	_ =	shalt  }

// kernel: kernel.9.cloned.1.call-start
scs
__scs_entry_jumppad:
0x0: {  	(pc) =	sbr.rel $0x88, $3  }
0x1: {  	(tag) =	ssettag $0x0;
	lr =	simm.s32 $0x1  }
0x2: {  	[smem:$0x3F99] =	sst lr;
	_ =	strace $0xD0000000  }
0x3: {  	_ = 	snop  }
0x4: {  	_ = 	snop  }
0x5: {  	_ = 	snop  }
0x6: {  	_ = 	snop  }
0x7: {  	_ = 	snop  }
__scs_overlays_trampoline_lowered:
0x8: {  	[smem:$0x3FA8] =	sst s0  }
0x9: {  	[smem:$0x3FA9] =	sst s1  }
0xa: {  	[smem:$0x3FAA] =	sst s2  }
0xb: {  	[smem:$0x3FAB] =	sst s3  }
0xc: {  	[smem:$0x3FAC] =	sst s4  }
0xd: {  	[smem:$0x3FAD] =	sst s5  }
0xe: {  	[smem:$0x3FAE] =	sst s6  }
0xf: {  	[smem:$0x3FAF] =	sst s7  }
0x10: {  	[smem:$0x3FB0] =	sst s8  }
0x11: {  	[smem:$0x3FB1] =	sst s9;
	s0 =	simm.s32 @!p0 $0x0  }
0x12: {  	s1 =	sld [smem:$0x3F97];
	s0 =	simm.s32 @p0 $0x1  }
0x13: {  	[smem:$0x3FB2] =	sst s0;
	s0 =	simm.s32 @!p1 $0x0  }
0x14: {  	s2 =	sld [smem:$0x3F96];
	s0 =	simm.s32 @p1 $0x1  }
0x15: {  	[smem:$0x3FB3] =	sst s0;
	s0 =	simm.s32 @!p2 $0x0  }
0x16: {  	s3 =	sld [smem:$0x3FDB];
	s0 =	simm.s32 @p2 $0x1  }
0x17: {  	s4 =	simm.s32 $0x1BF5;
	[smem:$0x3FB5] =	sst s0  }
0x18: {  	s0 =	sld [smem:$0x3F98];
	_ =	swait.ge [sflag:s4], $0x0  }
0x19: {  	s7 =	sld [smem:$0x3F99]  }
0x1a: {  	s8 =	sadd.s32 $0xFFFFE003, lr  }
0x1b: {  	s9 =	sadd.s32 $0xFFFFFEF7, lr;
	s5 =	simm.s32 $0xFFFFFFFF;
	p2 =	slt.u32 s8, $0xFFFFF086  }
0x1c: {  	p1 =	slt.u32 s9, $0xF7A;
	s5 =	simm.s32 @!p2 $0x0  }
0x1d: {  	s5 =	simm.s32 @p1 $0x1;
	p0 =	seq.s32 s7, s2  }
0x1e: {  	s7 =	smul.u32 @!p0 $0xF7A, s2;
	p2 =	seq.s32 @!p0 s5, $0x0  }
0x1f: {  	s9 =	smul.u32 $0xF7A, s1;
	s8 =	simm.s32 @!p0 $0x1BF5;
	p2 =	por !p2, p0  }
0x20: {  	[sflag:s8] =	ssyncset.s32 @!p0 $0xFFFFF086;
	s6 =	sadd.s32 @!p0 s3, s7;
	s7 =	simm.s32 @!p0 $0x108  }
0x21: {  	s3 =	sadd.s32 s3, s9;
	s6 =	sadd.s32 @!p0 $0x88, s6;
	s7 =	simm.s32 @p2 $0x1082  }
0x22: {  	[simem:s7], [sflag:s8] =	dma.local @!p0 [hbm:s6], $0xF7A  }
0x23: {  	s9 =	sor.u32 $0xD0000000, s2;
	s6 =	simm.s32 $0x108;
	_ =	swait.ge @!p0 [sflag:s8], $0x0  }
0x24: {  	s3 =	sadd.s32 $0x88, s3;
	s6 =	simm.s32 @!p1 $0x1082;
	[sflag:s4] =	ssyncset.s32 $0xFFFFF086  }
0x25: {  	[simem:s6], [sflag:s4] =	dma.local [hbm:s3], $0xF7A  }
0x26: {  	[smem:$0x3F99] =	sst s1;
	(tag) =	ssettag s2;
	_ =	strace s9  }
0x27: {  	s1 =	sld [smem:$0x3FA9]  }
0x28: {  	s2 =	sld [smem:$0x3FAA]  }
0x29: {  	s4 =	sld [smem:$0x3FAC]  }
0x2a: {  	p0 =	seq.s32 s5, $0x0;
	s5 =	sld [smem:$0x3FAD]  }
0x2b: {  	s6 =	sld [smem:$0x3FAE]  }
0x2c: {  	s7 =	sld [smem:$0x3FAF]  }
0x2d: {  	s3 =	simm.s32 $0x108;
	s8 =	sld [smem:$0x3FB0]  }
0x2e: {  	s3 =	simm.s32 @!p0 $0x1082;
	s9 =	sld [smem:$0x3FB1]  }
0x2f: {  	lr =	sadd.s32 s0, s3;
	s0 =	sld [smem:$0x3FA8]  }
0x30: {  	s3 =	sld [smem:$0x3FAB]  }
0x31: {  	[smem:$0x3FB4] =	sst s10  }
0x32: {  	s10 =	sld [smem:$0x3FB2];
	_ =	sdelay $0x3  }
0x33: {  	p0 =	seq.s32 s10, $0x1;
	s10 =	sld [smem:$0x3FB4];
	_ =	sdelay $0x3  }
0x34: {  	[smem:$0x3FB4] =	sst s10  }
0x35: {  	s10 =	sld [smem:$0x3FB3];
	_ =	sdelay $0x3  }
0x36: {  	p1 =	seq.s32 s10, $0x1;
	s10 =	sld [smem:$0x3FB4];
	_ =	sdelay $0x3  }
0x37: {  	[smem:$0x3FB4] =	sst s10  }
0x38: {  	s10 =	sld [smem:$0x3FB5]  }
0x39: {  	_ = 	snop;
	(pc) =	sbr.ind lr, $3  }
0x3a: {  	_ = 	snop  }
0x3b: {  	_ = 	snop  }
0x3c: {  	p2 =	seq.s32 s10, $0x1;
	s10 =	sld [smem:$0x3FB4]  }
0x3d: {  	_ =	shalt  }
0x3e: {  	_ =	shalt  }
0x3f: {  	_ =	shalt  }
0x40: {  	_ =	shalt  }
0x41: {  	_ =	shalt  }
0x42: {  	_ =	shalt  }
0x43: {  	_ =	shalt  }
0x44: {  	_ =	shalt  }
0x45: {  	_ =	shalt  }
0x46: {  	_ =	shalt  }
0x47: {  	_ =	shalt  }
0x48: {  	_ =	shalt  }
0x49: {  	_ =	shalt  }
0x4a: {  	_ =	shalt  }
0x4b: {  	_ =	shalt  }
0x4c: {  	_ =	shalt  }
0x4d: {  	_ =	shalt  }
0x4e: {  	_ =	shalt  }
0x4f: {  	_ =	shalt  }
0x50: {  	_ =	shalt  }
0x51: {  	_ =	shalt  }
0x52: {  	_ =	shalt  }
0x53: {  	_ =	shalt  }
0x54: {  	_ =	shalt  }
0x55: {  	_ =	shalt  }
0x56: {  	_ =	shalt  }
0x57: {  	_ =	shalt  }
0x58: {  	_ =	shalt  }
0x59: {  	_ =	shalt  }
0x5a: {  	_ =	shalt  }
0x5b: {  	_ =	shalt  }
0x5c: {  	_ =	shalt  }
0x5d: {  	_ =	shalt  }
0x5e: {  	_ =	shalt  }
0x5f: {  	_ =	shalt  }
0x60: {  	_ =	shalt  }
0x61: {  	_ =	shalt  }
0x62: {  	_ =	shalt  }
0x63: {  	_ =	shalt  }
0x64: {  	_ =	shalt  }
0x65: {  	_ =	shalt  }
0x66: {  	_ =	shalt  }
0x67: {  	_ =	shalt  }
0x68: {  	_ =	shalt  }
0x69: {  	_ =	shalt  }
0x6a: {  	_ =	shalt  }
0x6b: {  	_ =	shalt  }
0x6c: {  	_ =	shalt  }
0x6d: {  	_ =	shalt  }
0x6e: {  	_ =	shalt  }
0x6f: {  	_ =	shalt  }
0x70: {  	_ =	shalt  }
0x71: {  	_ =	shalt  }
0x72: {  	_ =	shalt  }
0x73: {  	_ =	shalt  }
0x74: {  	_ =	shalt  }
0x75: {  	_ =	shalt  }
0x76: {  	_ =	shalt  }
0x77: {  	_ =	shalt  }
0x78: {  	_ =	shalt  }
0x79: {  	_ =	shalt  }
0x7a: {  	_ =	shalt  }
0x7b: {  	_ =	shalt  }
0x7c: {  	_ =	shalt  }
0x7d: {  	_ =	shalt  }
0x7e: {  	_ =	shalt  }
0x7f: {  	_ =	shalt  }
0x80: {  	_ =	shalt  }
0x81: {  	_ =	shalt  }
0x82: {  	_ =	shalt  }
0x83: {  	_ =	shalt  }
0x84: {  	_ =	shalt  }
0x85: {  	_ =	shalt  }
0x86: {  	_ =	shalt  }
0x87: {  	_ =	shalt  }
.Lfunc_end0:
.L_simem_size_0:
called_computation.1_lowered:
.L_overlay_start_0:
0x88: {  	s2 =	sld [smem:$0x3FD9]  }
0x89: {  	s3 =	sld [smem:$0x3FFE];
	_ =	sdelay $0x1  }
0x8a: {  	s1 =	srdreg.scid  }
0x8b: {  	s0 =	sand.u32 $0x1, s1  }
0x8c: {  	s17 =	sshll.u32 s0, $0xA;
	s2 =	sadd.s32 s3, s2  }
0x8d: {  	s2 =	sadd.s32 s2, s17  }
0x8e: {  	[smem:$0x3FC0] =	sst s2  }
0x8f: {  	_ = 	snop  }
0x90: {  	s2 =	sld [smem:$0x3FD0];
	(tm) =	ssettm $0x1  }
0x91: {  	s18 =	sld [smem:$0x3FFB];
	_ =	sdelay $0x3  }
0x92: {  	_ =	strace s18  }
0x93: {  	s3 =	sld [smem:$0x3FFC];
	_ =	sdelay $0x3  }
0x94: {  	_ =	strace s3  }
0x95: {  	s3 =	sld [smem:$0x3FFD];
	_ =	sdelay $0x3  }
0x96: {  	_ =	strace s3  }
0x97: {  	_ =	strace $0x8FFFFFFF  }
0x98: {  	s19 =	sld [smem:$0x3FDB];
	_ =	sdelay $0x1  }
0x99: {  	s4 =	simm.s32 $_scs_section_size  }
0x9a: {  	s5 =	simm.s32 $_size__tile_overlayer_lowered;
	s6 =	simm.s32 $_tile_overlayer_lowered  }
0x9b: {  	s22 =	simm.s32 $0x1BFF;
	s21 =	sshll.u32 s6, $0x1;
	s3 =	sadd.s32 s4, s19  }
0x9c: {  	s7 =	simm.s32 $0x0;
	s20 =	sshll.u32 s5, $0x1;
	s5 =	sadd.s32 s21, s3  }
0x9d: {  	[timem:s7], [sflag:s22] =	dma.local [hbm:s5], s20  }
0x9e: {  	_ =	swait.ge [sflag:s22], s20  }
0x9f: {  	s4 =	ssub.s32 $0x0, s20;
	[sflag:s22] =	ssyncset.done $0x0  }
0xa0: {  	[sflag:s22] =	ssyncadd.s32 s4;
	_ =	sdelay $0x1  }
0xa1: {  	s23 =	simm.s32 $0x1B8B  }
0xa2: {  	_ =	swait.ge [sflag:s23], $0x1  }
0xa3: {  	[sflag:s23] =	ssyncset.done $0x0  }
0xa4: {  	s25 =	simm.s32 $0x1B8E;
	s24 =	sld [smem:$0x3FFE];
	[sflag:s23] =	ssyncadd.s32 $0xFFFFFFFF  }
0xa5: {  	s26 =	simm.s32 $execute0_lowered;
	[smem:$0x3FD2] =	sst s25  }
0xa6: {  	s5 =	sshll.u32 s26, $0x1;
	_ =	strace $0x80000049;
	[dreg:$0x1] =	wrdreg $0xFFFFFFFF  }
0xa7: {  	s28 =	simm.s32 $_size_execute0_lowered;
	s3 =	sadd.s32 s3, s5;
	[dreg:$0x0] =	wrdreg $0x0  }
0xa8: {  	s5 =	sshll.u32 s28, $0x1;
	[dreg:$0x2] =	wrdreg s3  }
0xa9: {  	[dreg:$0x3] =	wrdreg s5  }
0xaa: {  	[dreg:$0x4] =	wrdreg $0xC0  }
0xab: {  	_ =	task [dreg:s7], $0x5FFFF  }
0xac: {  	[dreg:$0x1] =	wrdreg $0xFFFFFFFF  }
0xad: {  	[dreg:$0x0] =	wrdreg $0x60  }
0xae: {  	[dreg:$0x2] =	wrdreg s24  }
0xaf: {  	[dreg:$0x3] =	wrdreg s2  }
0xb0: {  	[dreg:$0x4] =	wrdreg $0x8D000  }
0xb1: {  	[dreg:$0x5] =	wrdreg $0x9  }
0xb2: {  	_ =	task.clear_ibuf [dreg:s7], $0x6FFFF;
	_ =	strace $0x90000049  }
0xb3: {  	s29 =	simm.s32 $0x9;
	_ =	strace $0x8000004B  }
0xb4: {  	_ =	swait.ge [sflag:s29], $0x1  }
0xb5: {  	[sflag:s29] =	ssyncadd.s32 $0xFFFFFFFF  }
0xb6: {  	_ =	strace $0x9000004B  }
0xb7: {  	_ =	sfence  }
0xb8: {  	s30 =	sld [smem:$0x0];
	_ =	sdelay $0x2  }
0xb9: {  	s31 =	sshll.u32 s1, $0xD;
	s1 =	sshrl.u32 s1, $0x2  }
0xba: {  	s3 =	sand.u32 $0x4000, s31;
	s1 =	sadd.s32 s1, s30  }
0xbb: {  	s0 =	sor.u32 s3, s0;
	s1 =	sshll.u32 s1, $0x11  }
0xbc: {  	s0 =	sor.u32 s1, s0  }
0xbd: {  	s0 =	sadd.s32 $0x8F2B, s0  }
0xbe: {  	[sflag:s0] =	ssyncadd.remote.s32 $0x1  }
0xbf: {  	_ =	sfence.sel $0xFFFF  }
0xc0: {  	[dreg:$0x0] =	wrdreg $0xFFFFFFFF;
	(pc) =	sbr.abs _section_cstart, $3  }
0xc1: {  	[dreg:$0x1] =	wrdreg $0xFFFFFFFF  }
0xc2: {  	_ =	task.clear_ibuf [dreg:s7], $0x2FFFF;
	_ =	strace $0x9FFFFFFF  }
0xc3: {  	(tm) =	ssettm $0x7FFFFFFF  }
tec
execute0_lowered:
.L_overlay_start_1:
0x0: {  	(tag) =	ssettag $0x1  }
0x1: {  	s0 =	rddreg [dreg:$0x0]  }
0x2: {  	s2 =	rddreg [dreg:$0x1]  }
0x3: {  	s1 =	rddreg [dreg:$0x2]  }
0x4: {  	s15 =	simm.s32 $0x0;
	s14 =	stileid.u32;
	s3 =	srdreg.scid  }
0x5: {  	s17 =	simm.s32 $0x7;
	s18 =	simm.s32 $0x400;
	s19 =	simm.s32 $0x800  }
0x6: {  	s20 =	simm.s32 $0x7D;
	s21 =	simm.s32 $0xC00;
	s22 =	simm.s32 $0x8C00  }
0x7: {  	s24 =	simm.s32 $0x4C00;
	s28 =	simm.s32 $0x3;
	s29 =	simm.s32 $0x1  }
0x8: {  	s30 =	simm.s32 $0x5;
	s16 =	simm.s32 $0xA80;
	s23 =	simm.s32 $0xB80  }
0x9: {  	[smem:$0x7FF] =	sst s15;
	s4 =	sadd.s32 $0x22800, s0;
	s5 =	sadd.s32 $0xB800, s0  }
0xa: {  	s6 =	sadd.s32 $0xE800, s0;
	s7 =	sadd.s32 $0x1800, s0;
	s8 =	sadd.s32 $0x18800, s0  }
0xb: {  	s9 =	smul.u32 $0x3E80, s14;
	s3 =	sand.u32 $0x1, s3;
	s10 =	sadd.s32 $0x15B000, s0  }
0xc: {  	s11 =	smul.u32 $0x7D000, s14;
	s13 =	sshll.u32 s14, $0x1;
	p1 =	slt.u32 s14, $0xA  }
0xd: {  	_ =	strace $0x8000004A;
	[dreg:$0x5] =	wrdreg s10;
	s25 =	ssub.s32 $0x2, s3  }
0xe: {  	s26 =	sor.u32 s3, s13;
	p0 =	seq.s32 s3, $0x0;
	p2 =	seq.s32 s3, $0x1  }
0xf: {  	s3 =	simm.s32 $0x380;
	s0 =	sadd.s32 s9, s0;
	s12 =	sshrl.u32 s25, $0x1  }
0x10: {  	s11 =	sshrl.u32 s11, $0x2;
	p0 =	por !p0, !p1;
	p2 =	por !p1, !p2  }
0x11: {  	p1 =	sgt.u32 s14, $0x9;
	s2 =	sadd.s32 s2, s9;
	s9 =	simm.s32 $0x4  }
0x12: {  	s10 =	ssub.s32 s25, s12;
	s13 =	sadd.s32 s11, s1;
	s11 =	smul.u32 $0x2800, s26  }
0x13: {  	p0 =	por !p0, !p0;
	[dreg:$0x7] =	wrdreg s2;
	s0 =	sadd.s32 $0x15F000, s0  }
0x14: {  	p2 =	por !p2, !p2;
	s2 =	sshll.u32 @!p1 s14, $0x6;
	[dreg:$0x8] =	wrdreg s0  }
0x15: {  	s26 =	simm.s32 $0x8C80;
	s31 =	smax.u32 s10, $0x1;
	[dreg:$0x6] =	wrdreg s13  }
0x16: {  	s12 =	simm.s32 $0x2;
	s0 =	sor.u32 @!p1 $0x1C07, s2;
	[dreg:$0x9] =	wrdreg s31  }
0x17: {  	s14 =	simm.s32 $0x6;
	[dreg:$0xa] =	wrdreg s0;
	s0 =	sshrl.u32 @!p1 s13, $0x3  }
0x18: {  	s10 =	simm.s32 $0x780;
	s2 =	simm.s32 $0xB00;
	[dreg:$0xb] =	wrdreg s0  }
.LBB2_1:
0x19: {  	[dreg:$0x4] =	wrdreg s15  }
0x1a: {  	s0 =	rddreg [dreg:$0x5]  }
0x1b: {  	s13 =	rddreg [dreg:$0xa]  }
0x1c: {  	s15 =	rddreg [dreg:$0xb]  }
0x1d: {  	[spmem:s15], [sflag:s13] =	dma.local @!p1 [hbm:s0], $0x3E80  }
0x1e: {  	s0 =	simm.s32 @!p1 $0x7  }
0x1f: {  	_ =	swait.ge @!p1 [sflag:s0], $0x3E80  }
0x20: {  	[sflag:s0] =	ssyncset.done @!p1 $0x0  }
0x21: {  	[sflag:s0] =	ssyncadd.s32 @!p1 $0xFFFFC180  }
0x22: {  	s25 =	simm.s32 $0x0;
	[bflag:$0x0] =	sbarrier.arrive $0xFFFF  }
.LBB2_2:
0x23: {  	s0 =	sshll.u32 s25, $0xA  }
0x24: {  	s0 =	sadd.s32 s11, s0  }
0x25: {  	s0 =	sshrl.u32 s0, $0x3  }
0x26: {  	s31 =	simm.s32 $0x0;
	s13 =	sadd.s32 s6, s0  }
0x27: {  	[tilespmem:s31], [sflag:$0x7] =	stream.linear.gather [hbm4b:s13+s31], $0x400, $0x38;
	[tilespmem:$0x1C580] =	vst v63  }
0x28: {  	_ =	swait.ge [sflag:s17], $0x400  }
0x29: {  	[sflag:s17] =	ssyncset.done $0x0  }
0x2a: {  	s15 =	sadd.s32 s7, s0;
	[sflag:s17] =	ssyncadd.s32 $0xFFFFFC00  }
0x2b: {  	[tilespmem:s18], [sflag:$0x7] =	stream.linear.gather [hbm4b:s15+s31], $0x400, $0x38;
	[tilespmem:$0x1C580] =	vst v63  }
0x2c: {  	_ =	swait.ge [sflag:s17], $0x400  }
0x2d: {  	[sflag:s17] =	ssyncset.done $0x0  }
0x2e: {  	s0 =	sadd.s32 s8, s0;
	[sflag:s17] =	ssyncadd.s32 $0xFFFFFC00  }
0x2f: {  	[tilespmem:s19], [sflag:$0x7] =	stream.linear.gather [hbm4b:s0+s31], $0x400, $0x38;
	[tilespmem:$0x1C580] =	vst v63  }
0x30: {  	_ =	swait.ge [sflag:s17], $0x400  }
0x31: {  	[sflag:s17] =	ssyncset.done $0x0  }
0x32: {  	[sflag:s17] =	ssyncadd.s32 $0xFFFFFC00  }
0x33: {  	[tilespmem:s21], [sflag:$0x1] =	stream.indirect.gather [hbm4b:s4+s20], $0x80, s31, s20, $0xb8;
	[tilespmem:$0x1C580] =	vst v63  }
0x34: {  	_ = 	snop  }
0x35: {  	[tilespmem:s22], [sflag:$0x3] =	stream.indirect.gather [hbm4b:s5+s20], $0x1, s18, s20, $0xb8;
	[tilespmem:$0x1C580] =	vst v63  }
0x36: {  	s13 =	simm.s32 $0x80  }
0x37: {  	[tilespmem:s24], [sflag:$0x2] =	stream.indirect.gather [hbm4b:s4+s20], $0x80, s13, s20, $0xb8;
	[tilespmem:$0x1C580] =	vst v63  }
0x38: {  	s15 =	simm.s32 $0x480  }
0x39: {  	[tilespmem:s26], [sflag:$0x4] =	stream.indirect.gather [hbm4b:s5+s20], $0x1, s15, s20, $0xb8;
	[tilespmem:$0x1C580] =	vst v63  }
0x3a: {  	_ =	swait.ge [sflag:s28], $0x7D  }
0x3b: {  	[sflag:s28] =	ssyncset.done $0x0  }
0x3c: {  	[sflag:s28] =	ssyncadd.s32 $0xFFFFFF83  }
0x3d: {  	_ =	swait.ge [sflag:s29], $0x3E80  }
0x3e: {  	v0 =	vmov s31;
	[sflag:s29] =	ssyncset.done $0x0  }
0x3f: {  	s31 =	simm.s32 $0xC40;
	[sflag:s29] =	ssyncadd.s32 $0xFFFFC180  }
0x40: {  	v4 =	vld [tilespmem:s31+$0x30]  }
0x41: {  	v7 =	vld [tilespmem:s31+$0x10]  }
0x42: {  	v5 =	vld [tilespmem:s31+$0xFFFFFFC0]  }
0x43: {  	v1 =	vld.idx.msk [tilespmem:v0+s22+$0x0], $0xffff  }
0x44: {  	v9 =	vld [tilespmem:s31+$0xFFFFFFE0]  }
0x45: {  	v0 =	vld [tilespmem:s31+$0xFFFFFFF0]  }
0x46: {  	v2 =	vld [tilespmem:s31+$0x20]  }
0x47: {  	v3 =	vld [tilespmem:s31+$0xFFFFFFD0]  }
0x48: {  	v8 =	vmul.f32 v4, v1;
	v4 =	vld [tilespmem:s31+$0x0]  }
0x49: {  	v6 =	vmul.f32 v5, v1  }
0x4a: {  	s0 =	simm.s32 $0x1;
	s13 =	simm.s32 $0xC40;
	v5 =	vmul.f32 v9, v1;
	v7 =	vmul.f32 v7, v1  }
.LBB2_3:
0x4b: {  	p3 =	sne.s32 s0, $0x7C  }
0x4c: {  	v3 =	vmul.f32 v3, v1;
	v2 =	vmul.f32 v2, v1;
	[tilespmem:s31+$0x30] =	vst v8;
	s13 =	sadd.s32 $0x80, s13;
	s15 =	smov.u32 s0;
	s0 =	sadd.s32 $0x1, s0  }
0x4d: {  	[tilespmem:s31+$0xFFFFFFC0] =	vst v6;
	v6 =	vmul.f32 v0, v1;
	v1 =	vmul.f32 v4, v1  }
0x4e: {  	[tilespmem:s31+$0x10] =	vst v7  }
0x4f: {  	v4 =	vmov s15;
	[tilespmem:s31+$0xFFFFFFE0] =	vst v5  }
0x50: {  	v0 =	vld [tilespmem:s13+$0xFFFFFFF0];
	[tilespmem:s31+$0xFFFFFFF0] =	vst v6  }
0x51: {  	v5 =	vld [tilespmem:s13+$0x30];
	[tilespmem:s31+$0x0] =	vst v1  }
0x52: {  	v7 =	vld [tilespmem:s13+$0x10];
	[tilespmem:s31+$0x20] =	vst v2  }
0x53: {  	v6 =	vld [tilespmem:s13+$0xFFFFFFC0];
	[tilespmem:s31+$0xFFFFFFD0] =	vst v3;
	s31 =	smov.u32 s13  }
0x54: {  	v1 =	vld.idx.msk [tilespmem:v4+s22+$0x0], $0xffff  }
0x55: {  	v9 =	vld [tilespmem:s13+$0xFFFFFFE0]  }
0x56: {  	v2 =	vld [tilespmem:s13+$0x20]  }
.Ltmp0:
0x57: {  	v3 =	vld [tilespmem:s13+$0xFFFFFFD0];
	(pc) =	sbr.rel @p3 .LBB2_3-.Ltmp0, $3  }
0x58: {  	v4 =	vld [tilespmem:s13+$0x0];
	_ =	sdelay $0x1  }
0x59: {  	v6 =	vmul.f32 v6, v1;
	v8 =	vmul.f32 v5, v1  }
0x5a: {  	v7 =	vmul.f32 v7, v1;
	v5 =	vmul.f32 v9, v1  }
0x5b: {  	[tilespmem:s31+$0x30] =	vst v8  }
0x5c: {  	[tilespmem:s31+$0xFFFFFFC0] =	vst v6  }
0x5d: {  	v0 =	vmul.f32 v0, v1;
	[tilespmem:s31+$0x10] =	vst v7  }
0x5e: {  	v2 =	vmul.f32 v2, v1;
	[tilespmem:s31+$0xFFFFFFE0] =	vst v5  }
0x5f: {  	v4 =	vmul.f32 v4, v1;
	[tilespmem:s31+$0xFFFFFFF0] =	vst v0  }
0x60: {  	v0 =	vmul.f32 v3, v1;
	[tilespmem:s31+$0x20] =	vst v2  }
0x61: {  	[tilespmem:s31+$0x0] =	vst v4  }
0x62: {  	[tilespmem:s31+$0xFFFFFFD0] =	vst v0  }
0x63: {  	[spmem:s1] =	stream.indirect.scatter.add.f32 [tilespmem:s21], [sflag:$0x5], $0x80, s19, s20, $0xb8;
	[tilespmem:$0x1C580] =	vst v63  }
0x64: {  	_ =	swait.ge [sflag:s30], $0x3E80  }
0x65: {  	[sflag:s30] =	ssyncset.done $0x0  }
0x66: {  	s0 =	simm.s32 $0x100;
	[sflag:s30] =	ssyncadd.s32 $0xFFFFC180  }
0x67: {  	[tilespmem:s21], [sflag:$0x1] =	stream.indirect.gather [hbm4b:s4+s20], $0x80, s0, s20, $0xb8;
	[tilespmem:$0x1C580] =	vst v63  }
0x68: {  	s13 =	simm.s32 $0x500  }
0x69: {  	[tilespmem:s22], [sflag:$0x3] =	stream.indirect.gather [hbm4b:s5+s20], $0x1, s13, s20, $0xb8;
	[tilespmem:$0x1C580] =	vst v63  }
0x6a: {  	_ =	swait.ge [sflag:s9], $0x7D  }
0x6b: {  	[sflag:s9] =	ssyncset.done $0x0  }
0x6c: {  	[sflag:s9] =	ssyncadd.s32 $0xFFFFFF83  }
0x6d: {  	s15 =	simm.s32 $0x0;
	_ =	swait.ge [sflag:s12], $0x3E80  }
0x6e: {  	v0 =	vmov s15;
	[sflag:s12] =	ssyncset.done $0x0  }
0x6f: {  	s31 =	simm.s32 $0x4C40;
	[sflag:s12] =	ssyncadd.s32 $0xFFFFC180  }
0x70: {  	v4 =	vld [tilespmem:s31+$0x30]  }
0x71: {  	v7 =	vld [tilespmem:s31+$0x10]  }
0x72: {  	v5 =	vld [tilespmem:s31+$0xFFFFFFC0]  }
0x73: {  	v1 =	vld.idx.msk [tilespmem:v0+s26+$0x0], $0xffff  }
0x74: {  	v9 =	vld [tilespmem:s31+$0xFFFFFFE0]  }
0x75: {  	v0 =	vld [tilespmem:s31+$0xFFFFFFF0]  }
0x76: {  	v2 =	vld [tilespmem:s31+$0x20]  }
0x77: {  	v3 =	vld [tilespmem:s31+$0xFFFFFFD0]  }
0x78: {  	v8 =	vmul.f32 v4, v1;
	v4 =	vld [tilespmem:s31+$0x0]  }
0x79: {  	v6 =	vmul.f32 v5, v1  }
0x7a: {  	s0 =	simm.s32 $0x1;
	s13 =	simm.s32 $0x4C40;
	v5 =	vmul.f32 v9, v1;
	v7 =	vmul.f32 v7, v1  }
.LBB2_5:
0x7b: {  	p3 =	sne.s32 s0, $0x7C  }
0x7c: {  	v3 =	vmul.f32 v3, v1;
	v2 =	vmul.f32 v2, v1;
	[tilespmem:s31+$0x30] =	vst v8;
	s13 =	sadd.s32 $0x80, s13;
	s15 =	smov.u32 s0;
	s0 =	sadd.s32 $0x1, s0  }
0x7d: {  	[tilespmem:s31+$0xFFFFFFC0] =	vst v6;
	v6 =	vmul.f32 v0, v1;
	v1 =	vmul.f32 v4, v1  }
0x7e: {  	[tilespmem:s31+$0x10] =	vst v7  }
0x7f: {  	v4 =	vmov s15;
	[tilespmem:s31+$0xFFFFFFE0] =	vst v5  }
0x80: {  	v0 =	vld [tilespmem:s13+$0xFFFFFFF0];
	[tilespmem:s31+$0xFFFFFFF0] =	vst v6  }
0x81: {  	v5 =	vld [tilespmem:s13+$0x30];
	[tilespmem:s31+$0x0] =	vst v1  }
0x82: {  	v7 =	vld [tilespmem:s13+$0x10];
	[tilespmem:s31+$0x20] =	vst v2  }
0x83: {  	v6 =	vld [tilespmem:s13+$0xFFFFFFC0];
	[tilespmem:s31+$0xFFFFFFD0] =	vst v3;
	s31 =	smov.u32 s13  }
0x84: {  	v1 =	vld.idx.msk [tilespmem:v4+s26+$0x0], $0xffff  }
0x85: {  	v9 =	vld [tilespmem:s13+$0xFFFFFFE0]  }
0x86: {  	v2 =	vld [tilespmem:s13+$0x20]  }
.Ltmp1:
0x87: {  	v3 =	vld [tilespmem:s13+$0xFFFFFFD0];
	(pc) =	sbr.rel @p3 .LBB2_5-.Ltmp1, $3  }
0x88: {  	v4 =	vld [tilespmem:s13+$0x0];
	_ =	sdelay $0x1  }
0x89: {  	v6 =	vmul.f32 v6, v1;
	v8 =	vmul.f32 v5, v1  }
0x8a: {  	v7 =	vmul.f32 v7, v1;
	v5 =	vmul.f32 v9, v1  }
0x8b: {  	[tilespmem:s31+$0x30] =	vst v8  }
0x8c: {  	[tilespmem:s31+$0xFFFFFFC0] =	vst v6  }
0x8d: {  	v0 =	vmul.f32 v0, v1;
	[tilespmem:s31+$0x10] =	vst v7  }
0x8e: {  	v2 =	vmul.f32 v2, v1;
	[tilespmem:s31+$0xFFFFFFE0] =	vst v5  }
0x8f: {  	v4 =	vmul.f32 v4, v1;
	[tilespmem:s31+$0xFFFFFFF0] =	vst v0  }
0x90: {  	v0 =	vmul.f32 v3, v1;
	[tilespmem:s31+$0x20] =	vst v2  }
0x91: {  	[tilespmem:s31+$0x0] =	vst v4  }
0x92: {  	s0 =	simm.s32 $0x880;
	[tilespmem:s31+$0xFFFFFFD0] =	vst v0  }
0x93: {  	[spmem:s1] =	stream.indirect.scatter.add.f32 [tilespmem:s24], [sflag:$0x6], $0x80, s0, s20, $0xb8;
	[tilespmem:$0x1C580] =	vst v63  }
0x94: {  	_ =	swait.ge [sflag:s14], $0x3E80  }
0x95: {  	[sflag:s14] =	ssyncset.done $0x0  }
0x96: {  	s15 =	simm.s32 $0x180;
	[sflag:s14] =	ssyncadd.s32 $0xFFFFC180  }
0x97: {  	[tilespmem:s24], [sflag:$0x2] =	stream.indirect.gather [hbm4b:s4+s20], $0x80, s15, s20, $0xb8;
	[tilespmem:$0x1C580] =	vst v63  }
0x98: {  	s13 =	simm.s32 $0x580  }
0x99: {  	[tilespmem:s26], [sflag:$0x4] =	stream.indirect.gather [hbm4b:s5+s20], $0x1, s13, s20, $0xb8;
	[tilespmem:$0x1C580] =	vst v63  }
0x9a: {  	_ =	swait.ge [sflag:s28], $0x7D  }
0x9b: {  	[sflag:s28] =	ssyncset.done $0x0  }
0x9c: {  	[sflag:s28] =	ssyncadd.s32 $0xFFFFFF83  }
0x9d: {  	s15 =	simm.s32 $0x0;
	_ =	swait.ge [sflag:s29], $0x3E80  }
0x9e: {  	v0 =	vmov s15;
	[sflag:s29] =	ssyncset.done $0x0  }
0x9f: {  	s31 =	simm.s32 $0xC40;
	[sflag:s29] =	ssyncadd.s32 $0xFFFFC180  }
0xa0: {  	v4 =	vld [tilespmem:s31+$0x30]  }
0xa1: {  	v7 =	vld [tilespmem:s31+$0x10]  }
0xa2: {  	v5 =	vld [tilespmem:s31+$0xFFFFFFC0]  }
0xa3: {  	v1 =	vld.idx.msk [tilespmem:v0+s22+$0x0], $0xffff  }
0xa4: {  	v9 =	vld [tilespmem:s31+$0xFFFFFFE0]  }
0xa5: {  	v0 =	vld [tilespmem:s31+$0xFFFFFFF0]  }
0xa6: {  	v2 =	vld [tilespmem:s31+$0x20]  }
0xa7: {  	v3 =	vld [tilespmem:s31+$0xFFFFFFD0]  }
0xa8: {  	v8 =	vmul.f32 v4, v1;
	v4 =	vld [tilespmem:s31+$0x0]  }
0xa9: {  	v6 =	vmul.f32 v5, v1  }
0xaa: {  	s0 =	simm.s32 $0x1;
	s13 =	simm.s32 $0xC40;
	v5 =	vmul.f32 v9, v1;
	v7 =	vmul.f32 v7, v1  }
.LBB2_7:
0xab: {  	p3 =	sne.s32 s0, $0x7C  }
0xac: {  	v3 =	vmul.f32 v3, v1;
	v2 =	vmul.f32 v2, v1;
	[tilespmem:s31+$0x30] =	vst v8;
	s13 =	sadd.s32 $0x80, s13;
	s15 =	smov.u32 s0;
	s0 =	sadd.s32 $0x1, s0  }
0xad: {  	[tilespmem:s31+$0xFFFFFFC0] =	vst v6;
	v6 =	vmul.f32 v0, v1;
	v1 =	vmul.f32 v4, v1  }
0xae: {  	[tilespmem:s31+$0x10] =	vst v7  }
0xaf: {  	v4 =	vmov s15;
	[tilespmem:s31+$0xFFFFFFE0] =	vst v5  }
0xb0: {  	v0 =	vld [tilespmem:s13+$0xFFFFFFF0];
	[tilespmem:s31+$0xFFFFFFF0] =	vst v6  }
0xb1: {  	v5 =	vld [tilespmem:s13+$0x30];
	[tilespmem:s31+$0x0] =	vst v1  }
0xb2: {  	v7 =	vld [tilespmem:s13+$0x10];
	[tilespmem:s31+$0x20] =	vst v2  }
0xb3: {  	v6 =	vld [tilespmem:s13+$0xFFFFFFC0];
	[tilespmem:s31+$0xFFFFFFD0] =	vst v3;
	s31 =	smov.u32 s13  }
0xb4: {  	v1 =	vld.idx.msk [tilespmem:v4+s22+$0x0], $0xffff  }
0xb5: {  	v9 =	vld [tilespmem:s13+$0xFFFFFFE0]  }
0xb6: {  	v2 =	vld [tilespmem:s13+$0x20]  }
.Ltmp2:
0xb7: {  	v3 =	vld [tilespmem:s13+$0xFFFFFFD0];
	(pc) =	sbr.rel @p3 .LBB2_7-.Ltmp2, $3  }
0xb8: {  	v4 =	vld [tilespmem:s13+$0x0];
	_ =	sdelay $0x1  }
0xb9: {  	v6 =	vmul.f32 v6, v1;
	v8 =	vmul.f32 v5, v1  }
0xba: {  	v7 =	vmul.f32 v7, v1;
	v5 =	vmul.f32 v9, v1  }
0xbb: {  	[tilespmem:s31+$0x30] =	vst v8  }
0xbc: {  	[tilespmem:s31+$0xFFFFFFC0] =	vst v6  }
0xbd: {  	v0 =	vmul.f32 v0, v1;
	[tilespmem:s31+$0x10] =	vst v7  }
0xbe: {  	v2 =	vmul.f32 v2, v1;
	[tilespmem:s31+$0xFFFFFFE0] =	vst v5  }
0xbf: {  	v4 =	vmul.f32 v4, v1;
	[tilespmem:s31+$0xFFFFFFF0] =	vst v0  }
0xc0: {  	v0 =	vmul.f32 v3, v1;
	[tilespmem:s31+$0x20] =	vst v2  }
0xc1: {  	[tilespmem:s31+$0x0] =	vst v4  }
0xc2: {  	s0 =	simm.s32 $0x900;
	[tilespmem:s31+$0xFFFFFFD0] =	vst v0  }
0xc3: {  	[spmem:s1] =	stream.indirect.scatter.add.f32 [tilespmem:s21], [sflag:$0x5], $0x80, s0, s20, $0xb8;
	[tilespmem:$0x1C580] =	vst v63  }
0xc4: {  	_ =	swait.ge [sflag:s30], $0x3E80  }
0xc5: {  	[sflag:s30] =	ssyncset.done $0x0  }
0xc6: {  	s15 =	simm.s32 $0x200;
	[sflag:s30] =	ssyncadd.s32 $0xFFFFC180  }
0xc7: {  	[tilespmem:s21], [sflag:$0x1] =	stream.indirect.gather [hbm4b:s4+s20], $0x80, s15, s20, $0xb8;
	[tilespmem:$0x1C580] =	vst v63  }
0xc8: {  	s13 =	simm.s32 $0x600  }
0xc9: {  	[tilespmem:s22], [sflag:$0x3] =	stream.indirect.gather [hbm4b:s5+s20], $0x1, s13, s20, $0xb8;
	[tilespmem:$0x1C580] =	vst v63  }
0xca: {  	_ =	swait.ge [sflag:s9], $0x7D  }
0xcb: {  	[sflag:s9] =	ssyncset.done $0x0  }
0xcc: {  	[sflag:s9] =	ssyncadd.s32 $0xFFFFFF83  }
0xcd: {  	s15 =	simm.s32 $0x0;
	_ =	swait.ge [sflag:s12], $0x3E80  }
0xce: {  	v0 =	vmov s15;
	[sflag:s12] =	ssyncset.done $0x0  }
0xcf: {  	s31 =	simm.s32 $0x4C40;
	[sflag:s12] =	ssyncadd.s32 $0xFFFFC180  }
0xd0: {  	v4 =	vld [tilespmem:s31+$0x30]  }
0xd1: {  	v7 =	vld [tilespmem:s31+$0x10]  }
0xd2: {  	v5 =	vld [tilespmem:s31+$0xFFFFFFC0]  }
0xd3: {  	v1 =	vld.idx.msk [tilespmem:v0+s26+$0x0], $0xffff  }
0xd4: {  	v9 =	vld [tilespmem:s31+$0xFFFFFFE0]  }
0xd5: {  	v0 =	vld [tilespmem:s31+$0xFFFFFFF0]  }
0xd6: {  	v2 =	vld [tilespmem:s31+$0x20]  }
0xd7: {  	v3 =	vld [tilespmem:s31+$0xFFFFFFD0]  }
0xd8: {  	v8 =	vmul.f32 v4, v1;
	v4 =	vld [tilespmem:s31+$0x0]  }
0xd9: {  	v6 =	vmul.f32 v5, v1  }
0xda: {  	s0 =	simm.s32 $0x1;
	s13 =	simm.s32 $0x4C40;
	v5 =	vmul.f32 v9, v1;
	v7 =	vmul.f32 v7, v1  }
.LBB2_9:
0xdb: {  	p3 =	sne.s32 s0, $0x7C  }
0xdc: {  	v3 =	vmul.f32 v3, v1;
	v2 =	vmul.f32 v2, v1;
	[tilespmem:s31+$0x30] =	vst v8;
	s13 =	sadd.s32 $0x80, s13;
	s15 =	smov.u32 s0;
	s0 =	sadd.s32 $0x1, s0  }
0xdd: {  	[tilespmem:s31+$0xFFFFFFC0] =	vst v6;
	v6 =	vmul.f32 v0, v1;
	v1 =	vmul.f32 v4, v1  }
0xde: {  	[tilespmem:s31+$0x10] =	vst v7  }
0xdf: {  	v4 =	vmov s15;
	[tilespmem:s31+$0xFFFFFFE0] =	vst v5  }
0xe0: {  	v0 =	vld [tilespmem:s13+$0xFFFFFFF0];
	[tilespmem:s31+$0xFFFFFFF0] =	vst v6  }
0xe1: {  	v5 =	vld [tilespmem:s13+$0x30];
	[tilespmem:s31+$0x0] =	vst v1  }
0xe2: {  	v7 =	vld [tilespmem:s13+$0x10];
	[tilespmem:s31+$0x20] =	vst v2  }
0xe3: {  	v6 =	vld [tilespmem:s13+$0xFFFFFFC0];
	[tilespmem:s31+$0xFFFFFFD0] =	vst v3;
	s31 =	smov.u32 s13  }
0xe4: {  	v1 =	vld.idx.msk [tilespmem:v4+s26+$0x0], $0xffff  }
0xe5: {  	v9 =	vld [tilespmem:s13+$0xFFFFFFE0]  }
0xe6: {  	v2 =	vld [tilespmem:s13+$0x20]  }
.Ltmp3:
0xe7: {  	v3 =	vld [tilespmem:s13+$0xFFFFFFD0];
	(pc) =	sbr.rel @p3 .LBB2_9-.Ltmp3, $3  }
0xe8: {  	v4 =	vld [tilespmem:s13+$0x0];
	_ =	sdelay $0x1  }
0xe9: {  	v6 =	vmul.f32 v6, v1;
	v8 =	vmul.f32 v5, v1  }
0xea: {  	v7 =	vmul.f32 v7, v1;
	v5 =	vmul.f32 v9, v1  }
0xeb: {  	[tilespmem:s31+$0x30] =	vst v8  }
0xec: {  	[tilespmem:s31+$0xFFFFFFC0] =	vst v6  }
0xed: {  	v0 =	vmul.f32 v0, v1;
	[tilespmem:s31+$0x10] =	vst v7  }
0xee: {  	v2 =	vmul.f32 v2, v1;
	[tilespmem:s31+$0xFFFFFFE0] =	vst v5  }
0xef: {  	v4 =	vmul.f32 v4, v1;
	[tilespmem:s31+$0xFFFFFFF0] =	vst v0  }
0xf0: {  	v0 =	vmul.f32 v3, v1;
	[tilespmem:s31+$0x20] =	vst v2  }
0xf1: {  	[tilespmem:s31+$0x0] =	vst v4  }
0xf2: {  	s0 =	simm.s32 $0x980;
	[tilespmem:s31+$0xFFFFFFD0] =	vst v0  }
0xf3: {  	[spmem:s1] =	stream.indirect.scatter.add.f32 [tilespmem:s24], [sflag:$0x6], $0x80, s0, s20, $0xb8;
	[tilespmem:$0x1C580] =	vst v63  }
0xf4: {  	_ =	swait.ge [sflag:s14], $0x3E80  }
0xf5: {  	[sflag:s14] =	ssyncset.done $0x0  }
0xf6: {  	s15 =	simm.s32 $0x280;
	[sflag:s14] =	ssyncadd.s32 $0xFFFFC180  }
0xf7: {  	[tilespmem:s24], [sflag:$0x2] =	stream.indirect.gather [hbm4b:s4+s20], $0x80, s15, s20, $0xb8;
	[tilespmem:$0x1C580] =	vst v63  }
0xf8: {  	s13 =	simm.s32 $0x680  }
0xf9: {  	[tilespmem:s26], [sflag:$0x4] =	stream.indirect.gather [hbm4b:s5+s20], $0x1, s13, s20, $0xb8;
	[tilespmem:$0x1C580] =	vst v63  }
0xfa: {  	_ =	swait.ge [sflag:s28], $0x7D  }
0xfb: {  	[sflag:s28] =	ssyncset.done $0x0  }
0xfc: {  	[sflag:s28] =	ssyncadd.s32 $0xFFFFFF83  }
0xfd: {  	s15 =	simm.s32 $0x0;
	_ =	swait.ge [sflag:s29], $0x3E80  }
0xfe: {  	v0 =	vmov s15;
	[sflag:s29] =	ssyncset.done $0x0  }
0xff: {  	s31 =	simm.s32 $0xC40;
	[sflag:s29] =	ssyncadd.s32 $0xFFFFC180  }
0x100: {  	v4 =	vld [tilespmem:s31+$0x30]  }
0x101: {  	v7 =	vld [tilespmem:s31+$0x10]  }
0x102: {  	v5 =	vld [tilespmem:s31+$0xFFFFFFC0]  }
0x103: {  	v1 =	vld.idx.msk [tilespmem:v0+s22+$0x0], $0xffff  }
0x104: {  	v9 =	vld [tilespmem:s31+$0xFFFFFFE0]  }
0x105: {  	v0 =	vld [tilespmem:s31+$0xFFFFFFF0]  }
0x106: {  	v2 =	vld [tilespmem:s31+$0x20]  }
0x107: {  	v3 =	vld [tilespmem:s31+$0xFFFFFFD0]  }
0x108: {  	v8 =	vmul.f32 v4, v1;
	v4 =	vld [tilespmem:s31+$0x0]  }
0x109: {  	v6 =	vmul.f32 v5, v1  }
0x10a: {  	s0 =	simm.s32 $0x1;
	s13 =	simm.s32 $0xC40;
	v5 =	vmul.f32 v9, v1;
	v7 =	vmul.f32 v7, v1  }
.LBB2_11:
0x10b: {  	p3 =	sne.s32 s0, $0x7C  }
0x10c: {  	v3 =	vmul.f32 v3, v1;
	v2 =	vmul.f32 v2, v1;
	[tilespmem:s31+$0x30] =	vst v8;
	s13 =	sadd.s32 $0x80, s13;
	s15 =	smov.u32 s0;
	s0 =	sadd.s32 $0x1, s0  }
0x10d: {  	[tilespmem:s31+$0xFFFFFFC0] =	vst v6;
	v6 =	vmul.f32 v0, v1;
	v1 =	vmul.f32 v4, v1  }
0x10e: {  	[tilespmem:s31+$0x10] =	vst v7  }
0x10f: {  	v4 =	vmov s15;
	[tilespmem:s31+$0xFFFFFFE0] =	vst v5  }
0x110: {  	v0 =	vld [tilespmem:s13+$0xFFFFFFF0];
	[tilespmem:s31+$0xFFFFFFF0] =	vst v6  }
0x111: {  	v5 =	vld [tilespmem:s13+$0x30];
	[tilespmem:s31+$0x0] =	vst v1  }
0x112: {  	v7 =	vld [tilespmem:s13+$0x10];
	[tilespmem:s31+$0x20] =	vst v2  }
0x113: {  	v6 =	vld [tilespmem:s13+$0xFFFFFFC0];
	[tilespmem:s31+$0xFFFFFFD0] =	vst v3;
	s31 =	smov.u32 s13  }
0x114: {  	v1 =	vld.idx.msk [tilespmem:v4+s22+$0x0], $0xffff  }
0x115: {  	v9 =	vld [tilespmem:s13+$0xFFFFFFE0]  }
0x116: {  	v2 =	vld [tilespmem:s13+$0x20]  }
.Ltmp4:
0x117: {  	v3 =	vld [tilespmem:s13+$0xFFFFFFD0];
	(pc) =	sbr.rel @p3 .LBB2_11-.Ltmp4, $3  }
0x118: {  	v4 =	vld [tilespmem:s13+$0x0];
	_ =	sdelay $0x1  }
0x119: {  	v6 =	vmul.f32 v6, v1;
	v8 =	vmul.f32 v5, v1  }
0x11a: {  	v7 =	vmul.f32 v7, v1;
	v5 =	vmul.f32 v9, v1  }
0x11b: {  	[tilespmem:s31+$0x30] =	vst v8  }
0x11c: {  	[tilespmem:s31+$0xFFFFFFC0] =	vst v6  }
0x11d: {  	v0 =	vmul.f32 v0, v1;
	[tilespmem:s31+$0x10] =	vst v7  }
0x11e: {  	v2 =	vmul.f32 v2, v1;
	[tilespmem:s31+$0xFFFFFFE0] =	vst v5  }
0x11f: {  	v4 =	vmul.f32 v4, v1;
	[tilespmem:s31+$0xFFFFFFF0] =	vst v0  }
0x120: {  	v0 =	vmul.f32 v3, v1;
	[tilespmem:s31+$0x20] =	vst v2  }
0x121: {  	[tilespmem:s31+$0x0] =	vst v4  }
0x122: {  	s0 =	simm.s32 $0xA00;
	[tilespmem:s31+$0xFFFFFFD0] =	vst v0  }
0x123: {  	[spmem:s1] =	stream.indirect.scatter.add.f32 [tilespmem:s21], [sflag:$0x5], $0x80, s0, s20, $0xb8;
	[tilespmem:$0x1C580] =	vst v63  }
0x124: {  	_ =	swait.ge [sflag:s30], $0x3E80  }
0x125: {  	[sflag:s30] =	ssyncset.done $0x0  }
0x126: {  	s15 =	simm.s32 $0x300;
	[sflag:s30] =	ssyncadd.s32 $0xFFFFC180  }
0x127: {  	[tilespmem:s21], [sflag:$0x1] =	stream.indirect.gather [hbm4b:s4+s20], $0x80, s15, s20, $0xb8;
	[tilespmem:$0x1C580] =	vst v63  }
0x128: {  	s13 =	simm.s32 $0x700  }
0x129: {  	[tilespmem:s22], [sflag:$0x3] =	stream.indirect.gather [hbm4b:s5+s20], $0x1, s13, s20, $0xb8;
	[tilespmem:$0x1C580] =	vst v63  }
0x12a: {  	_ =	swait.ge [sflag:s9], $0x7D  }
0x12b: {  	[sflag:s9] =	ssyncset.done $0x0  }
0x12c: {  	[sflag:s9] =	ssyncadd.s32 $0xFFFFFF83  }
0x12d: {  	s15 =	simm.s32 $0x0;
	_ =	swait.ge [sflag:s12], $0x3E80  }
0x12e: {  	v0 =	vmov s15;
	[sflag:s12] =	ssyncset.done $0x0  }
0x12f: {  	s31 =	simm.s32 $0x4C40;
	[sflag:s12] =	ssyncadd.s32 $0xFFFFC180  }
0x130: {  	v4 =	vld [tilespmem:s31+$0x30]  }
0x131: {  	v7 =	vld [tilespmem:s31+$0x10]  }
0x132: {  	v5 =	vld [tilespmem:s31+$0xFFFFFFC0]  }
0x133: {  	v1 =	vld.idx.msk [tilespmem:v0+s26+$0x0], $0xffff  }
0x134: {  	v9 =	vld [tilespmem:s31+$0xFFFFFFE0]  }
0x135: {  	v0 =	vld [tilespmem:s31+$0xFFFFFFF0]  }
0x136: {  	v2 =	vld [tilespmem:s31+$0x20]  }
0x137: {  	v3 =	vld [tilespmem:s31+$0xFFFFFFD0]  }
0x138: {  	v8 =	vmul.f32 v4, v1;
	v4 =	vld [tilespmem:s31+$0x0]  }
0x139: {  	v6 =	vmul.f32 v5, v1  }
0x13a: {  	s0 =	simm.s32 $0x1;
	s13 =	simm.s32 $0x4C40;
	v5 =	vmul.f32 v9, v1;
	v7 =	vmul.f32 v7, v1  }
.LBB2_13:
0x13b: {  	p3 =	sne.s32 s0, $0x7C  }
0x13c: {  	v3 =	vmul.f32 v3, v1;
	v2 =	vmul.f32 v2, v1;
	[tilespmem:s31+$0x30] =	vst v8;
	s13 =	sadd.s32 $0x80, s13;
	s15 =	smov.u32 s0;
	s0 =	sadd.s32 $0x1, s0  }
0x13d: {  	[tilespmem:s31+$0xFFFFFFC0] =	vst v6;
	v6 =	vmul.f32 v0, v1;
	v1 =	vmul.f32 v4, v1  }
0x13e: {  	[tilespmem:s31+$0x10] =	vst v7  }
0x13f: {  	v4 =	vmov s15;
	[tilespmem:s31+$0xFFFFFFE0] =	vst v5  }
0x140: {  	v0 =	vld [tilespmem:s13+$0xFFFFFFF0];
	[tilespmem:s31+$0xFFFFFFF0] =	vst v6  }
0x141: {  	v5 =	vld [tilespmem:s13+$0x30];
	[tilespmem:s31+$0x0] =	vst v1  }
0x142: {  	v7 =	vld [tilespmem:s13+$0x10];
	[tilespmem:s31+$0x20] =	vst v2  }
0x143: {  	v6 =	vld [tilespmem:s13+$0xFFFFFFC0];
	[tilespmem:s31+$0xFFFFFFD0] =	vst v3;
	s31 =	smov.u32 s13  }
0x144: {  	v1 =	vld.idx.msk [tilespmem:v4+s26+$0x0], $0xffff  }
0x145: {  	v9 =	vld [tilespmem:s13+$0xFFFFFFE0]  }
0x146: {  	v2 =	vld [tilespmem:s13+$0x20]  }
.Ltmp5:
0x147: {  	v3 =	vld [tilespmem:s13+$0xFFFFFFD0];
	(pc) =	sbr.rel @p3 .LBB2_13-.Ltmp5, $3  }
0x148: {  	v4 =	vld [tilespmem:s13+$0x0];
	_ =	sdelay $0x1  }
0x149: {  	v6 =	vmul.f32 v6, v1;
	v8 =	vmul.f32 v5, v1  }
0x14a: {  	v7 =	vmul.f32 v7, v1;
	v5 =	vmul.f32 v9, v1  }
0x14b: {  	[tilespmem:s31+$0x30] =	vst v8  }
0x14c: {  	[tilespmem:s31+$0xFFFFFFC0] =	vst v6  }
0x14d: {  	v0 =	vmul.f32 v0, v1;
	[tilespmem:s31+$0x10] =	vst v7  }
0x14e: {  	v2 =	vmul.f32 v2, v1;
	[tilespmem:s31+$0xFFFFFFE0] =	vst v5  }
0x14f: {  	v4 =	vmul.f32 v4, v1;
	[tilespmem:s31+$0xFFFFFFF0] =	vst v0  }
0x150: {  	v0 =	vmul.f32 v3, v1;
	[tilespmem:s31+$0x20] =	vst v2  }
0x151: {  	[tilespmem:s31+$0x0] =	vst v4  }
0x152: {  	[tilespmem:s31+$0xFFFFFFD0] =	vst v0  }
0x153: {  	[spmem:s1] =	stream.indirect.scatter.add.f32 [tilespmem:s24], [sflag:$0x6], $0x80, s16, s20, $0xb8;
	[tilespmem:$0x1C580] =	vst v63  }
0x154: {  	_ =	swait.ge [sflag:s14], $0x3E80  }
0x155: {  	[sflag:s14] =	ssyncset.done $0x0  }
0x156: {  	[sflag:s14] =	ssyncadd.s32 $0xFFFFC180  }
0x157: {  	[tilespmem:s24], [sflag:$0x2] =	stream.indirect.gather [hbm4b:s4+s20], $0x80, s3, s20, $0xb8;
	[tilespmem:$0x1C580] =	vst v63  }
0x158: {  	_ = 	snop  }
0x159: {  	[tilespmem:s26], [sflag:$0x4] =	stream.indirect.gather [hbm4b:s5+s20], $0x1, s10, s20, $0xb8;
	[tilespmem:$0x1C580] =	vst v63  }
0x15a: {  	_ =	swait.ge [sflag:s28], $0x7D  }
0x15b: {  	[sflag:s28] =	ssyncset.done $0x0  }
0x15c: {  	[sflag:s28] =	ssyncadd.s32 $0xFFFFFF83  }
0x15d: {  	s0 =	simm.s32 $0x0;
	_ =	swait.ge [sflag:s29], $0x3E80  }
0x15e: {  	v0 =	vmov s0;
	[sflag:s29] =	ssyncset.done $0x0  }
0x15f: {  	s31 =	simm.s32 $0xC40;
	[sflag:s29] =	ssyncadd.s32 $0xFFFFC180  }
0x160: {  	v4 =	vld [tilespmem:s31+$0x30]  }
0x161: {  	v7 =	vld [tilespmem:s31+$0x10]  }
0x162: {  	v5 =	vld [tilespmem:s31+$0xFFFFFFC0]  }
0x163: {  	v1 =	vld.idx.msk [tilespmem:v0+s22+$0x0], $0xffff  }
0x164: {  	v9 =	vld [tilespmem:s31+$0xFFFFFFE0]  }
0x165: {  	v0 =	vld [tilespmem:s31+$0xFFFFFFF0]  }
0x166: {  	v2 =	vld [tilespmem:s31+$0x20]  }
0x167: {  	v3 =	vld [tilespmem:s31+$0xFFFFFFD0]  }
0x168: {  	v8 =	vmul.f32 v4, v1;
	v4 =	vld [tilespmem:s31+$0x0]  }
0x169: {  	v6 =	vmul.f32 v5, v1  }
0x16a: {  	s13 =	simm.s32 $0xC40;
	s0 =	simm.s32 $0x1;
	v5 =	vmul.f32 v9, v1;
	v7 =	vmul.f32 v7, v1  }
.LBB2_15:
0x16b: {  	p3 =	sne.s32 s0, $0x7C  }
0x16c: {  	v3 =	vmul.f32 v3, v1;
	v2 =	vmul.f32 v2, v1;
	[tilespmem:s31+$0x30] =	vst v8;
	s13 =	sadd.s32 $0x80, s13;
	s15 =	smov.u32 s0;
	s0 =	sadd.s32 $0x1, s0  }
0x16d: {  	[tilespmem:s31+$0xFFFFFFC0] =	vst v6;
	v6 =	vmul.f32 v0, v1;
	v1 =	vmul.f32 v4, v1  }
0x16e: {  	[tilespmem:s31+$0x10] =	vst v7  }
0x16f: {  	v4 =	vmov s15;
	[tilespmem:s31+$0xFFFFFFE0] =	vst v5  }
0x170: {  	v0 =	vld [tilespmem:s13+$0xFFFFFFF0];
	[tilespmem:s31+$0xFFFFFFF0] =	vst v6  }
0x171: {  	v5 =	vld [tilespmem:s13+$0x30];
	[tilespmem:s31+$0x0] =	vst v1  }
0x172: {  	v7 =	vld [tilespmem:s13+$0x10];
	[tilespmem:s31+$0x20] =	vst v2  }
0x173: {  	v6 =	vld [tilespmem:s13+$0xFFFFFFC0];
	[tilespmem:s31+$0xFFFFFFD0] =	vst v3;
	s31 =	smov.u32 s13  }
0x174: {  	v1 =	vld.idx.msk [tilespmem:v4+s22+$0x0], $0xffff  }
0x175: {  	v9 =	vld [tilespmem:s13+$0xFFFFFFE0]  }
0x176: {  	v2 =	vld [tilespmem:s13+$0x20]  }
.Ltmp6:
0x177: {  	v3 =	vld [tilespmem:s13+$0xFFFFFFD0];
	(pc) =	sbr.rel @p3 .LBB2_15-.Ltmp6, $3  }
0x178: {  	v4 =	vld [tilespmem:s13+$0x0];
	_ =	sdelay $0x1  }
0x179: {  	v6 =	vmul.f32 v6, v1;
	v8 =	vmul.f32 v5, v1  }
0x17a: {  	v7 =	vmul.f32 v7, v1;
	v5 =	vmul.f32 v9, v1  }
0x17b: {  	[tilespmem:s31+$0x30] =	vst v8  }
0x17c: {  	[tilespmem:s31+$0xFFFFFFC0] =	vst v6  }
0x17d: {  	v0 =	vmul.f32 v0, v1;
	[tilespmem:s31+$0x10] =	vst v7  }
0x17e: {  	v2 =	vmul.f32 v2, v1;
	[tilespmem:s31+$0xFFFFFFE0] =	vst v5  }
0x17f: {  	v4 =	vmul.f32 v4, v1;
	[tilespmem:s31+$0xFFFFFFF0] =	vst v0  }
0x180: {  	v0 =	vmul.f32 v3, v1;
	[tilespmem:s31+$0x20] =	vst v2  }
0x181: {  	[tilespmem:s31+$0x0] =	vst v4  }
0x182: {  	[tilespmem:s31+$0xFFFFFFD0] =	vst v0  }
0x183: {  	[spmem:s1] =	stream.indirect.scatter.add.f32 [tilespmem:s21], [sflag:$0x5], $0x80, s2, s20, $0xb8;
	[tilespmem:$0x1C580] =	vst v63  }
0x184: {  	_ =	swait.ge [sflag:s9], $0x7D  }
0x185: {  	[sflag:s9] =	ssyncset.done $0x0  }
0x186: {  	[sflag:s9] =	ssyncadd.s32 $0xFFFFFF83  }
0x187: {  	s0 =	simm.s32 $0x0;
	_ =	swait.ge [sflag:s12], $0x3E80  }
0x188: {  	v0 =	vmov s0;
	[sflag:s12] =	ssyncset.done $0x0  }
0x189: {  	s31 =	simm.s32 $0x4C40;
	[sflag:s12] =	ssyncadd.s32 $0xFFFFC180  }
0x18a: {  	v4 =	vld [tilespmem:s31+$0x30]  }
0x18b: {  	v7 =	vld [tilespmem:s31+$0x10]  }
0x18c: {  	v5 =	vld [tilespmem:s31+$0xFFFFFFC0]  }
0x18d: {  	v1 =	vld.idx.msk [tilespmem:v0+s26+$0x0], $0xffff  }
0x18e: {  	v9 =	vld [tilespmem:s31+$0xFFFFFFE0]  }
0x18f: {  	v0 =	vld [tilespmem:s31+$0xFFFFFFF0]  }
0x190: {  	v2 =	vld [tilespmem:s31+$0x20]  }
0x191: {  	v3 =	vld [tilespmem:s31+$0xFFFFFFD0]  }
0x192: {  	v8 =	vmul.f32 v4, v1;
	v4 =	vld [tilespmem:s31+$0x0]  }
0x193: {  	v6 =	vmul.f32 v5, v1  }
0x194: {  	s13 =	simm.s32 $0x4C40;
	s0 =	simm.s32 $0x1;
	v5 =	vmul.f32 v9, v1;
	v7 =	vmul.f32 v7, v1  }
.LBB2_17:
0x195: {  	p3 =	sne.s32 s0, $0x7C  }
0x196: {  	v3 =	vmul.f32 v3, v1;
	v2 =	vmul.f32 v2, v1;
	[tilespmem:s31+$0x30] =	vst v8;
	s13 =	sadd.s32 $0x80, s13;
	s15 =	smov.u32 s0;
	s0 =	sadd.s32 $0x1, s0  }
0x197: {  	[tilespmem:s31+$0xFFFFFFC0] =	vst v6;
	v6 =	vmul.f32 v0, v1;
	v1 =	vmul.f32 v4, v1  }
0x198: {  	[tilespmem:s31+$0x10] =	vst v7  }
0x199: {  	v4 =	vmov s15;
	[tilespmem:s31+$0xFFFFFFE0] =	vst v5  }
0x19a: {  	v0 =	vld [tilespmem:s13+$0xFFFFFFF0];
	[tilespmem:s31+$0xFFFFFFF0] =	vst v6  }
0x19b: {  	v5 =	vld [tilespmem:s13+$0x30];
	[tilespmem:s31+$0x0] =	vst v1  }
0x19c: {  	v7 =	vld [tilespmem:s13+$0x10];
	[tilespmem:s31+$0x20] =	vst v2  }
0x19d: {  	v6 =	vld [tilespmem:s13+$0xFFFFFFC0];
	[tilespmem:s31+$0xFFFFFFD0] =	vst v3;
	s31 =	smov.u32 s13  }
0x19e: {  	v1 =	vld.idx.msk [tilespmem:v4+s26+$0x0], $0xffff  }
0x19f: {  	v9 =	vld [tilespmem:s13+$0xFFFFFFE0]  }
0x1a0: {  	v2 =	vld [tilespmem:s13+$0x20]  }
.Ltmp7:
0x1a1: {  	v3 =	vld [tilespmem:s13+$0xFFFFFFD0];
	(pc) =	sbr.rel @p3 .LBB2_17-.Ltmp7, $3  }
0x1a2: {  	v4 =	vld [tilespmem:s13+$0x0];
	_ =	sdelay $0x1  }
0x1a3: {  	v6 =	vmul.f32 v6, v1;
	v8 =	vmul.f32 v5, v1  }
0x1a4: {  	v7 =	vmul.f32 v7, v1;
	v5 =	vmul.f32 v9, v1  }
0x1a5: {  	[tilespmem:s31+$0x30] =	vst v8  }
0x1a6: {  	[tilespmem:s31+$0xFFFFFFC0] =	vst v6  }
0x1a7: {  	v0 =	vmul.f32 v0, v1;
	[tilespmem:s31+$0x10] =	vst v7  }
0x1a8: {  	v2 =	vmul.f32 v2, v1;
	[tilespmem:s31+$0xFFFFFFE0] =	vst v5  }
0x1a9: {  	v63 =	vmul.f32 v3, v1;
	[tilespmem:s31+$0xFFFFFFF0] =	vst v0  }
0x1aa: {  	v4 =	vmul.f32 v4, v1;
	[tilespmem:s31+$0x20] =	vst v2  }
0x1ab: {  	[tilespmem:s31+$0xFFFFFFD0] =	vst v63  }
0x1ac: {  	s25 =	sadd.s32 $0x1, s25;
	[tilespmem:s31+$0x0] =	vst v4  }
0x1ad: {  	[spmem:s1] =	stream.indirect.scatter.add.f32 [tilespmem:s24], [sflag:$0x6], $0x80, s23, s20, $0xb8;
	[tilespmem:$0x1C580] =	vst v63  }
0x1ae: {  	p3 =	sne.s32 s25, $0xA;
	_ =	swait.ge [sflag:s30], $0x3E80  }
.Ltmp8:
0x1af: {  	[sflag:s30] =	ssyncset.done $0x0;
	(pc) =	sbr.rel @p3 .LBB2_2-.Ltmp8, $4  }
0x1b0: {  	[sflag:s30] =	ssyncadd.s32 $0xFFFFC180  }
0x1b1: {  	_ =	swait.ge [sflag:s14], $0x3E80  }
0x1b2: {  	[sflag:s14] =	ssyncset.done $0x0  }
0x1b3: {  	[sflag:s14] =	ssyncadd.s32 $0xFFFFC180  }
0x1b4: {  	s15 =	stileid.u32;
	[bflag:$0x0] =	sbarrier.arrive $0xFFFF  }
0x1b5: {  	s0 =	sshll.u32 @p0 s15, $0x6;
	s31 =	rddreg [dreg:$0x6]  }
0x1b6: {  	s25 =	rddreg [dreg:$0x7];
	s0 =	sor.u32 @p0 $0x1C07, s0;
	s13 =	sshrl.u32 @p0 s31, $0x3  }
0x1b7: {  	[hbm:s25], [sflag:s0] =	dma.local @p0 [spmem:s13], $0x3E80  }
0x1b8: {  	s0 =	simm.s32 @p0 $0x7  }
0x1b9: {  	_ =	swait.ge @p0 [sflag:s0], $0x3E80  }
0x1ba: {  	s13 =	sshll.u32 @p2 s15, $0x6;
	[sflag:s0] =	ssyncset.done @p0 $0x0;
	s15 =	rddreg [dreg:$0x8]  }
0x1bb: {  	[sflag:s0] =	ssyncadd.s32 @p0 $0xFFFFC180;
	s0 =	sor.u32 @p2 $0x1C07, s13;
	s13 =	sshrl.u32 @p2 s31, $0x3  }
0x1bc: {  	[hbm:s15], [sflag:s0] =	dma.local @p2 [spmem:s13], $0x3E80  }
0x1bd: {  	s0 =	simm.s32 @p2 $0x7  }
0x1be: {  	_ =	swait.ge @p2 [sflag:s0], $0x3E80  }
0x1bf: {  	s13 =	rddreg [dreg:$0x4]  }
0x1c0: {  	s31 =	rddreg [dreg:$0x9];
	s15 =	sadd.s32 $0x1, s13  }
0x1c1: {  	p3 =	sne.s32 s15, s31  }
.Ltmp9:
0x1c2: {  	_ = 	snop;
	(pc) =	sbr.rel @p3 .LBB2_1-.Ltmp9, $3  }
0x1c3: {  	_ =	sdelay $0x1  }
0x1c4: {  	[sflag:s0] =	ssyncset.done @p2 $0x0  }
0x1c5: {  	s25 =	stileid.u32;
	[sflag:s0] =	ssyncadd.s32 @p2 $0xFFFFC180  }
0x1c6: {  	_ =	sfence.sel $0x180000  }
0x1c7: {  	[bflag:$0x0] =	sbarrier.arrive $0xFFFF  }
0x1c8: {  	_ =	strace $0x9000004A  }
0x1c9: {  	[bflag:$0x2] =	sbarrier.arrive $0xFFFF  }
0x1ca: {  	p0 =	sne.s32 s25, $0x0;
	s0 =	rddreg [dreg:$0x3]  }
0x1cb: {  	s0 =	sadd.s32 @!p0 $0x100000, s0  }
0x1cc: {  	[sflag:s0] =	ssyncadd.tile.s32 @!p0 $0x1;
	_ =	shalt  }
.Lfunc_end2:
_tile_overlayer_lowered:
.L_overlay_start_2:
0x1cd: {  	(tag) =	ssettag $0x2  }
0x1ce: {  	s0 =	rddreg [dreg:$0x0];
	s2 =	stileid.u32  }
0x1cf: {  	s1 =	rddreg [dreg:$0x1];
	p0 =	sne.s32 s2, $0x0  }
0x1d0: {  	s3 =	rddreg [dreg:$0x2];
	[bflag:$0x3] =	sbarrier.arrive $0xFFFF;
	s2 =	simm.s32 @!p0 $0x1C07  }
0x1d1: {  	[timem:s3], [sflag:s2] =	dma.local @!p0 [hbm:s0], s1  }
0x1d2: {  	s0 =	simm.s32 @!p0 $0x7  }
0x1d3: {  	_ =	swait.ge @!p0 [sflag:s0], s1  }
0x1d4: {  	s1 =	ssub.s32 @!p0 $0x0, s1;
	[sflag:s0] =	ssyncset.done @!p0 $0x0  }
0x1d5: {  	[sflag:s0] =	ssyncadd.s32 @!p0 s1  }
0x1d6: {  	[bflag:$0x3] =	sbarrier.arrive $0xFFFF  }
0x1d7: {  	_ =	shalt  }

</sc_bundles>
